<compile_context>
chip_gen: v7x
topology: tpu7x:2x2x1
jax: 0.10.2.dev20260603
libtpu: 0.0.44.dev20260713+nightly
codegen_flags: <defaults>
</compile_context>

<pallas_src>
import functools

import jax
import jax.numpy as jnp
from jax import lax
from jax.experimental import pallas as pl
from jax.experimental.pallas import tpu as pltpu
from jax.experimental.pallas import tpu_sc as plsc

_N_KF = 8
_N_MP = 32
_FX = 320.0
_FY = 320.0
_CX = 320.0
_CY = 240.0
_L = 16


@functools.lru_cache(maxsize=None)
def _build_sc_call(m: int):
    info = plsc.get_sparse_core_info()
    nc, ns = info.num_cores, info.num_subcores
    nw = nc * ns
    assert m % (nw * _L) == 0
    ch = m // nw
    n_it = ch // _L
    hf = ch // 2

    mesh = plsc.VectorSubcoreMesh(core_axis_name="c", subcore_axis_name="s")

    @functools.partial(
        pl.kernel,
        out_type=jax.ShapeDtypeStruct((2 * m,), jnp.float32),
        mesh=mesh,
        scratch_types=[
            pltpu.VMEM((ch,), jnp.int32),
            pltpu.VMEM((ch,), jnp.int32),
            pltpu.VMEM((2 * ch,), jnp.float32),
            pltpu.VMEM((_N_KF * _N_MP,), jnp.float32),
            pltpu.VMEM((_N_KF * _N_MP,), jnp.float32),
            pltpu.VMEM((_L,), jnp.int32),
            pltpu.VMEM((_N_MP,), jnp.int32),
            pltpu.VMEM((3 * _N_MP,), jnp.float32),
            pltpu.VMEM((_N_KF * 16,), jnp.float32),
            pltpu.VMEM((_L,), jnp.int32),
            pltpu.VMEM((_N_MP,), jnp.int32),
            pltpu.SemaphoreType.DMA,
            pltpu.SemaphoreType.DMA,
            pltpu.SemaphoreType.DMA,
            pltpu.SemaphoreType.DMA,
            pltpu.SemaphoreType.DMA,
            pltpu.SemaphoreType.DMA,
        ],
        compiler_params=pltpu.CompilerParams(needs_layout_passes=False),
    )
    def sc_call(kf_hbm, mp_hbm, tmpt_hbm, tkf_hbm, idxkf_hbm, idxmp_hbm,
                out_hbm, inkf, inmp, outb, tblx, tbly,
                poskf, posmp, tmpt, tkf, idxkf, idxmp,
                sem_in0, sem_in1, sem_in2, sem_in3, sem_out, sem_tbl):
        wid = lax.axis_index("s") * nc + lax.axis_index("c")
        base = wid * jnp.int32(ch)
        sem_ins = (sem_in0, sem_in1, sem_in2, sem_in3)
        qtr = ch // 4

        tw = [pltpu.async_copy(s, d, sem_tbl)
              for s, d in ((tmpt_hbm, tmpt), (tkf_hbm, tkf),
                           (idxkf_hbm, idxkf), (idxmp_hbm, idxmp))]
        inw = []
        for q in range(4):
            o = q * qtr
            inw.append((
                pltpu.async_copy(kf_hbm.at[pl.ds(base + jnp.int32(o), qtr)],
                                 inkf.at[pl.ds(o, qtr)], sem_ins[q]),
                pltpu.async_copy(mp_hbm.at[pl.ds(base + jnp.int32(o), qtr)],
                                 inmp.at[pl.ds(o, qtr)], sem_ins[q])))
        for w in tw:
            w.wait()

        iota = lax.iota(jnp.int32, _L)

        plsc.store_scatter(poskf, [idxkf[...]], iota)
        plsc.store_scatter(posmp, [idxmp[pl.ds(0, _L)]], iota)
        plsc.store_scatter(posmp, [idxmp[pl.ds(_L, _L)]], iota + _L)

        xp, yp, zp = [], [], []
        for h in range(2):
            pos = posmp[pl.ds(h * _L, _L)]
            xp.append(plsc.load_gather(tmpt, [pos]))
            yp.append(plsc.load_gather(tmpt, [pos + _N_MP]))
            zp.append(plsc.load_gather(tmpt, [pos + 2 * _N_MP]))

        pk = poskf[...]
        for v in range(_N_KF):
            row = tkf[pl.ds(pk[v] * jnp.int32(16), 16)]
            a00 = row[0]; a01 = row[1]; a02 = row[2]; a03 = row[3]
            a10 = row[4]; a11 = row[5]; a12 = row[6]; a13 = row[7]
            a20 = row[8]; a21 = row[9]; a22 = row[10]; a23 = row[11]
            for h in range(2):
                r0 = a00 * xp[h] + a01 * yp[h] + a02 * zp[h] + a03
                r1 = a10 * xp[h] + a11 * yp[h] + a12 * zp[h] + a13
                r2 = a20 * xp[h] + a21 * yp[h] + a22 * zp[h] + a23
                inv = 1.0 / r2
                tb = v * _N_MP + h * _L
                tblx[pl.ds(tb, _L)] = r0 * inv * _FX + _CX
                tbly[pl.ds(tb, _L)] = r1 * inv * _FY + _CY

        def body(i, carry):
            for u in range(2):
                k = jnp.int32(2) * i + jnp.int32(u)
                off = k * jnp.int32(_L)
                off2 = (jnp.right_shift(k, 3) * jnp.int32(256)
                        + jnp.bitwise_and(k, 7) * jnp.int32(_L))
                idx = (jnp.left_shift(inkf[pl.ds(off, _L)], 5)
                       + inmp[pl.ds(off, _L)])
                outb[pl.ds(off2, _L)] = plsc.load_gather(tblx, [idx])
                outb[pl.ds(off2 + jnp.int32(128), _L)] = plsc.load_gather(tbly, [idx])
            return carry

        nq = n_it // 4
        outw = []
        for q in range(4):
            inw[q][0].wait()
            inw[q][1].wait()
            lax.fori_loop(jnp.int32(q * nq // 2), jnp.int32((q + 1) * nq // 2),
                          body, jnp.int32(0))
            o2 = 2 * q * qtr
            outw.append(pltpu.async_copy(
                outb.at[pl.ds(o2, 2 * qtr)],
                out_hbm.at[pl.ds(2 * base + jnp.int32(o2), 2 * qtr)], sem_out))
        for w in outw:
            w.wait()

    return sc_call


def kernel(measurements, tMP, tKF, idxMP, idxKF):
    m = measurements.shape[0]
    out_dtype = jnp.promote_types(tMP.dtype, tKF.dtype)
    kf = measurements[:, 0].astype(jnp.int32)
    mp = measurements[:, 1].astype(jnp.int32)
    tmpt = tMP.astype(jnp.float32).T.reshape(-1)
    tkf = tKF.astype(jnp.float32).reshape(-1)
    idxkf = jnp.concatenate(
        [idxKF.astype(jnp.int32),
         jnp.arange(_N_KF, _L, dtype=jnp.int32)])
    idxmp = idxMP.astype(jnp.int32)
    out = _build_sc_call(m)(kf, mp, tmpt, tkf, idxkf, idxmp)
    out = out.reshape(m // 128, 2, 128).transpose(0, 2, 1).reshape(m, 2)
    return out.astype(out_dtype)

# --- scband reference (transcript-rebuilt; emitter-appended) ---
"""Pipeline reference for scband-bagdnet-33432025432405 (READ-ONLY COPY).

The authoritative reference and input builder live on the scoring server;
editing this copy changes nothing except your own understanding.
"""

import jax, jax.numpy as jnp
import numpy as np
jax.config.update("jax_enable_x64", True)

N_MP = 32
N_KF = 8
M = 524288

def setup_inputs(seed: int = 0) -> dict:
    key = jax.random.key(seed)
    measurements = jax.random.randint(key, (M, 2), 0, N_KF, dtype=jnp.int64)
    i_mp = jnp.arange(N_MP, dtype=jnp.float64)
    tMP = jnp.stack([0.1 * i_mp - 1.5, 0.2 * i_mp - 3.0, 2.0 + 0.1 * i_mp], axis=1)  # [N_MP, 3] double
    i_kf = jnp.arange(N_KF, dtype=jnp.float64)
    tKF = jnp.broadcast_to(jnp.eye(4, dtype=jnp.float64), (N_KF, 4, 4))
    trans = jnp.stack([0.05 * i_kf, -0.05 * i_kf, 0.1 * i_kf], axis=1)
    tKF = tKF.at[:, :3, 3].set(trans)  # [N_KF, 4, 4] double, identity rot + translation
    idxMP = jnp.arange(N_MP, dtype=jnp.int32)
    idxKF = jnp.arange(N_KF, dtype=jnp.int32)
    return {"measurements": measurements, "tMP": tMP, "tKF": tKF, "idxMP": idxMP, "idxKF": idxKF}

def reference(measurements, tMP, tKF, idxMP, idxKF):
    fx = 320.0; fy = 320.0; cx = 320.0; cy = 240.0
    # torch.where(meas_col[:,None] == idx)[1] with unique ids and exactly one match per row
    # is equivalent to argmax over the equality matrix along axis 1 (row order preserved).
    indexKF = jnp.argmax(measurements[:, 0:1].astype(jnp.int32) == idxKF[None, :], axis=1)
    indexMP = jnp.argmax(measurements[:, 1:2].astype(jnp.int32) == idxMP[None, :], axis=1)
    tMPhomo = jnp.concatenate([tMP, jnp.ones((tMP.shape[0], 1), dtype=tMP.dtype)], axis=1)[:, :, None]  # [N_MP,4,1]
    reproject = jnp.matmul(tKF[indexKF], tMPhomo[indexMP])  # [M,4,1]
    ptx = reproject[:, 0] / reproject[:, 2] * fx + cx  # [M,1]
    pty = reproject[:, 1] / reproject[:, 2] * fy + cy  # [M,1]
    obs2d = jnp.concatenate([ptx, pty], axis=1)  # [M,2]
    return obs2d

if __name__ == "__main__":
    import jax
    _d = setup_inputs()
    print(jax.jit(kernel)(*tuple(_d.values())))

</pallas_src>

<mosaic_0001>
#map = affine_map<(d0, d1) -> (0)>
module attributes {stable_mosaic.version = 14 : i64} {
  func.func @sc_call(%arg0: i32, %arg1: i32, %arg2: memref<524288xi32, #tpu.memory_space<hbm>>, %arg3: memref<524288xi32, #tpu.memory_space<hbm>>, %arg4: memref<96xf32, #tpu.memory_space<hbm>>, %arg5: memref<128xf32, #tpu.memory_space<hbm>>, %arg6: memref<16xi32, #tpu.memory_space<hbm>>, %arg7: memref<32xi32, #tpu.memory_space<hbm>>, %arg8: memref<1048576xf32, #tpu.memory_space<hbm>>, %arg9: memref<16384xi32, #tpu.memory_space<vmem>>, %arg10: memref<16384xi32, #tpu.memory_space<vmem>>, %arg11: memref<32768xf32, #tpu.memory_space<vmem>>, %arg12: memref<256xf32, #tpu.memory_space<vmem>>, %arg13: memref<256xf32, #tpu.memory_space<vmem>>, %arg14: memref<16xi32, #tpu.memory_space<vmem>>, %arg15: memref<32xi32, #tpu.memory_space<vmem>>, %arg16: memref<96xf32, #tpu.memory_space<vmem>>, %arg17: memref<128xf32, #tpu.memory_space<vmem>>, %arg18: memref<16xi32, #tpu.memory_space<vmem>>, %arg19: memref<32xi32, #tpu.memory_space<vmem>>, %arg20: memref<!tpu.dma_semaphore, #tpu.memory_space<semaphore_mem>>, %arg21: memref<!tpu.dma_semaphore, #tpu.memory_space<semaphore_mem>>, %arg22: memref<!tpu.dma_semaphore, #tpu.memory_space<semaphore_mem>>, %arg23: memref<!tpu.dma_semaphore, #tpu.memory_space<semaphore_mem>>, %arg24: memref<!tpu.dma_semaphore, #tpu.memory_space<semaphore_mem>>, %arg25: memref<!tpu.dma_semaphore, #tpu.memory_space<semaphore_mem>>) attributes {dimension_semantics = [#tpu.dimension_semantics<core_parallel>, #tpu.dimension_semantics<subcore_parallel>], iteration_bounds = array<i64: 2, 16>, scalar_prefetch = 0 : i64, scratch_operands = 17 : i64, tpu.core_type = #tpu.core_type<sc_vector_subcore>, window_params = [{transform_indices = #map}, {transform_indices = #map}, {transform_indices = #map}, {transform_indices = #map}, {transform_indices = #map}, {transform_indices = #map}, {transform_indices = #map}]} {
    %mul3A = arith.constant 2 : i32
    %mul3A_0 = arith.muli %arg1, %mul3A : i32
    %add3A = arith.addi %mul3A_0, %arg0 : i32
    %mul3A_1 = arith.constant 16384 : i32
    %mul3A_2 = arith.muli %add3A, %mul3A_1 : i32
    tpu.enqueue_dma source(%arg4 : memref<96xf32, #tpu.memory_space<hbm>>) target(%arg16 : memref<96xf32, #tpu.memory_space<vmem>>) target_semaphore(%arg25 : memref<!tpu.dma_semaphore, #tpu.memory_space<semaphore_mem>>)
    tpu.enqueue_dma source(%arg5 : memref<128xf32, #tpu.memory_space<hbm>>) target(%arg17 : memref<128xf32, #tpu.memory_space<vmem>>) target_semaphore(%arg25 : memref<!tpu.dma_semaphore, #tpu.memory_space<semaphore_mem>>)
    tpu.enqueue_dma source(%arg6 : memref<16xi32, #tpu.memory_space<hbm>>) target(%arg18 : memref<16xi32, #tpu.memory_space<vmem>>) target_semaphore(%arg25 : memref<!tpu.dma_semaphore, #tpu.memory_space<semaphore_mem>>)
    tpu.enqueue_dma source(%arg7 : memref<32xi32, #tpu.memory_space<hbm>>) target(%arg19 : memref<32xi32, #tpu.memory_space<vmem>>) target_semaphore(%arg25 : memref<!tpu.dma_semaphore, #tpu.memory_space<semaphore_mem>>)
    %add3A_3 = arith.constant 0 : i32
    %add3A_4 = arith.addi %mul3A_2, %add3A_3 : i32
    %dma_start3A = arith.constant 0 : i32
    %dma_start3A_5 = tpu.memref_slice %arg9[%dma_start3A] : memref<16384xi32, #tpu.memory_space<vmem>> -> memref<4096xi32, #tpu.memory_space<vmem>>
    %dma_start3A_6 = tpu.memref_slice %arg2[%add3A_4] : memref<524288xi32, #tpu.memory_space<hbm>> -> memref<4096xi32, #tpu.memory_space<hbm>>
    %dma_start3A_7 = arith.constant 0 : i32
    %dma_start3A_8 = tpu.memref_slice %arg9[%dma_start3A_7] : memref<16384xi32, #tpu.memory_space<vmem>> -> memref<4096xi32, #tpu.memory_space<vmem>>
    %dma_start3A_9 = tpu.memref_slice %arg2[%add3A_4] : memref<524288xi32, #tpu.memory_space<hbm>> -> memref<4096xi32, #tpu.memory_space<hbm>>
    tpu.enqueue_dma source(%dma_start3A_9 : memref<4096xi32, #tpu.memory_space<hbm>>) target(%dma_start3A_8 : memref<4096xi32, #tpu.memory_space<vmem>>) target_semaphore(%arg20 : memref<!tpu.dma_semaphore, #tpu.memory_space<semaphore_mem>>)
    %add3A_10 = arith.constant 0 : i32
    %add3A_11 = arith.addi %mul3A_2, %add3A_10 : i32
    %dma_start3A_12 = arith.constant 0 : i32
    %dma_start3A_13 = tpu.memref_slice %arg10[%dma_start3A_12] : memref<16384xi32, #tpu.memory_space<vmem>> -> memref<4096xi32, #tpu.memory_space<vmem>>
    %dma_start3A_14 = tpu.memref_slice %arg3[%add3A_11] : memref<524288xi32, #tpu.memory_space<hbm>> -> memref<4096xi32, #tpu.memory_space<hbm>>
    %dma_start3A_15 = arith.constant 0 : i32
    %dma_start3A_16 = tpu.memref_slice %arg10[%dma_start3A_15] : memref<16384xi32, #tpu.memory_space<vmem>> -> memref<4096xi32, #tpu.memory_space<vmem>>
    %dma_start3A_17 = tpu.memref_slice %arg3[%add3A_11] : memref<524288xi32, #tpu.memory_space<hbm>> -> memref<4096xi32, #tpu.memory_space<hbm>>
    tpu.enqueue_dma source(%dma_start3A_17 : memref<4096xi32, #tpu.memory_space<hbm>>) target(%dma_start3A_16 : memref<4096xi32, #tpu.memory_space<vmem>>) target_semaphore(%arg20 : memref<!tpu.dma_semaphore, #tpu.memory_space<semaphore_mem>>)
    %add3A_18 = arith.constant 4096 : i32
    %add3A_19 = arith.addi %mul3A_2, %add3A_18 : i32
    %dma_start3A_20 = arith.constant 4096 : i32
    %dma_start3A_21 = tpu.memref_slice %arg9[%dma_start3A_20] : memref<16384xi32, #tpu.memory_space<vmem>> -> memref<4096xi32, #tpu.memory_space<vmem>>
    %dma_start3A_22 = tpu.memref_slice %arg2[%add3A_19] : memref<524288xi32, #tpu.memory_space<hbm>> -> memref<4096xi32, #tpu.memory_space<hbm>>
    %dma_start3A_23 = arith.constant 4096 : i32
    %dma_start3A_24 = tpu.memref_slice %arg9[%dma_start3A_23] : memref<16384xi32, #tpu.memory_space<vmem>> -> memref<4096xi32, #tpu.memory_space<vmem>>
    %dma_start3A_25 = tpu.memref_slice %arg2[%add3A_19] : memref<524288xi32, #tpu.memory_space<hbm>> -> memref<4096xi32, #tpu.memory_space<hbm>>
    tpu.enqueue_dma source(%dma_start3A_25 : memref<4096xi32, #tpu.memory_space<hbm>>) target(%dma_start3A_24 : memref<4096xi32, #tpu.memory_space<vmem>>) target_semaphore(%arg21 : memref<!tpu.dma_semaphore, #tpu.memory_space<semaphore_mem>>)
    %add3A_26 = arith.constant 4096 : i32
    %add3A_27 = arith.addi %mul3A_2, %add3A_26 : i32
    %dma_start3A_28 = arith.constant 4096 : i32
    %dma_start3A_29 = tpu.memref_slice %arg10[%dma_start3A_28] : memref<16384xi32, #tpu.memory_space<vmem>> -> memref<4096xi32, #tpu.memory_space<vmem>>
    %dma_start3A_30 = tpu.memref_slice %arg3[%add3A_27] : memref<524288xi32, #tpu.memory_space<hbm>> -> memref<4096xi32, #tpu.memory_space<hbm>>
    %dma_start3A_31 = arith.constant 4096 : i32
    %dma_start3A_32 = tpu.memref_slice %arg10[%dma_start3A_31] : memref<16384xi32, #tpu.memory_space<vmem>> -> memref<4096xi32, #tpu.memory_space<vmem>>
    %dma_start3A_33 = tpu.memref_slice %arg3[%add3A_27] : memref<524288xi32, #tpu.memory_space<hbm>> -> memref<4096xi32, #tpu.memory_space<hbm>>
    tpu.enqueue_dma source(%dma_start3A_33 : memref<4096xi32, #tpu.memory_space<hbm>>) target(%dma_start3A_32 : memref<4096xi32, #tpu.memory_space<vmem>>) target_semaphore(%arg21 : memref<!tpu.dma_semaphore, #tpu.memory_space<semaphore_mem>>)
    %add3A_34 = arith.constant 8192 : i32
    %add3A_35 = arith.addi %mul3A_2, %add3A_34 : i32
    %dma_start3A_36 = arith.constant 8192 : i32
    %dma_start3A_37 = tpu.memref_slice %arg9[%dma_start3A_36] : memref<16384xi32, #tpu.memory_space<vmem>> -> memref<4096xi32, #tpu.memory_space<vmem>>
    %dma_start3A_38 = tpu.memref_slice %arg2[%add3A_35] : memref<524288xi32, #tpu.memory_space<hbm>> -> memref<4096xi32, #tpu.memory_space<hbm>>
    %dma_start3A_39 = arith.constant 8192 : i32
    %dma_start3A_40 = tpu.memref_slice %arg9[%dma_start3A_39] : memref<16384xi32, #tpu.memory_space<vmem>> -> memref<4096xi32, #tpu.memory_space<vmem>>
    %dma_start3A_41 = tpu.memref_slice %arg2[%add3A_35] : memref<524288xi32, #tpu.memory_space<hbm>> -> memref<4096xi32, #tpu.memory_space<hbm>>
    tpu.enqueue_dma source(%dma_start3A_41 : memref<4096xi32, #tpu.memory_space<hbm>>) target(%dma_start3A_40 : memref<4096xi32, #tpu.memory_space<vmem>>) target_semaphore(%arg22 : memref<!tpu.dma_semaphore, #tpu.memory_space<semaphore_mem>>)
    %add3A_42 = arith.constant 8192 : i32
    %add3A_43 = arith.addi %mul3A_2, %add3A_42 : i32
    %dma_start3A_44 = arith.constant 8192 : i32
    %dma_start3A_45 = tpu.memref_slice %arg10[%dma_start3A_44] : memref<16384xi32, #tpu.memory_space<vmem>> -> memref<4096xi32, #tpu.memory_space<vmem>>
    %dma_start3A_46 = tpu.memref_slice %arg3[%add3A_43] : memref<524288xi32, #tpu.memory_space<hbm>> -> memref<4096xi32, #tpu.memory_space<hbm>>
    %dma_start3A_47 = arith.constant 8192 : i32
    %dma_start3A_48 = tpu.memref_slice %arg10[%dma_start3A_47] : memref<16384xi32, #tpu.memory_space<vmem>> -> memref<4096xi32, #tpu.memory_space<vmem>>
    %dma_start3A_49 = tpu.memref_slice %arg3[%add3A_43] : memref<524288xi32, #tpu.memory_space<hbm>> -> memref<4096xi32, #tpu.memory_space<hbm>>
    tpu.enqueue_dma source(%dma_start3A_49 : memref<4096xi32, #tpu.memory_space<hbm>>) target(%dma_start3A_48 : memref<4096xi32, #tpu.memory_space<vmem>>) target_semaphore(%arg22 : memref<!tpu.dma_semaphore, #tpu.memory_space<semaphore_mem>>)
    %add3A_50 = arith.constant 12288 : i32
    %add3A_51 = arith.addi %mul3A_2, %add3A_50 : i32
    %dma_start3A_52 = arith.constant 12288 : i32
    %dma_start3A_53 = tpu.memref_slice %arg9[%dma_start3A_52] : memref<16384xi32, #tpu.memory_space<vmem>> -> memref<4096xi32, #tpu.memory_space<vmem>>
    %dma_start3A_54 = tpu.memref_slice %arg2[%add3A_51] : memref<524288xi32, #tpu.memory_space<hbm>> -> memref<4096xi32, #tpu.memory_space<hbm>>
    %dma_start3A_55 = arith.constant 12288 : i32
    %dma_start3A_56 = tpu.memref_slice %arg9[%dma_start3A_55] : memref<16384xi32, #tpu.memory_space<vmem>> -> memref<4096xi32, #tpu.memory_space<vmem>>
    %dma_start3A_57 = tpu.memref_slice %arg2[%add3A_51] : memref<524288xi32, #tpu.memory_space<hbm>> -> memref<4096xi32, #tpu.memory_space<hbm>>
    tpu.enqueue_dma source(%dma_start3A_57 : memref<4096xi32, #tpu.memory_space<hbm>>) target(%dma_start3A_56 : memref<4096xi32, #tpu.memory_space<vmem>>) target_semaphore(%arg23 : memref<!tpu.dma_semaphore, #tpu.memory_space<semaphore_mem>>)
    %add3A_58 = arith.constant 12288 : i32
    %add3A_59 = arith.addi %mul3A_2, %add3A_58 : i32
    %dma_start3A_60 = arith.constant 12288 : i32
    %dma_start3A_61 = tpu.memref_slice %arg10[%dma_start3A_60] : memref<16384xi32, #tpu.memory_space<vmem>> -> memref<4096xi32, #tpu.memory_space<vmem>>
    %dma_start3A_62 = tpu.memref_slice %arg3[%add3A_59] : memref<524288xi32, #tpu.memory_space<hbm>> -> memref<4096xi32, #tpu.memory_space<hbm>>
    %dma_start3A_63 = arith.constant 12288 : i32
    %dma_start3A_64 = tpu.memref_slice %arg10[%dma_start3A_63] : memref<16384xi32, #tpu.memory_space<vmem>> -> memref<4096xi32, #tpu.memory_space<vmem>>
    %dma_start3A_65 = tpu.memref_slice %arg3[%add3A_59] : memref<524288xi32, #tpu.memory_space<hbm>> -> memref<4096xi32, #tpu.memory_space<hbm>>
    tpu.enqueue_dma source(%dma_start3A_65 : memref<4096xi32, #tpu.memory_space<hbm>>) target(%dma_start3A_64 : memref<4096xi32, #tpu.memory_space<vmem>>) target_semaphore(%arg23 : memref<!tpu.dma_semaphore, #tpu.memory_space<semaphore_mem>>)
    tpu.wait_dma2 semaphore(%arg25 : memref<!tpu.dma_semaphore, #tpu.memory_space<semaphore_mem>>) src(%arg4 : memref<96xf32, #tpu.memory_space<hbm>>) dst(%arg16 : memref<96xf32, #tpu.memory_space<vmem>>)
    tpu.wait_dma2 semaphore(%arg25 : memref<!tpu.dma_semaphore, #tpu.memory_space<semaphore_mem>>) src(%arg5 : memref<128xf32, #tpu.memory_space<hbm>>) dst(%arg17 : memref<128xf32, #tpu.memory_space<vmem>>)
    tpu.wait_dma2 semaphore(%arg25 : memref<!tpu.dma_semaphore, #tpu.memory_space<semaphore_mem>>) src(%arg6 : memref<16xi32, #tpu.memory_space<hbm>>) dst(%arg18 : memref<16xi32, #tpu.memory_space<vmem>>)
    tpu.wait_dma2 semaphore(%arg25 : memref<!tpu.dma_semaphore, #tpu.memory_space<semaphore_mem>>) src(%arg7 : memref<32xi32, #tpu.memory_space<hbm>>) dst(%arg19 : memref<32xi32, #tpu.memory_space<vmem>>)
    %iota3A = tpu.iota {dimensions = array<i32: 0>} : vector<16xi32>
    %get3A = arith.constant 0 : index
    %get3A_66 = tpu.vector_load %arg18[%get3A] {strides = array<i32>} : memref<16xi32, #tpu.memory_space<vmem>>, vector<16xi32>,
    tpu.vector_store_idx %arg14[%get3A_66], %iota3A : memref<16xi32, #tpu.memory_space<vmem>>[vector<16xi32>], vector<16xi32>,
    %get3A_67 = arith.constant 0 : index
    %get3A_68 = tpu.vector_load %arg19[%get3A_67] {strides = array<i32>} : memref<32xi32, #tpu.memory_space<vmem>>, vector<16xi32>,
    tpu.vector_store_idx %arg15[%get3A_68], %iota3A : memref<32xi32, #tpu.memory_space<vmem>>[vector<16xi32>], vector<16xi32>,
    %get3A_69 = arith.constant 16 : index
    %get3A_70 = tpu.vector_load %arg19[%get3A_69] {strides = array<i32>} : memref<32xi32, #tpu.memory_space<vmem>>, vector<16xi32>,
    %add3A_71 = arith.constant 16 : i32
    %add3A_72 = vector.broadcast %add3A_71 : i32 to vector<16xi32>
    %add3A_73 = arith.addi %iota3A, %add3A_72 : vector<16xi32>
    tpu.vector_store_idx %arg15[%get3A_70], %add3A_73 : memref<32xi32, #tpu.memory_space<vmem>>[vector<16xi32>], vector<16xi32>,
    %get3A_74 = arith.constant 0 : index
    %get3A_75 = tpu.vector_load %arg15[%get3A_74] {strides = array<i32>} : memref<32xi32, #tpu.memory_space<vmem>>, vector<16xi32>,
    %gather3A = tpu.vector_load_idx %arg16[%get3A_75] : memref<96xf32, #tpu.memory_space<vmem>>[vector<16xi32>], vector<16xf32>,
    %add3A_76 = arith.constant 32 : i32
    %add3A_77 = vector.broadcast %add3A_76 : i32 to vector<16xi32>
    %add3A_78 = arith.addi %get3A_75, %add3A_77 : vector<16xi32>
    %gather3A_79 = tpu.vector_load_idx %arg16[%add3A_78] : memref<96xf32, #tpu.memory_space<vmem>>[vector<16xi32>], vector<16xf32>,
    %add3A_80 = arith.constant 64 : i32
    %add3A_81 = vector.broadcast %add3A_80 : i32 to vector<16xi32>
    %add3A_82 = arith.addi %get3A_75, %add3A_81 : vector<16xi32>
    %gather3A_83 = tpu.vector_load_idx %arg16[%add3A_82] : memref<96xf32, #tpu.memory_space<vmem>>[vector<16xi32>], vector<16xf32>,
    %get3A_84 = arith.constant 16 : index
    %get3A_85 = tpu.vector_load %arg15[%get3A_84] {strides = array<i32>} : memref<32xi32, #tpu.memory_space<vmem>>, vector<16xi32>,
    %gather3A_86 = tpu.vector_load_idx %arg16[%get3A_85] : memref<96xf32, #tpu.memory_space<vmem>>[vector<16xi32>], vector<16xf32>,
    %add3A_87 = arith.constant 32 : i32
    %add3A_88 = vector.broadcast %add3A_87 : i32 to vector<16xi32>
    %add3A_89 = arith.addi %get3A_85, %add3A_88 : vector<16xi32>
    %gather3A_90 = tpu.vector_load_idx %arg16[%add3A_89] : memref<96xf32, #tpu.memory_space<vmem>>[vector<16xi32>], vector<16xf32>,
    %add3A_91 = arith.constant 64 : i32
    %add3A_92 = vector.broadcast %add3A_91 : i32 to vector<16xi32>
    %add3A_93 = arith.addi %get3A_85, %add3A_92 : vector<16xi32>
    %gather3A_94 = tpu.vector_load_idx %arg16[%add3A_93] : memref<96xf32, #tpu.memory_space<vmem>>[vector<16xi32>], vector<16xf32>,
    %get3A_95 = arith.constant 0 : index
    %get3A_96 = tpu.vector_load %arg14[%get3A_95] {strides = array<i32>} : memref<16xi32, #tpu.memory_space<vmem>>, vector<16xi32>,
    %slice3A = vector.extract_strided_slice %get3A_96 {offsets = [0], sizes = [1], strides = [1]} : vector<16xi32> to vector<1xi32>
    %squeeze3A = vector.extract %slice3A[0] : i32 from vector<1xi32>
    %mul3A_97 = arith.constant 16 : i32
    %mul3A_98 = arith.muli %squeeze3A, %mul3A_97 : i32
    %get3A_99 = arith.index_cast %mul3A_98 : i32 to index
    %get3A_100 = tpu.vector_load %arg17[%get3A_99] {strides = array<i32>} : memref<128xf32, #tpu.memory_space<vmem>>, vector<16xf32>,
    %slice3A_101 = vector.extract_strided_slice %get3A_100 {offsets = [0], sizes = [1], strides = [1]} : vector<16xf32> to vector<1xf32>
    %squeeze3A_102 = vector.extract %slice3A_101[0] : f32 from vector<1xf32>
    %slice3A_103 = vector.extract_strided_slice %get3A_100 {offsets = [1], sizes = [1], strides = [1]} : vector<16xf32> to vector<1xf32>
    %squeeze3A_104 = vector.extract %slice3A_103[0] : f32 from vector<1xf32>
    %slice3A_105 = vector.extract_strided_slice %get3A_100 {offsets = [2], sizes = [1], strides = [1]} : vector<16xf32> to vector<1xf32>
    %squeeze3A_106 = vector.extract %slice3A_105[0] : f32 from vector<1xf32>
    %slice3A_107 = vector.extract_strided_slice %get3A_100 {offsets = [3], sizes = [1], strides = [1]} : vector<16xf32> to vector<1xf32>
    %squeeze3A_108 = vector.extract %slice3A_107[0] : f32 from vector<1xf32>
    %slice3A_109 = vector.extract_strided_slice %get3A_100 {offsets = [4], sizes = [1], strides = [1]} : vector<16xf32> to vector<1xf32>
    %squeeze3A_110 = vector.extract %slice3A_109[0] : f32 from vector<1xf32>
    %slice3A_111 = vector.extract_strided_slice %get3A_100 {offsets = [5], sizes = [1], strides = [1]} : vector<16xf32> to vector<1xf32>
    %squeeze3A_112 = vector.extract %slice3A_111[0] : f32 from vector<1xf32>
    %slice3A_113 = vector.extract_strided_slice %get3A_100 {offsets = [6], sizes = [1], strides = [1]} : vector<16xf32> to vector<1xf32>
    %squeeze3A_114 = vector.extract %slice3A_113[0] : f32 from vector<1xf32>
    %slice3A_115 = vector.extract_strided_slice %get3A_100 {offsets = [7], sizes = [1], strides = [1]} : vector<16xf32> to vector<1xf32>
    %squeeze3A_116 = vector.extract %slice3A_115[0] : f32 from vector<1xf32>
    %slice3A_117 = vector.extract_strided_slice %get3A_100 {offsets = [8], sizes = [1], strides = [1]} : vector<16xf32> to vector<1xf32>
    %squeeze3A_118 = vector.extract %slice3A_117[0] : f32 from vector<1xf32>
    %slice3A_119 = vector.extract_strided_slice %get3A_100 {offsets = [9], sizes = [1], strides = [1]} : vector<16xf32> to vector<1xf32>
    %squeeze3A_120 = vector.extract %slice3A_119[0] : f32 from vector<1xf32>
    %slice3A_121 = vector.extract_strided_slice %get3A_100 {offsets = [10], sizes = [1], strides = [1]} : vector<16xf32> to vector<1xf32>
    %squeeze3A_122 = vector.extract %slice3A_121[0] : f32 from vector<1xf32>
    %slice3A_123 = vector.extract_strided_slice %get3A_100 {offsets = [11], sizes = [1], strides = [1]} : vector<16xf32> to vector<1xf32>
    %squeeze3A_124 = vector.extract %slice3A_123[0] : f32 from vector<1xf32>
    %mul3A_125 = vector.broadcast %squeeze3A_102 : f32 to vector<16xf32>
    %mul3A_126 = arith.mulf %mul3A_125, %gather3A : vector<16xf32>
    %mul3A_127 = vector.broadcast %squeeze3A_104 : f32 to vector<16xf32>
    %mul3A_128 = arith.mulf %mul3A_127, %gather3A_79 : vector<16xf32>
    %add3A_129 = arith.addf %mul3A_126, %mul3A_128 : vector<16xf32>
    %mul3A_130 = vector.broadcast %squeeze3A_106 : f32 to vector<16xf32>
    %mul3A_131 = arith.mulf %mul3A_130, %gather3A_83 : vector<16xf32>
    %add3A_132 = arith.addf %add3A_129, %mul3A_131 : vector<16xf32>
    %add3A_133 = vector.broadcast %squeeze3A_108 : f32 to vector<16xf32>
    %add3A_134 = arith.addf %add3A_132, %add3A_133 : vector<16xf32>
    %mul3A_135 = vector.broadcast %squeeze3A_110 : f32 to vector<16xf32>
    %mul3A_136 = arith.mulf %mul3A_135, %gather3A : vector<16xf32>
    %mul3A_137 = vector.broadcast %squeeze3A_112 : f32 to vector<16xf32>
    %mul3A_138 = arith.mulf %mul3A_137, %gather3A_79 : vector<16xf32>
    %add3A_139 = arith.addf %mul3A_136, %mul3A_138 : vector<16xf32>
    %mul3A_140 = vector.broadcast %squeeze3A_114 : f32 to vector<16xf32>
    %mul3A_141 = arith.mulf %mul3A_140, %gather3A_83 : vector<16xf32>
    %add3A_142 = arith.addf %add3A_139, %mul3A_141 : vector<16xf32>
    %add3A_143 = vector.broadcast %squeeze3A_116 : f32 to vector<16xf32>
    %add3A_144 = arith.addf %add3A_142, %add3A_143 : vector<16xf32>
    %mul3A_145 = vector.broadcast %squeeze3A_118 : f32 to vector<16xf32>
    %mul3A_146 = arith.mulf %mul3A_145, %gather3A : vector<16xf32>
    %mul3A_147 = vector.broadcast %squeeze3A_120 : f32 to vector<16xf32>
    %mul3A_148 = arith.mulf %mul3A_147, %gather3A_79 : vector<16xf32>
    %add3A_149 = arith.addf %mul3A_146, %mul3A_148 : vector<16xf32>
    %mul3A_150 = vector.broadcast %squeeze3A_122 : f32 to vector<16xf32>
    %mul3A_151 = arith.mulf %mul3A_150, %gather3A_83 : vector<16xf32>
    %add3A_152 = arith.addf %add3A_149, %mul3A_151 : vector<16xf32>
    %add3A_153 = vector.broadcast %squeeze3A_124 : f32 to vector<16xf32>
    %add3A_154 = arith.addf %add3A_152, %add3A_153 : vector<16xf32>
    %div3A = arith.constant 1.000000e+00 : f32
    %div3A_155 = vector.broadcast %div3A : f32 to vector<16xf32>
    %div3A_156 = arith.divf %div3A_155, %add3A_154 : vector<16xf32>
    %mul3A_157 = arith.mulf %add3A_134, %div3A_156 : vector<16xf32>
    %mul3A_158 = arith.constant 3.200000e+02 : f32
    %mul3A_159 = vector.broadcast %mul3A_158 : f32 to vector<16xf32>
    %mul3A_160 = arith.mulf %mul3A_157, %mul3A_159 : vector<16xf32>
    %add3A_161 = arith.constant 3.200000e+02 : f32
    %add3A_162 = vector.broadcast %add3A_161 : f32 to vector<16xf32>
    %add3A_163 = arith.addf %mul3A_160, %add3A_162 : vector<16xf32>
    %swap3A = arith.constant 0 : index
    %swap3A_164 = tpu.vector_load %arg12[%swap3A] {strides = array<i32>} : memref<256xf32, #tpu.memory_space<vmem>>, vector<16xf32>,
    tpu.vector_store %arg12[%swap3A], %add3A_163 {strides = array<i32>} : memref<256xf32, #tpu.memory_space<vmem>>, vector<16xf32>,
    %mul3A_165 = arith.mulf %add3A_144, %div3A_156 : vector<16xf32>
    %mul3A_166 = arith.constant 3.200000e+02 : f32
    %mul3A_167 = vector.broadcast %mul3A_166 : f32 to vector<16xf32>
    %mul3A_168 = arith.mulf %mul3A_165, %mul3A_167 : vector<16xf32>
    %add3A_169 = arith.constant 2.400000e+02 : f32
    %add3A_170 = vector.broadcast %add3A_169 : f32 to vector<16xf32>
    %add3A_171 = arith.addf %mul3A_168, %add3A_170 : vector<16xf32>
    %swap3A_172 = arith.constant 0 : index
    %swap3A_173 = tpu.vector_load %arg13[%swap3A_172] {strides = array<i32>} : memref<256xf32, #tpu.memory_space<vmem>>, vector<16xf32>,
    tpu.vector_store %arg13[%swap3A_172], %add3A_171 {strides = array<i32>} : memref<256xf32, #tpu.memory_space<vmem>>, vector<16xf32>,
    %mul3A_174 = vector.broadcast %squeeze3A_102 : f32 to vector<16xf32>
    %mul3A_175 = arith.mulf %mul3A_174, %gather3A_86 : vector<16xf32>
    %mul3A_176 = vector.broadcast %squeeze3A_104 : f32 to vector<16xf32>
    %mul3A_177 = arith.mulf %mul3A_176, %gather3A_90 : vector<16xf32>
    %add3A_178 = arith.addf %mul3A_175, %mul3A_177 : vector<16xf32>
    %mul3A_179 = vector.broadcast %squeeze3A_106 : f32 to vector<16xf32>
    %mul3A_180 = arith.mulf %mul3A_179, %gather3A_94 : vector<16xf32>
    %add3A_181 = arith.addf %add3A_178, %mul3A_180 : vector<16xf32>
    %add3A_182 = vector.broadcast %squeeze3A_108 : f32 to vector<16xf32>
    %add3A_183 = arith.addf %add3A_181, %add3A_182 : vector<16xf32>
    %mul3A_184 = vector.broadcast %squeeze3A_110 : f32 to vector<16xf32>
    %mul3A_185 = arith.mulf %mul3A_184, %gather3A_86 : vector<16xf32>
    %mul3A_186 = vector.broadcast %squeeze3A_112 : f32 to vector<16xf32>
    %mul3A_187 = arith.mulf %mul3A_186, %gather3A_90 : vector<16xf32>
    %add3A_188 = arith.addf %mul3A_185, %mul3A_187 : vector<16xf32>
    %mul3A_189 = vector.broadcast %squeeze3A_114 : f32 to vector<16xf32>
    %mul3A_190 = arith.mulf %mul3A_189, %gather3A_94 : vector<16xf32>
    %add3A_191 = arith.addf %add3A_188, %mul3A_190 : vector<16xf32>
    %add3A_192 = vector.broadcast %squeeze3A_116 : f32 to vector<16xf32>
    %add3A_193 = arith.addf %add3A_191, %add3A_192 : vector<16xf32>
    %mul3A_194 = vector.broadcast %squeeze3A_118 : f32 to vector<16xf32>
    %mul3A_195 = arith.mulf %mul3A_194, %gather3A_86 : vector<16xf32>
    %mul3A_196 = vector.broadcast %squeeze3A_120 : f32 to vector<16xf32>
    %mul3A_197 = arith.mulf %mul3A_196, %gather3A_90 : vector<16xf32>
    %add3A_198 = arith.addf %mul3A_195, %mul3A_197 : vector<16xf32>
    %mul3A_199 = vector.broadcast %squeeze3A_122 : f32 to vector<16xf32>
    %mul3A_200 = arith.mulf %mul3A_199, %gather3A_94 : vector<16xf32>
    %add3A_201 = arith.addf %add3A_198, %mul3A_200 : vector<16xf32>
    %add3A_202 = vector.broadcast %squeeze3A_124 : f32 to vector<16xf32>
    %add3A_203 = arith.addf %add3A_201, %add3A_202 : vector<16xf32>
    %div3A_204 = arith.constant 1.000000e+00 : f32
    %div3A_205 = vector.broadcast %div3A_204 : f32 to vector<16xf32>
    %div3A_206 = arith.divf %div3A_205, %add3A_203 : vector<16xf32>
    %mul3A_207 = arith.mulf %add3A_183, %div3A_206 : vector<16xf32>
    %mul3A_208 = arith.constant 3.200000e+02 : f32
    %mul3A_209 = vector.broadcast %mul3A_208 : f32 to vector<16xf32>
    %mul3A_210 = arith.mulf %mul3A_207, %mul3A_209 : vector<16xf32>
    %add3A_211 = arith.constant 3.200000e+02 : f32
    %add3A_212 = vector.broadcast %add3A_211 : f32 to vector<16xf32>
    %add3A_213 = arith.addf %mul3A_210, %add3A_212 : vector<16xf32>
    %swap3A_214 = arith.constant 16 : index
    %swap3A_215 = tpu.vector_load %arg12[%swap3A_214] {strides = array<i32>} : memref<256xf32, #tpu.memory_space<vmem>>, vector<16xf32>,
    tpu.vector_store %arg12[%swap3A_214], %add3A_213 {strides = array<i32>} : memref<256xf32, #tpu.memory_space<vmem>>, vector<16xf32>,
    %mul3A_216 = arith.mulf %add3A_193, %div3A_206 : vector<16xf32>
    %mul3A_217 = arith.constant 3.200000e+02 : f32
    %mul3A_218 = vector.broadcast %mul3A_217 : f32 to vector<16xf32>
    %mul3A_219 = arith.mulf %mul3A_216, %mul3A_218 : vector<16xf32>
    %add3A_220 = arith.constant 2.400000e+02 : f32
    %add3A_221 = vector.broadcast %add3A_220 : f32 to vector<16xf32>
    %add3A_222 = arith.addf %mul3A_219, %add3A_221 : vector<16xf32>
    %swap3A_223 = arith.constant 16 : index
    %swap3A_224 = tpu.vector_load %arg13[%swap3A_223] {strides = array<i32>} : memref<256xf32, #tpu.memory_space<vmem>>, vector<16xf32>,
    tpu.vector_store %arg13[%swap3A_223], %add3A_222 {strides = array<i32>} : memref<256xf32, #tpu.memory_space<vmem>>, vector<16xf32>,
    %slice3A_225 = vector.extract_strided_slice %get3A_96 {offsets = [1], sizes = [1], strides = [1]} : vector<16xi32> to vector<1xi32>
    %squeeze3A_226 = vector.extract %slice3A_225[0] : i32 from vector<1xi32>
    %mul3A_227 = arith.constant 16 : i32
    %mul3A_228 = arith.muli %squeeze3A_226, %mul3A_227 : i32
    %get3A_229 = arith.index_cast %mul3A_228 : i32 to index
    %get3A_230 = tpu.vector_load %arg17[%get3A_229] {strides = array<i32>} : memref<128xf32, #tpu.memory_space<vmem>>, vector<16xf32>,
    %slice3A_231 = vector.extract_strided_slice %get3A_230 {offsets = [0], sizes = [1], strides = [1]} : vector<16xf32> to vector<1xf32>
    %squeeze3A_232 = vector.extract %slice3A_231[0] : f32 from vector<1xf32>
    %slice3A_233 = vector.extract_strided_slice %get3A_230 {offsets = [1], sizes = [1], strides = [1]} : vector<16xf32> to vector<1xf32>
    %squeeze3A_234 = vector.extract %slice3A_233[0] : f32 from vector<1xf32>
    %slice3A_235 = vector.extract_strided_slice %get3A_230 {offsets = [2], sizes = [1], strides = [1]} : vector<16xf32> to vector<1xf32>
    %squeeze3A_236 = vector.extract %slice3A_235[0] : f32 from vector<1xf32>
    %slice3A_237 = vector.extract_strided_slice %get3A_230 {offsets = [3], sizes = [1], strides = [1]} : vector<16xf32> to vector<1xf32>
    %squeeze3A_238 = vector.extract %slice3A_237[0] : f32 from vector<1xf32>
    %slice3A_239 = vector.extract_strided_slice %get3A_230 {offsets = [4], sizes = [1], strides = [1]} : vector<16xf32> to vector<1xf32>
    %squeeze3A_240 = vector.extract %slice3A_239[0] : f32 from vector<1xf32>
    %slice3A_241 = vector.extract_strided_slice %get3A_230 {offsets = [5], sizes = [1], strides = [1]} : vector<16xf32> to vector<1xf32>
    %squeeze3A_242 = vector.extract %slice3A_241[0] : f32 from vector<1xf32>
    %slice3A_243 = vector.extract_strided_slice %get3A_230 {offsets = [6], sizes = [1], strides = [1]} : vector<16xf32> to vector<1xf32>
    %squeeze3A_244 = vector.extract %slice3A_243[0] : f32 from vector<1xf32>
    %slice3A_245 = vector.extract_strided_slice %get3A_230 {offsets = [7], sizes = [1], strides = [1]} : vector<16xf32> to vector<1xf32>
    %squeeze3A_246 = vector.extract %slice3A_245[0] : f32 from vector<1xf32>
    %slice3A_247 = vector.extract_strided_slice %get3A_230 {offsets = [8], sizes = [1], strides = [1]} : vector<16xf32> to vector<1xf32>
    %squeeze3A_248 = vector.extract %slice3A_247[0] : f32 from vector<1xf32>
    %slice3A_249 = vector.extract_strided_slice %get3A_230 {offsets = [9], sizes = [1], strides = [1]} : vector<16xf32> to vector<1xf32>
    %squeeze3A_250 = vector.extract %slice3A_249[0] : f32 from vector<1xf32>
    %slice3A_251 = vector.extract_strided_slice %get3A_230 {offsets = [10], sizes = [1], strides = [1]} : vector<16xf32> to vector<1xf32>
    %squeeze3A_252 = vector.extract %slice3A_251[0] : f32 from vector<1xf32>
    %slice3A_253 = vector.extract_strided_slice %get3A_230 {offsets = [11], sizes = [1], strides = [1]} : vector<16xf32> to vector<1xf32>
    %squeeze3A_254 = vector.extract %slice3A_253[0] : f32 from vector<1xf32>
    %mul3A_255 = vector.broadcast %squeeze3A_232 : f32 to vector<16xf32>
    %mul3A_256 = arith.mulf %mul3A_255, %gather3A : vector<16xf32>
    %mul3A_257 = vector.broadcast %squeeze3A_234 : f32 to vector<16xf32>
    %mul3A_258 = arith.mulf %mul3A_257, %gather3A_79 : vector<16xf32>
    %add3A_259 = arith.addf %mul3A_256, %mul3A_258 : vector<16xf32>
    %mul3A_260 = vector.broadcast %squeeze3A_236 : f32 to vector<16xf32>
    %mul3A_261 = arith.mulf %mul3A_260, %gather3A_83 : vector<16xf32>
    %add3A_262 = arith.addf %add3A_259, %mul3A_261 : vector<16xf32>
    %add3A_263 = vector.broadcast %squeeze3A_238 : f32 to vector<16xf32>
    %add3A_264 = arith.addf %add3A_262, %add3A_263 : vector<16xf32>
    %mul3A_265 = vector.broadcast %squeeze3A_240 : f32 to vector<16xf32>
    %mul3A_266 = arith.mulf %mul3A_265, %gather3A : vector<16xf32>
    %mul3A_267 = vector.broadcast %squeeze3A_242 : f32 to vector<16xf32>
    %mul3A_268 = arith.mulf %mul3A_267, %gather3A_79 : vector<16xf32>
    %add3A_269 = arith.addf %mul3A_266, %mul3A_268 : vector<16xf32>
    %mul3A_270 = vector.broadcast %squeeze3A_244 : f32 to vector<16xf32>
    %mul3A_271 = arith.mulf %mul3A_270, %gather3A_83 : vector<16xf32>
    %add3A_272 = arith.addf %add3A_269, %mul3A_271 : vector<16xf32>
    %add3A_273 = vector.broadcast %squeeze3A_246 : f32 to vector<16xf32>
    %add3A_274 = arith.addf %add3A_272, %add3A_273 : vector<16xf32>
    %mul3A_275 = vector.broadcast %squeeze3A_248 : f32 to vector<16xf32>
    %mul3A_276 = arith.mulf %mul3A_275, %gather3A : vector<16xf32>
    %mul3A_277 = vector.broadcast %squeeze3A_250 : f32 to vector<16xf32>
    %mul3A_278 = arith.mulf %mul3A_277, %gather3A_79 : vector<16xf32>
    %add3A_279 = arith.addf %mul3A_276, %mul3A_278 : vector<16xf32>
    %mul3A_280 = vector.broadcast %squeeze3A_252 : f32 to vector<16xf32>
    %mul3A_281 = arith.mulf %mul3A_280, %gather3A_83 : vector<16xf32>
    %add3A_282 = arith.addf %add3A_279, %mul3A_281 : vector<16xf32>
    %add3A_283 = vector.broadcast %squeeze3A_254 : f32 to vector<16xf32>
    %add3A_284 = arith.addf %add3A_282, %add3A_283 : vector<16xf32>
    %div3A_285 = arith.constant 1.000000e+00 : f32
    %div3A_286 = vector.broadcast %div3A_285 : f32 to vector<16xf32>
    %div3A_287 = arith.divf %div3A_286, %add3A_284 : vector<16xf32>
    %mul3A_288 = arith.mulf %add3A_264, %div3A_287 : vector<16xf32>
    %mul3A_289 = arith.constant 3.200000e+02 : f32
    %mul3A_290 = vector.broadcast %mul3A_289 : f32 to vector<16xf32>
    %mul3A_291 = arith.mulf %mul3A_288, %mul3A_290 : vector<16xf32>
    %add3A_292 = arith.constant 3.200000e+02 : f32
    %add3A_293 = vector.broadcast %add3A_292 : f32 to vector<16xf32>
    %add3A_294 = arith.addf %mul3A_291, %add3A_293 : vector<16xf32>
    %swap3A_295 = arith.constant 32 : index
    %swap3A_296 = tpu.vector_load %arg12[%swap3A_295] {strides = array<i32>} : memref<256xf32, #tpu.memory_space<vmem>>, vector<16xf32>,
    tpu.vector_store %arg12[%swap3A_295], %add3A_294 {strides = array<i32>} : memref<256xf32, #tpu.memory_space<vmem>>, vector<16xf32>,
    %mul3A_297 = arith.mulf %add3A_274, %div3A_287 : vector<16xf32>
    %mul3A_298 = arith.constant 3.200000e+02 : f32
    %mul3A_299 = vector.broadcast %mul3A_298 : f32 to vector<16xf32>
    %mul3A_300 = arith.mulf %mul3A_297, %mul3A_299 : vector<16xf32>
    %add3A_301 = arith.constant 2.400000e+02 : f32
    %add3A_302 = vector.broadcast %add3A_301 : f32 to vector<16xf32>
    %add3A_303 = arith.addf %mul3A_300, %add3A_302 : vector<16xf32>
    %swap3A_304 = arith.constant 32 : index
    %swap3A_305 = tpu.vector_load %arg13[%swap3A_304] {strides = array<i32>} : memref<256xf32, #tpu.memory_space<vmem>>, vector<16xf32>,
    tpu.vector_store %arg13[%swap3A_304], %add3A_303 {strides = array<i32>} : memref<256xf32, #tpu.memory_space<vmem>>, vector<16xf32>,
    %mul3A_306 = vector.broadcast %squeeze3A_232 : f32 to vector<16xf32>
    %mul3A_307 = arith.mulf %mul3A_306, %gather3A_86 : vector<16xf32>
    %mul3A_308 = vector.broadcast %squeeze3A_234 : f32 to vector<16xf32>
    %mul3A_309 = arith.mulf %mul3A_308, %gather3A_90 : vector<16xf32>
    %add3A_310 = arith.addf %mul3A_307, %mul3A_309 : vector<16xf32>
    %mul3A_311 = vector.broadcast %squeeze3A_236 : f32 to vector<16xf32>
    %mul3A_312 = arith.mulf %mul3A_311, %gather3A_94 : vector<16xf32>
    %add3A_313 = arith.addf %add3A_310, %mul3A_312 : vector<16xf32>
    %add3A_314 = vector.broadcast %squeeze3A_238 : f32 to vector<16xf32>
    %add3A_315 = arith.addf %add3A_313, %add3A_314 : vector<16xf32>
    %mul3A_316 = vector.broadcast %squeeze3A_240 : f32 to vector<16xf32>
    %mul3A_317 = arith.mulf %mul3A_316, %gather3A_86 : vector<16xf32>
    %mul3A_318 = vector.broadcast %squeeze3A_242 : f32 to vector<16xf32>
    %mul3A_319 = arith.mulf %mul3A_318, %gather3A_90 : vector<16xf32>
    %add3A_320 = arith.addf %mul3A_317, %mul3A_319 : vector<16xf32>
    %mul3A_321 = vector.broadcast %squeeze3A_244 : f32 to vector<16xf32>
    %mul3A_322 = arith.mulf %mul3A_321, %gather3A_94 : vector<16xf32>
    %add3A_323 = arith.addf %add3A_320, %mul3A_322 : vector<16xf32>
    %add3A_324 = vector.broadcast %squeeze3A_246 : f32 to vector<16xf32>
    %add3A_325 = arith.addf %add3A_323, %add3A_324 : vector<16xf32>
    %mul3A_326 = vector.broadcast %squeeze3A_248 : f32 to vector<16xf32>
    %mul3A_327 = arith.mulf %mul3A_326, %gather3A_86 : vector<16xf32>
    %mul3A_328 = vector.broadcast %squeeze3A_250 : f32 to vector<16xf32>
    %mul3A_329 = arith.mulf %mul3A_328, %gather3A_90 : vector<16xf32>
    %add3A_330 = arith.addf %mul3A_327, %mul3A_329 : vector<16xf32>
    %mul3A_331 = vector.broadcast %squeeze3A_252 : f32 to vector<16xf32>
    %mul3A_332 = arith.mulf %mul3A_331, %gather3A_94 : vector<16xf32>
    %add3A_333 = arith.addf %add3A_330, %mul3A_332 : vector<16xf32>
    %add3A_334 = vector.broadcast %squeeze3A_254 : f32 to vector<16xf32>
    %add3A_335 = arith.addf %add3A_333, %add3A_334 : vector<16xf32>
    %div3A_336 = arith.constant 1.000000e+00 : f32
    %div3A_337 = vector.broadcast %div3A_336 : f32 to vector<16xf32>
    %div3A_338 = arith.divf %div3A_337, %add3A_335 : vector<16xf32>
    %mul3A_339 = arith.mulf %add3A_315, %div3A_338 : vector<16xf32>
    %mul3A_340 = arith.constant 3.200000e+02 : f32
    %mul3A_341 = vector.broadcast %mul3A_340 : f32 to vector<16xf32>
    %mul3A_342 = arith.mulf %mul3A_339, %mul3A_341 : vector<16xf32>
    %add3A_343 = arith.constant 3.200000e+02 : f32
    %add3A_344 = vector.broadcast %add3A_343 : f32 to vector<16xf32>
    %add3A_345 = arith.addf %mul3A_342, %add3A_344 : vector<16xf32>
    %swap3A_346 = arith.constant 48 : index
    %swap3A_347 = tpu.vector_load %arg12[%swap3A_346] {strides = array<i32>} : memref<256xf32, #tpu.memory_space<vmem>>, vector<16xf32>,
    tpu.vector_store %arg12[%swap3A_346], %add3A_345 {strides = array<i32>} : memref<256xf32, #tpu.memory_space<vmem>>, vector<16xf32>,
    %mul3A_348 = arith.mulf %add3A_325, %div3A_338 : vector<16xf32>
    %mul3A_349 = arith.constant 3.200000e+02 : f32
    %mul3A_350 = vector.broadcast %mul3A_349 : f32 to vector<16xf32>
    %mul3A_351 = arith.mulf %mul3A_348, %mul3A_350 : vector<16xf32>
    %add3A_352 = arith.constant 2.400000e+02 : f32
    %add3A_353 = vector.broadcast %add3A_352 : f32 to vector<16xf32>
    %add3A_354 = arith.addf %mul3A_351, %add3A_353 : vector<16xf32>
    %swap3A_355 = arith.constant 48 : index
    %swap3A_356 = tpu.vector_load %arg13[%swap3A_355] {strides = array<i32>} : memref<256xf32, #tpu.memory_space<vmem>>, vector<16xf32>,
    tpu.vector_store %arg13[%swap3A_355], %add3A_354 {strides = array<i32>} : memref<256xf32, #tpu.memory_space<vmem>>, vector<16xf32>,
    %slice3A_357 = vector.extract_strided_slice %get3A_96 {offsets = [2], sizes = [1], strides = [1]} : vector<16xi32> to vector<1xi32>
    %squeeze3A_358 = vector.extract %slice3A_357[0] : i32 from vector<1xi32>
    %mul3A_359 = arith.constant 16 : i32
    %mul3A_360 = arith.muli %squeeze3A_358, %mul3A_359 : i32
    %get3A_361 = arith.index_cast %mul3A_360 : i32 to index
    %get3A_362 = tpu.vector_load %arg17[%get3A_361] {strides = array<i32>} : memref<128xf32, #tpu.memory_space<vmem>>, vector<16xf32>,
    %slice3A_363 = vector.extract_strided_slice %get3A_362 {offsets = [0], sizes = [1], strides = [1]} : vector<16xf32> to vector<1xf32>
    %squeeze3A_364 = vector.extract %slice3A_363[0] : f32 from vector<1xf32>
    %slice3A_365 = vector.extract_strided_slice %get3A_362 {offsets = [1], sizes = [1], strides = [1]} : vector<16xf32> to vector<1xf32>
    %squeeze3A_366 = vector.extract %slice3A_365[0] : f32 from vector<1xf32>
    %slice3A_367 = vector.extract_strided_slice %get3A_362 {offsets = [2], sizes = [1], strides = [1]} : vector<16xf32> to vector<1xf32>
    %squeeze3A_368 = vector.extract %slice3A_367[0] : f32 from vector<1xf32>
    %slice3A_369 = vector.extract_strided_slice %get3A_362 {offsets = [3], sizes = [1], strides = [1]} : vector<16xf32> to vector<1xf32>
    %squeeze3A_370 = vector.extract %slice3A_369[0] : f32 from vector<1xf32>
    %slice3A_371 = vector.extract_strided_slice %get3A_362 {offsets = [4], sizes = [1], strides = [1]} : vector<16xf32> to vector<1xf32>
    %squeeze3A_372 = vector.extract %slice3A_371[0] : f32 from vector<1xf32>
    %slice3A_373 = vector.extract_strided_slice %get3A_362 {offsets = [5], sizes = [1], strides = [1]} : vector<16xf32> to vector<1xf32>
    %squeeze3A_374 = vector.extract %slice3A_373[0] : f32 from vector<1xf32>
    %slice3A_375 = vector.extract_strided_slice %get3A_362 {offsets = [6], sizes = [1], strides = [1]} : vector<16xf32> to vector<1xf32>
    %squeeze3A_376 = vector.extract %slice3A_375[0] : f32 from vector<1xf32>
    %slice3A_377 = vector.extract_strided_slice %get3A_362 {offsets = [7], sizes = [1], strides = [1]} : vector<16xf32> to vector<1xf32>
    %squeeze3A_378 = vector.extract %slice3A_377[0] : f32 from vector<1xf32>
    %slice3A_379 = vector.extract_strided_slice %get3A_362 {offsets = [8], sizes = [1], strides = [1]} : vector<16xf32> to vector<1xf32>
    %squeeze3A_380 = vector.extract %slice3A_379[0] : f32 from vector<1xf32>
    %slice3A_381 = vector.extract_strided_slice %get3A_362 {offsets = [9], sizes = [1], strides = [1]} : vector<16xf32> to vector<1xf32>
    %squeeze3A_382 = vector.extract %slice3A_381[0] : f32 from vector<1xf32>
    %slice3A_383 = vector.extract_strided_slice %get3A_362 {offsets = [10], sizes = [1], strides = [1]} : vector<16xf32> to vector<1xf32>
    %squeeze3A_384 = vector.extract %slice3A_383[0] : f32 from vector<1xf32>
    %slice3A_385 = vector.extract_strided_slice %get3A_362 {offsets = [11], sizes = [1], strides = [1]} : vector<16xf32> to vector<1xf32>
    %squeeze3A_386 = vector.extract %slice3A_385[0] : f32 from vector<1xf32>
    %mul3A_387 = vector.broadcast %squeeze3A_364 : f32 to vector<16xf32>
    %mul3A_388 = arith.mulf %mul3A_387, %gather3A : vector<16xf32>
    %mul3A_389 = vector.broadcast %squeeze3A_366 : f32 to vector<16xf32>
    %mul3A_390 = arith.mulf %mul3A_389, %gather3A_79 : vector<16xf32>
    %add3A_391 = arith.addf %mul3A_388, %mul3A_390 : vector<16xf32>
    %mul3A_392 = vector.broadcast %squeeze3A_368 : f32 to vector<16xf32>
    %mul3A_393 = arith.mulf %mul3A_392, %gather3A_83 : vector<16xf32>
    %add3A_394 = arith.addf %add3A_391, %mul3A_393 : vector<16xf32>
    %add3A_395 = vector.broadcast %squeeze3A_370 : f32 to vector<16xf32>
    %add3A_396 = arith.addf %add3A_394, %add3A_395 : vector<16xf32>
    %mul3A_397 = vector.broadcast %squeeze3A_372 : f32 to vector<16xf32>
    %mul3A_398 = arith.mulf %mul3A_397, %gather3A : vector<16xf32>
    %mul3A_399 = vector.broadcast %squeeze3A_374 : f32 to vector<16xf32>
    %mul3A_400 = arith.mulf %mul3A_399, %gather3A_79 : vector<16xf32>
    %add3A_401 = arith.addf %mul3A_398, %mul3A_400 : vector<16xf32>
    %mul3A_402 = vector.broadcast %squeeze3A_376 : f32 to vector<16xf32>
    %mul3A_403 = arith.mulf %mul3A_402, %gather3A_83 : vector<16xf32>
    %add3A_404 = arith.addf %add3A_401, %mul3A_403 : vector<16xf32>
    %add3A_405 = vector.broadcast %squeeze3A_378 : f32 to vector<16xf32>
    %add3A_406 = arith.addf %add3A_404, %add3A_405 : vector<16xf32>
    %mul3A_407 = vector.broadcast %squeeze3A_380 : f32 to vector<16xf32>
    %mul3A_408 = arith.mulf %mul3A_407, %gather3A : vector<16xf32>
    %mul3A_409 = vector.broadcast %squeeze3A_382 : f32 to vector<16xf32>
    %mul3A_410 = arith.mulf %mul3A_409, %gather3A_79 : vector<16xf32>
    %add3A_411 = arith.addf %mul3A_408, %mul3A_410 : vector<16xf32>
    %mul3A_412 = vector.broadcast %squeeze3A_384 : f32 to vector<16xf32>
    %mul3A_413 = arith.mulf %mul3A_412, %gather3A_83 : vector<16xf32>
    %add3A_414 = arith.addf %add3A_411, %mul3A_413 : vector<16xf32>
    %add3A_415 = vector.broadcast %squeeze3A_386 : f32 to vector<16xf32>
    %add3A_416 = arith.addf %add3A_414, %add3A_415 : vector<16xf32>
    %div3A_417 = arith.constant 1.000000e+00 : f32
    %div3A_418 = vector.broadcast %div3A_417 : f32 to vector<16xf32>
    %div3A_419 = arith.divf %div3A_418, %add3A_416 : vector<16xf32>
    %mul3A_420 = arith.mulf %add3A_396, %div3A_419 : vector<16xf32>
    %mul3A_421 = arith.constant 3.200000e+02 : f32
    %mul3A_422 = vector.broadcast %mul3A_421 : f32 to vector<16xf32>
    %mul3A_423 = arith.mulf %mul3A_420, %mul3A_422 : vector<16xf32>
    %add3A_424 = arith.constant 3.200000e+02 : f32
    %add3A_425 = vector.broadcast %add3A_424 : f32 to vector<16xf32>
    %add3A_426 = arith.addf %mul3A_423, %add3A_425 : vector<16xf32>
    %swap3A_427 = arith.constant 64 : index
    %swap3A_428 = tpu.vector_load %arg12[%swap3A_427] {strides = array<i32>} : memref<256xf32, #tpu.memory_space<vmem>>, vector<16xf32>,
    tpu.vector_store %arg12[%swap3A_427], %add3A_426 {strides = array<i32>} : memref<256xf32, #tpu.memory_space<vmem>>, vector<16xf32>,
    %mul3A_429 = arith.mulf %add3A_406, %div3A_419 : vector<16xf32>
    %mul3A_430 = arith.constant 3.200000e+02 : f32
    %mul3A_431 = vector.broadcast %mul3A_430 : f32 to vector<16xf32>
    %mul3A_432 = arith.mulf %mul3A_429, %mul3A_431 : vector<16xf32>
    %add3A_433 = arith.constant 2.400000e+02 : f32
    %add3A_434 = vector.broadcast %add3A_433 : f32 to vector<16xf32>
    %add3A_435 = arith.addf %mul3A_432, %add3A_434 : vector<16xf32>
    %swap3A_436 = arith.constant 64 : index
    %swap3A_437 = tpu.vector_load %arg13[%swap3A_436] {strides = array<i32>} : memref<256xf32, #tpu.memory_space<vmem>>, vector<16xf32>,
    tpu.vector_store %arg13[%swap3A_436], %add3A_435 {strides = array<i32>} : memref<256xf32, #tpu.memory_space<vmem>>, vector<16xf32>,
    %mul3A_438 = vector.broadcast %squeeze3A_364 : f32 to vector<16xf32>
    %mul3A_439 = arith.mulf %mul3A_438, %gather3A_86 : vector<16xf32>
    %mul3A_440 = vector.broadcast %squeeze3A_366 : f32 to vector<16xf32>
    %mul3A_441 = arith.mulf %mul3A_440, %gather3A_90 : vector<16xf32>
    %add3A_442 = arith.addf %mul3A_439, %mul3A_441 : vector<16xf32>
    %mul3A_443 = vector.broadcast %squeeze3A_368 : f32 to vector<16xf32>
    %mul3A_444 = arith.mulf %mul3A_443, %gather3A_94 : vector<16xf32>
    %add3A_445 = arith.addf %add3A_442, %mul3A_444 : vector<16xf32>
    %add3A_446 = vector.broadcast %squeeze3A_370 : f32 to vector<16xf32>
    %add3A_447 = arith.addf %add3A_445, %add3A_446 : vector<16xf32>
    %mul3A_448 = vector.broadcast %squeeze3A_372 : f32 to vector<16xf32>
    %mul3A_449 = arith.mulf %mul3A_448, %gather3A_86 : vector<16xf32>
    %mul3A_450 = vector.broadcast %squeeze3A_374 : f32 to vector<16xf32>
    %mul3A_451 = arith.mulf %mul3A_450, %gather3A_90 : vector<16xf32>
    %add3A_452 = arith.addf %mul3A_449, %mul3A_451 : vector<16xf32>
    %mul3A_453 = vector.broadcast %squeeze3A_376 : f32 to vector<16xf32>
    %mul3A_454 = arith.mulf %mul3A_453, %gather3A_94 : vector<16xf32>
    %add3A_455 = arith.addf %add3A_452, %mul3A_454 : vector<16xf32>
    %add3A_456 = vector.broadcast %squeeze3A_378 : f32 to vector<16xf32>
    %add3A_457 = arith.addf %add3A_455, %add3A_456 : vector<16xf32>
    %mul3A_458 = vector.broadcast %squeeze3A_380 : f32 to vector<16xf32>
    %mul3A_459 = arith.mulf %mul3A_458, %gather3A_86 : vector<16xf32>
    %mul3A_460 = vector.broadcast %squeeze3A_382 : f32 to vector<16xf32>
    %mul3A_461 = arith.mulf %mul3A_460, %gather3A_90 : vector<16xf32>
    %add3A_462 = arith.addf %mul3A_459, %mul3A_461 : vector<16xf32>
    %mul3A_463 = vector.broadcast %squeeze3A_384 : f32 to vector<16xf32>
    %mul3A_464 = arith.mulf %mul3A_463, %gather3A_94 : vector<16xf32>
    %add3A_465 = arith.addf %add3A_462, %mul3A_464 : vector<16xf32>
    %add3A_466 = vector.broadcast %squeeze3A_386 : f32 to vector<16xf32>
    %add3A_467 = arith.addf %add3A_465, %add3A_466 : vector<16xf32>
    %div3A_468 = arith.constant 1.000000e+00 : f32
    %div3A_469 = vector.broadcast %div3A_468 : f32 to vector<16xf32>
    %div3A_470 = arith.divf %div3A_469, %add3A_467 : vector<16xf32>
    %mul3A_471 = arith.mulf %add3A_447, %div3A_470 : vector<16xf32>
    %mul3A_472 = arith.constant 3.200000e+02 : f32
    %mul3A_473 = vector.broadcast %mul3A_472 : f32 to vector<16xf32>
    %mul3A_474 = arith.mulf %mul3A_471, %mul3A_473 : vector<16xf32>
    %add3A_475 = arith.constant 3.200000e+02 : f32
    %add3A_476 = vector.broadcast %add3A_475 : f32 to vector<16xf32>
    %add3A_477 = arith.addf %mul3A_474, %add3A_476 : vector<16xf32>
    %swap3A_478 = arith.constant 80 : index
    %swap3A_479 = tpu.vector_load %arg12[%swap3A_478] {strides = array<i32>} : memref<256xf32, #tpu.memory_space<vmem>>, vector<16xf32>,
    tpu.vector_store %arg12[%swap3A_478], %add3A_477 {strides = array<i32>} : memref<256xf32, #tpu.memory_space<vmem>>, vector<16xf32>,
    %mul3A_480 = arith.mulf %add3A_457, %div3A_470 : vector<16xf32>
    %mul3A_481 = arith.constant 3.200000e+02 : f32
    %mul3A_482 = vector.broadcast %mul3A_481 : f32 to vector<16xf32>
    %mul3A_483 = arith.mulf %mul3A_480, %mul3A_482 : vector<16xf32>
    %add3A_484 = arith.constant 2.400000e+02 : f32
    %add3A_485 = vector.broadcast %add3A_484 : f32 to vector<16xf32>
    %add3A_486 = arith.addf %mul3A_483, %add3A_485 : vector<16xf32>
    %swap3A_487 = arith.constant 80 : index
    %swap3A_488 = tpu.vector_load %arg13[%swap3A_487] {strides = array<i32>} : memref<256xf32, #tpu.memory_space<vmem>>, vector<16xf32>,
    tpu.vector_store %arg13[%swap3A_487], %add3A_486 {strides = array<i32>} : memref<256xf32, #tpu.memory_space<vmem>>, vector<16xf32>,
    %slice3A_489 = vector.extract_strided_slice %get3A_96 {offsets = [3], sizes = [1], strides = [1]} : vector<16xi32> to vector<1xi32>
    %squeeze3A_490 = vector.extract %slice3A_489[0] : i32 from vector<1xi32>
    %mul3A_491 = arith.constant 16 : i32
    %mul3A_492 = arith.muli %squeeze3A_490, %mul3A_491 : i32
    %get3A_493 = arith.index_cast %mul3A_492 : i32 to index
    %get3A_494 = tpu.vector_load %arg17[%get3A_493] {strides = array<i32>} : memref<128xf32, #tpu.memory_space<vmem>>, vector<16xf32>,
    %slice3A_495 = vector.extract_strided_slice %get3A_494 {offsets = [0], sizes = [1], strides = [1]} : vector<16xf32> to vector<1xf32>
    %squeeze3A_496 = vector.extract %slice3A_495[0] : f32 from vector<1xf32>
    %slice3A_497 = vector.extract_strided_slice %get3A_494 {offsets = [1], sizes = [1], strides = [1]} : vector<16xf32> to vector<1xf32>
    %squeeze3A_498 = vector.extract %slice3A_497[0] : f32 from vector<1xf32>
    %slice3A_499 = vector.extract_strided_slice %get3A_494 {offsets = [2], sizes = [1], strides = [1]} : vector<16xf32> to vector<1xf32>
    %squeeze3A_500 = vector.extract %slice3A_499[0] : f32 from vector<1xf32>
    %slice3A_501 = vector.extract_strided_slice %get3A_494 {offsets = [3], sizes = [1], strides = [1]} : vector<16xf32> to vector<1xf32>
    %squeeze3A_502 = vector.extract %slice3A_501[0] : f32 from vector<1xf32>
    %slice3A_503 = vector.extract_strided_slice %get3A_494 {offsets = [4], sizes = [1], strides = [1]} : vector<16xf32> to vector<1xf32>
    %squeeze3A_504 = vector.extract %slice3A_503[0] : f32 from vector<1xf32>
    %slice3A_505 = vector.extract_strided_slice %get3A_494 {offsets = [5], sizes = [1], strides = [1]} : vector<16xf32> to vector<1xf32>
    %squeeze3A_506 = vector.extract %slice3A_505[0] : f32 from vector<1xf32>
    %slice3A_507 = vector.extract_strided_slice %get3A_494 {offsets = [6], sizes = [1], strides = [1]} : vector<16xf32> to vector<1xf32>
    %squeeze3A_508 = vector.extract %slice3A_507[0] : f32 from vector<1xf32>
    %slice3A_509 = vector.extract_strided_slice %get3A_494 {offsets = [7], sizes = [1], strides = [1]} : vector<16xf32> to vector<1xf32>
    %squeeze3A_510 = vector.extract %slice3A_509[0] : f32 from vector<1xf32>
    %slice3A_511 = vector.extract_strided_slice %get3A_494 {offsets = [8], sizes = [1], strides = [1]} : vector<16xf32> to vector<1xf32>
    %squeeze3A_512 = vector.extract %slice3A_511[0] : f32 from vector<1xf32>
    %slice3A_513 = vector.extract_strided_slice %get3A_494 {offsets = [9], sizes = [1], strides = [1]} : vector<16xf32> to vector<1xf32>
    %squeeze3A_514 = vector.extract %slice3A_513[0] : f32 from vector<1xf32>
    %slice3A_515 = vector.extract_strided_slice %get3A_494 {offsets = [10], sizes = [1], strides = [1]} : vector<16xf32> to vector<1xf32>
    %squeeze3A_516 = vector.extract %slice3A_515[0] : f32 from vector<1xf32>
    %slice3A_517 = vector.extract_strided_slice %get3A_494 {offsets = [11], sizes = [1], strides = [1]} : vector<16xf32> to vector<1xf32>
    %squeeze3A_518 = vector.extract %slice3A_517[0] : f32 from vector<1xf32>
    %mul3A_519 = vector.broadcast %squeeze3A_496 : f32 to vector<16xf32>
    %mul3A_520 = arith.mulf %mul3A_519, %gather3A : vector<16xf32>
    %mul3A_521 = vector.broadcast %squeeze3A_498 : f32 to vector<16xf32>
    %mul3A_522 = arith.mulf %mul3A_521, %gather3A_79 : vector<16xf32>
    %add3A_523 = arith.addf %mul3A_520, %mul3A_522 : vector<16xf32>
    %mul3A_524 = vector.broadcast %squeeze3A_500 : f32 to vector<16xf32>
    %mul3A_525 = arith.mulf %mul3A_524, %gather3A_83 : vector<16xf32>
    %add3A_526 = arith.addf %add3A_523, %mul3A_525 : vector<16xf32>
    %add3A_527 = vector.broadcast %squeeze3A_502 : f32 to vector<16xf32>
    %add3A_528 = arith.addf %add3A_526, %add3A_527 : vector<16xf32>
    %mul3A_529 = vector.broadcast %squeeze3A_504 : f32 to vector<16xf32>
    %mul3A_530 = arith.mulf %mul3A_529, %gather3A : vector<16xf32>
    %mul3A_531 = vector.broadcast %squeeze3A_506 : f32 to vector<16xf32>
    %mul3A_532 = arith.mulf %mul3A_531, %gather3A_79 : vector<16xf32>
    %add3A_533 = arith.addf %mul3A_530, %mul3A_532 : vector<16xf32>
    %mul3A_534 = vector.broadcast %squeeze3A_508 : f32 to vector<16xf32>
    %mul3A_535 = arith.mulf %mul3A_534, %gather3A_83 : vector<16xf32>
    %add3A_536 = arith.addf %add3A_533, %mul3A_535 : vector<16xf32>
    %add3A_537 = vector.broadcast %squeeze3A_510 : f32 to vector<16xf32>
    %add3A_538 = arith.addf %add3A_536, %add3A_537 : vector<16xf32>
    %mul3A_539 = vector.broadcast %squeeze3A_512 : f32 to vector<16xf32>
    %mul3A_540 = arith.mulf %mul3A_539, %gather3A : vector<16xf32>
    %mul3A_541 = vector.broadcast %squeeze3A_514 : f32 to vector<16xf32>
    %mul3A_542 = arith.mulf %mul3A_541, %gather3A_79 : vector<16xf32>
    %add3A_543 = arith.addf %mul3A_540, %mul3A_542 : vector<16xf32>
    %mul3A_544 = vector.broadcast %squeeze3A_516 : f32 to vector<16xf32>
    %mul3A_545 = arith.mulf %mul3A_544, %gather3A_83 : vector<16xf32>
    %add3A_546 = arith.addf %add3A_543, %mul3A_545 : vector<16xf32>
    %add3A_547 = vector.broadcast %squeeze3A_518 : f32 to vector<16xf32>
    %add3A_548 = arith.addf %add3A_546, %add3A_547 : vector<16xf32>
    %div3A_549 = arith.constant 1.000000e+00 : f32
    %div3A_550 = vector.broadcast %div3A_549 : f32 to vector<16xf32>
    %div3A_551 = arith.divf %div3A_550, %add3A_548 : vector<16xf32>
    %mul3A_552 = arith.mulf %add3A_528, %div3A_551 : vector<16xf32>
    %mul3A_553 = arith.constant 3.200000e+02 : f32
    %mul3A_554 = vector.broadcast %mul3A_553 : f32 to vector<16xf32>
    %mul3A_555 = arith.mulf %mul3A_552, %mul3A_554 : vector<16xf32>
    %add3A_556 = arith.constant 3.200000e+02 : f32
    %add3A_557 = vector.broadcast %add3A_556 : f32 to vector<16xf32>
    %add3A_558 = arith.addf %mul3A_555, %add3A_557 : vector<16xf32>
    %swap3A_559 = arith.constant 96 : index
    %swap3A_560 = tpu.vector_load %arg12[%swap3A_559] {strides = array<i32>} : memref<256xf32, #tpu.memory_space<vmem>>, vector<16xf32>,
    tpu.vector_store %arg12[%swap3A_559], %add3A_558 {strides = array<i32>} : memref<256xf32, #tpu.memory_space<vmem>>, vector<16xf32>,
    %mul3A_561 = arith.mulf %add3A_538, %div3A_551 : vector<16xf32>
    %mul3A_562 = arith.constant 3.200000e+02 : f32
    %mul3A_563 = vector.broadcast %mul3A_562 : f32 to vector<16xf32>
    %mul3A_564 = arith.mulf %mul3A_561, %mul3A_563 : vector<16xf32>
    %add3A_565 = arith.constant 2.400000e+02 : f32
    %add3A_566 = vector.broadcast %add3A_565 : f32 to vector<16xf32>
    %add3A_567 = arith.addf %mul3A_564, %add3A_566 : vector<16xf32>
    %swap3A_568 = arith.constant 96 : index
    %swap3A_569 = tpu.vector_load %arg13[%swap3A_568] {strides = array<i32>} : memref<256xf32, #tpu.memory_space<vmem>>, vector<16xf32>,
    tpu.vector_store %arg13[%swap3A_568], %add3A_567 {strides = array<i32>} : memref<256xf32, #tpu.memory_space<vmem>>, vector<16xf32>,
    %mul3A_570 = vector.broadcast %squeeze3A_496 : f32 to vector<16xf32>
    %mul3A_571 = arith.mulf %mul3A_570, %gather3A_86 : vector<16xf32>
    %mul3A_572 = vector.broadcast %squeeze3A_498 : f32 to vector<16xf32>
    %mul3A_573 = arith.mulf %mul3A_572, %gather3A_90 : vector<16xf32>
    %add3A_574 = arith.addf %mul3A_571, %mul3A_573 : vector<16xf32>
    %mul3A_575 = vector.broadcast %squeeze3A_500 : f32 to vector<16xf32>
    %mul3A_576 = arith.mulf %mul3A_575, %gather3A_94 : vector<16xf32>
    %add3A_577 = arith.addf %add3A_574, %mul3A_576 : vector<16xf32>
    %add3A_578 = vector.broadcast %squeeze3A_502 : f32 to vector<16xf32>
    %add3A_579 = arith.addf %add3A_577, %add3A_578 : vector<16xf32>
    %mul3A_580 = vector.broadcast %squeeze3A_504 : f32 to vector<16xf32>
    %mul3A_581 = arith.mulf %mul3A_580, %gather3A_86 : vector<16xf32>
    %mul3A_582 = vector.broadcast %squeeze3A_506 : f32 to vector<16xf32>
    %mul3A_583 = arith.mulf %mul3A_582, %gather3A_90 : vector<16xf32>
    %add3A_584 = arith.addf %mul3A_581, %mul3A_583 : vector<16xf32>
    %mul3A_585 = vector.broadcast %squeeze3A_508 : f32 to vector<16xf32>
    %mul3A_586 = arith.mulf %mul3A_585, %gather3A_94 : vector<16xf32>
    %add3A_587 = arith.addf %add3A_584, %mul3A_586 : vector<16xf32>
    %add3A_588 = vector.broadcast %squeeze3A_510 : f32 to vector<16xf32>
    %add3A_589 = arith.addf %add3A_587, %add3A_588 : vector<16xf32>
    %mul3A_590 = vector.broadcast %squeeze3A_512 : f32 to vector<16xf32>
    %mul3A_591 = arith.mulf %mul3A_590, %gather3A_86 : vector<16xf32>
    %mul3A_592 = vector.broadcast %squeeze3A_514 : f32 to vector<16xf32>
    %mul3A_593 = arith.mulf %mul3A_592, %gather3A_90 : vector<16xf32>
    %add3A_594 = arith.addf %mul3A_591, %mul3A_593 : vector<16xf32>
    %mul3A_595 = vector.broadcast %squeeze3A_516 : f32 to vector<16xf32>
    %mul3A_596 = arith.mulf %mul3A_595, %gather3A_94 : vector<16xf32>
    %add3A_597 = arith.addf %add3A_594, %mul3A_596 : vector<16xf32>
    %add3A_598 = vector.broadcast %squeeze3A_518 : f32 to vector<16xf32>
    %add3A_599 = arith.addf %add3A_597, %add3A_598 : vector<16xf32>
    %div3A_600 = arith.constant 1.000000e+00 : f32
    %div3A_601 = vector.broadcast %div3A_600 : f32 to vector<16xf32>
    %div3A_602 = arith.divf %div3A_601, %add3A_599 : vector<16xf32>
    %mul3A_603 = arith.mulf %add3A_579, %div3A_602 : vector<16xf32>
    %mul3A_604 = arith.constant 3.200000e+02 : f32
    %mul3A_605 = vector.broadcast %mul3A_604 : f32 to vector<16xf32>
    %mul3A_606 = arith.mulf %mul3A_603, %mul3A_605 : vector<16xf32>
    %add3A_607 = arith.constant 3.200000e+02 : f32
    %add3A_608 = vector.broadcast %add3A_607 : f32 to vector<16xf32>
    %add3A_609 = arith.addf %mul3A_606, %add3A_608 : vector<16xf32>
    %swap3A_610 = arith.constant 112 : index
    %swap3A_611 = tpu.vector_load %arg12[%swap3A_610] {strides = array<i32>} : memref<256xf32, #tpu.memory_space<vmem>>, vector<16xf32>,
    tpu.vector_store %arg12[%swap3A_610], %add3A_609 {strides = array<i32>} : memref<256xf32, #tpu.memory_space<vmem>>, vector<16xf32>,
    %mul3A_612 = arith.mulf %add3A_589, %div3A_602 : vector<16xf32>
    %mul3A_613 = arith.constant 3.200000e+02 : f32
    %mul3A_614 = vector.broadcast %mul3A_613 : f32 to vector<16xf32>
    %mul3A_615 = arith.mulf %mul3A_612, %mul3A_614 : vector<16xf32>
    %add3A_616 = arith.constant 2.400000e+02 : f32
    %add3A_617 = vector.broadcast %add3A_616 : f32 to vector<16xf32>
    %add3A_618 = arith.addf %mul3A_615, %add3A_617 : vector<16xf32>
    %swap3A_619 = arith.constant 112 : index
    %swap3A_620 = tpu.vector_load %arg13[%swap3A_619] {strides = array<i32>} : memref<256xf32, #tpu.memory_space<vmem>>, vector<16xf32>,
    tpu.vector_store %arg13[%swap3A_619], %add3A_618 {strides = array<i32>} : memref<256xf32, #tpu.memory_space<vmem>>, vector<16xf32>,
    %slice3A_621 = vector.extract_strided_slice %get3A_96 {offsets = [4], sizes = [1], strides = [1]} : vector<16xi32> to vector<1xi32>
    %squeeze3A_622 = vector.extract %slice3A_621[0] : i32 from vector<1xi32>
    %mul3A_623 = arith.constant 16 : i32
    %mul3A_624 = arith.muli %squeeze3A_622, %mul3A_623 : i32
    %get3A_625 = arith.index_cast %mul3A_624 : i32 to index
    %get3A_626 = tpu.vector_load %arg17[%get3A_625] {strides = array<i32>} : memref<128xf32, #tpu.memory_space<vmem>>, vector<16xf32>,
    %slice3A_627 = vector.extract_strided_slice %get3A_626 {offsets = [0], sizes = [1], strides = [1]} : vector<16xf32> to vector<1xf32>
    %squeeze3A_628 = vector.extract %slice3A_627[0] : f32 from vector<1xf32>
    %slice3A_629 = vector.extract_strided_slice %get3A_626 {offsets = [1], sizes = [1], strides = [1]} : vector<16xf32> to vector<1xf32>
    %squeeze3A_630 = vector.extract %slice3A_629[0] : f32 from vector<1xf32>
    %slice3A_631 = vector.extract_strided_slice %get3A_626 {offsets = [2], sizes = [1], strides = [1]} : vector<16xf32> to vector<1xf32>
    %squeeze3A_632 = vector.extract %slice3A_631[0] : f32 from vector<1xf32>
    %slice3A_633 = vector.extract_strided_slice %get3A_626 {offsets = [3], sizes = [1], strides = [1]} : vector<16xf32> to vector<1xf32>
    %squeeze3A_634 = vector.extract %slice3A_633[0] : f32 from vector<1xf32>
    %slice3A_635 = vector.extract_strided_slice %get3A_626 {offsets = [4], sizes = [1], strides = [1]} : vector<16xf32> to vector<1xf32>
    %squeeze3A_636 = vector.extract %slice3A_635[0] : f32 from vector<1xf32>
    %slice3A_637 = vector.extract_strided_slice %get3A_626 {offsets = [5], sizes = [1], strides = [1]} : vector<16xf32> to vector<1xf32>
    %squeeze3A_638 = vector.extract %slice3A_637[0] : f32 from vector<1xf32>
    %slice3A_639 = vector.extract_strided_slice %get3A_626 {offsets = [6], sizes = [1], strides = [1]} : vector<16xf32> to vector<1xf32>
    %squeeze3A_640 = vector.extract %slice3A_639[0] : f32 from vector<1xf32>
    %slice3A_641 = vector.extract_strided_slice %get3A_626 {offsets = [7], sizes = [1], strides = [1]} : vector<16xf32> to vector<1xf32>
    %squeeze3A_642 = vector.extract %slice3A_641[0] : f32 from vector<1xf32>
    %slice3A_643 = vector.extract_strided_slice %get3A_626 {offsets = [8], sizes = [1], strides = [1]} : vector<16xf32> to vector<1xf32>
    %squeeze3A_644 = vector.extract %slice3A_643[0] : f32 from vector<1xf32>
    %slice3A_645 = vector.extract_strided_slice %get3A_626 {offsets = [9], sizes = [1], strides = [1]} : vector<16xf32> to vector<1xf32>
    %squeeze3A_646 = vector.extract %slice3A_645[0] : f32 from vector<1xf32>
    %slice3A_647 = vector.extract_strided_slice %get3A_626 {offsets = [10], sizes = [1], strides = [1]} : vector<16xf32> to vector<1xf32>
    %squeeze3A_648 = vector.extract %slice3A_647[0] : f32 from vector<1xf32>
    %slice3A_649 = vector.extract_strided_slice %get3A_626 {offsets = [11], sizes = [1], strides = [1]} : vector<16xf32> to vector<1xf32>
    %squeeze3A_650 = vector.extract %slice3A_649[0] : f32 from vector<1xf32>
    %mul3A_651 = vector.broadcast %squeeze3A_628 : f32 to vector<16xf32>
    %mul3A_652 = arith.mulf %mul3A_651, %gather3A : vector<16xf32>
    %mul3A_653 = vector.broadcast %squeeze3A_630 : f32 to vector<16xf32>
    %mul3A_654 = arith.mulf %mul3A_653, %gather3A_79 : vector<16xf32>
    %add3A_655 = arith.addf %mul3A_652, %mul3A_654 : vector<16xf32>
    %mul3A_656 = vector.broadcast %squeeze3A_632 : f32 to vector<16xf32>
    %mul3A_657 = arith.mulf %mul3A_656, %gather3A_83 : vector<16xf32>
    %add3A_658 = arith.addf %add3A_655, %mul3A_657 : vector<16xf32>
    %add3A_659 = vector.broadcast %squeeze3A_634 : f32 to vector<16xf32>
    %add3A_660 = arith.addf %add3A_658, %add3A_659 : vector<16xf32>
    %mul3A_661 = vector.broadcast %squeeze3A_636 : f32 to vector<16xf32>
    %mul3A_662 = arith.mulf %mul3A_661, %gather3A : vector<16xf32>
    %mul3A_663 = vector.broadcast %squeeze3A_638 : f32 to vector<16xf32>
    %mul3A_664 = arith.mulf %mul3A_663, %gather3A_79 : vector<16xf32>
    %add3A_665 = arith.addf %mul3A_662, %mul3A_664 : vector<16xf32>
    %mul3A_666 = vector.broadcast %squeeze3A_640 : f32 to vector<16xf32>
    %mul3A_667 = arith.mulf %mul3A_666, %gather3A_83 : vector<16xf32>
    %add3A_668 = arith.addf %add3A_665, %mul3A_667 : vector<16xf32>
    %add3A_669 = vector.broadcast %squeeze3A_642 : f32 to vector<16xf32>
    %add3A_670 = arith.addf %add3A_668, %add3A_669 : vector<16xf32>
    %mul3A_671 = vector.broadcast %squeeze3A_644 : f32 to vector<16xf32>
    %mul3A_672 = arith.mulf %mul3A_671, %gather3A : vector<16xf32>
    %mul3A_673 = vector.broadcast %squeeze3A_646 : f32 to vector<16xf32>
    %mul3A_674 = arith.mulf %mul3A_673, %gather3A_79 : vector<16xf32>
    %add3A_675 = arith.addf %mul3A_672, %mul3A_674 : vector<16xf32>
    %mul3A_676 = vector.broadcast %squeeze3A_648 : f32 to vector<16xf32>
    %mul3A_677 = arith.mulf %mul3A_676, %gather3A_83 : vector<16xf32>
    %add3A_678 = arith.addf %add3A_675, %mul3A_677 : vector<16xf32>
    %add3A_679 = vector.broadcast %squeeze3A_650 : f32 to vector<16xf32>
    %add3A_680 = arith.addf %add3A_678, %add3A_679 : vector<16xf32>
    %div3A_681 = arith.constant 1.000000e+00 : f32
    %div3A_682 = vector.broadcast %div3A_681 : f32 to vector<16xf32>
    %div3A_683 = arith.divf %div3A_682, %add3A_680 : vector<16xf32>
    %mul3A_684 = arith.mulf %add3A_660, %div3A_683 : vector<16xf32>
    %mul3A_685 = arith.constant 3.200000e+02 : f32
    %mul3A_686 = vector.broadcast %mul3A_685 : f32 to vector<16xf32>
    %mul3A_687 = arith.mulf %mul3A_684, %mul3A_686 : vector<16xf32>
    %add3A_688 = arith.constant 3.200000e+02 : f32
    %add3A_689 = vector.broadcast %add3A_688 : f32 to vector<16xf32>
    %add3A_690 = arith.addf %mul3A_687, %add3A_689 : vector<16xf32>
    %swap3A_691 = arith.constant 128 : index
    %swap3A_692 = tpu.vector_load %arg12[%swap3A_691] {strides = array<i32>} : memref<256xf32, #tpu.memory_space<vmem>>, vector<16xf32>,
    tpu.vector_store %arg12[%swap3A_691], %add3A_690 {strides = array<i32>} : memref<256xf32, #tpu.memory_space<vmem>>, vector<16xf32>,
    %mul3A_693 = arith.mulf %add3A_670, %div3A_683 : vector<16xf32>
    %mul3A_694 = arith.constant 3.200000e+02 : f32
    %mul3A_695 = vector.broadcast %mul3A_694 : f32 to vector<16xf32>
    %mul3A_696 = arith.mulf %mul3A_693, %mul3A_695 : vector<16xf32>
    %add3A_697 = arith.constant 2.400000e+02 : f32
    %add3A_698 = vector.broadcast %add3A_697 : f32 to vector<16xf32>
    %add3A_699 = arith.addf %mul3A_696, %add3A_698 : vector<16xf32>
    %swap3A_700 = arith.constant 128 : index
    %swap3A_701 = tpu.vector_load %arg13[%swap3A_700] {strides = array<i32>} : memref<256xf32, #tpu.memory_space<vmem>>, vector<16xf32>,
    tpu.vector_store %arg13[%swap3A_700], %add3A_699 {strides = array<i32>} : memref<256xf32, #tpu.memory_space<vmem>>, vector<16xf32>,
    %mul3A_702 = vector.broadcast %squeeze3A_628 : f32 to vector<16xf32>
    %mul3A_703 = arith.mulf %mul3A_702, %gather3A_86 : vector<16xf32>
    %mul3A_704 = vector.broadcast %squeeze3A_630 : f32 to vector<16xf32>
    %mul3A_705 = arith.mulf %mul3A_704, %gather3A_90 : vector<16xf32>
    %add3A_706 = arith.addf %mul3A_703, %mul3A_705 : vector<16xf32>
    %mul3A_707 = vector.broadcast %squeeze3A_632 : f32 to vector<16xf32>
    %mul3A_708 = arith.mulf %mul3A_707, %gather3A_94 : vector<16xf32>
    %add3A_709 = arith.addf %add3A_706, %mul3A_708 : vector<16xf32>
    %add3A_710 = vector.broadcast %squeeze3A_634 : f32 to vector<16xf32>
    %add3A_711 = arith.addf %add3A_709, %add3A_710 : vector<16xf32>
    %mul3A_712 = vector.broadcast %squeeze3A_636 : f32 to vector<16xf32>
    %mul3A_713 = arith.mulf %mul3A_712, %gather3A_86 : vector<16xf32>
    %mul3A_714 = vector.broadcast %squeeze3A_638 : f32 to vector<16xf32>
    %mul3A_715 = arith.mulf %mul3A_714, %gather3A_90 : vector<16xf32>
    %add3A_716 = arith.addf %mul3A_713, %mul3A_715 : vector<16xf32>
    %mul3A_717 = vector.broadcast %squeeze3A_640 : f32 to vector<16xf32>
    %mul3A_718 = arith.mulf %mul3A_717, %gather3A_94 : vector<16xf32>
    %add3A_719 = arith.addf %add3A_716, %mul3A_718 : vector<16xf32>
    %add3A_720 = vector.broadcast %squeeze3A_642 : f32 to vector<16xf32>
    %add3A_721 = arith.addf %add3A_719, %add3A_720 : vector<16xf32>
    %mul3A_722 = vector.broadcast %squeeze3A_644 : f32 to vector<16xf32>
    %mul3A_723 = arith.mulf %mul3A_722, %gather3A_86 : vector<16xf32>
    %mul3A_724 = vector.broadcast %squeeze3A_646 : f32 to vector<16xf32>
    %mul3A_725 = arith.mulf %mul3A_724, %gather3A_90 : vector<16xf32>
    %add3A_726 = arith.addf %mul3A_723, %mul3A_725 : vector<16xf32>
    %mul3A_727 = vector.broadcast %squeeze3A_648 : f32 to vector<16xf32>
    %mul3A_728 = arith.mulf %mul3A_727, %gather3A_94 : vector<16xf32>
    %add3A_729 = arith.addf %add3A_726, %mul3A_728 : vector<16xf32>
    %add3A_730 = vector.broadcast %squeeze3A_650 : f32 to vector<16xf32>
    %add3A_731 = arith.addf %add3A_729, %add3A_730 : vector<16xf32>
    %div3A_732 = arith.constant 1.000000e+00 : f32
    %div3A_733 = vector.broadcast %div3A_732 : f32 to vector<16xf32>
    %div3A_734 = arith.divf %div3A_733, %add3A_731 : vector<16xf32>
    %mul3A_735 = arith.mulf %add3A_711, %div3A_734 : vector<16xf32>
    %mul3A_736 = arith.constant 3.200000e+02 : f32
    %mul3A_737 = vector.broadcast %mul3A_736 : f32 to vector<16xf32>
    %mul3A_738 = arith.mulf %mul3A_735, %mul3A_737 : vector<16xf32>
    %add3A_739 = arith.constant 3.200000e+02 : f32
    %add3A_740 = vector.broadcast %add3A_739 : f32 to vector<16xf32>
    %add3A_741 = arith.addf %mul3A_738, %add3A_740 : vector<16xf32>
    %swap3A_742 = arith.constant 144 : index
    %swap3A_743 = tpu.vector_load %arg12[%swap3A_742] {strides = array<i32>} : memref<256xf32, #tpu.memory_space<vmem>>, vector<16xf32>,
    tpu.vector_store %arg12[%swap3A_742], %add3A_741 {strides = array<i32>} : memref<256xf32, #tpu.memory_space<vmem>>, vector<16xf32>,
    %mul3A_744 = arith.mulf %add3A_721, %div3A_734 : vector<16xf32>
    %mul3A_745 = arith.constant 3.200000e+02 : f32
    %mul3A_746 = vector.broadcast %mul3A_745 : f32 to vector<16xf32>
    %mul3A_747 = arith.mulf %mul3A_744, %mul3A_746 : vector<16xf32>
    %add3A_748 = arith.constant 2.400000e+02 : f32
    %add3A_749 = vector.broadcast %add3A_748 : f32 to vector<16xf32>
    %add3A_750 = arith.addf %mul3A_747, %add3A_749 : vector<16xf32>
    %swap3A_751 = arith.constant 144 : index
    %swap3A_752 = tpu.vector_load %arg13[%swap3A_751] {strides = array<i32>} : memref<256xf32, #tpu.memory_space<vmem>>, vector<16xf32>,
    tpu.vector_store %arg13[%swap3A_751], %add3A_750 {strides = array<i32>} : memref<256xf32, #tpu.memory_space<vmem>>, vector<16xf32>,
    %slice3A_753 = vector.extract_strided_slice %get3A_96 {offsets = [5], sizes = [1], strides = [1]} : vector<16xi32> to vector<1xi32>
    %squeeze3A_754 = vector.extract %slice3A_753[0] : i32 from vector<1xi32>
    %mul3A_755 = arith.constant 16 : i32
    %mul3A_756 = arith.muli %squeeze3A_754, %mul3A_755 : i32
    %get3A_757 = arith.index_cast %mul3A_756 : i32 to index
    %get3A_758 = tpu.vector_load %arg17[%get3A_757] {strides = array<i32>} : memref<128xf32, #tpu.memory_space<vmem>>, vector<16xf32>,
    %slice3A_759 = vector.extract_strided_slice %get3A_758 {offsets = [0], sizes = [1], strides = [1]} : vector<16xf32> to vector<1xf32>
    %squeeze3A_760 = vector.extract %slice3A_759[0] : f32 from vector<1xf32>
    %slice3A_761 = vector.extract_strided_slice %get3A_758 {offsets = [1], sizes = [1], strides = [1]} : vector<16xf32> to vector<1xf32>
    %squeeze3A_762 = vector.extract %slice3A_761[0] : f32 from vector<1xf32>
    %slice3A_763 = vector.extract_strided_slice %get3A_758 {offsets = [2], sizes = [1], strides = [1]} : vector<16xf32> to vector<1xf32>
    %squeeze3A_764 = vector.extract %slice3A_763[0] : f32 from vector<1xf32>
    %slice3A_765 = vector.extract_strided_slice %get3A_758 {offsets = [3], sizes = [1], strides = [1]} : vector<16xf32> to vector<1xf32>
    %squeeze3A_766 = vector.extract %slice3A_765[0] : f32 from vector<1xf32>
    %slice3A_767 = vector.extract_strided_slice %get3A_758 {offsets = [4], sizes = [1], strides = [1]} : vector<16xf32> to vector<1xf32>
    %squeeze3A_768 = vector.extract %slice3A_767[0] : f32 from vector<1xf32>
    %slice3A_769 = vector.extract_strided_slice %get3A_758 {offsets = [5], sizes = [1], strides = [1]} : vector<16xf32> to vector<1xf32>
    %squeeze3A_770 = vector.extract %slice3A_769[0] : f32 from vector<1xf32>
    %slice3A_771 = vector.extract_strided_slice %get3A_758 {offsets = [6], sizes = [1], strides = [1]} : vector<16xf32> to vector<1xf32>
    %squeeze3A_772 = vector.extract %slice3A_771[0] : f32 from vector<1xf32>
    %slice3A_773 = vector.extract_strided_slice %get3A_758 {offsets = [7], sizes = [1], strides = [1]} : vector<16xf32> to vector<1xf32>
    %squeeze3A_774 = vector.extract %slice3A_773[0] : f32 from vector<1xf32>
    %slice3A_775 = vector.extract_strided_slice %get3A_758 {offsets = [8], sizes = [1], strides = [1]} : vector<16xf32> to vector<1xf32>
    %squeeze3A_776 = vector.extract %slice3A_775[0] : f32 from vector<1xf32>
    %slice3A_777 = vector.extract_strided_slice %get3A_758 {offsets = [9], sizes = [1], strides = [1]} : vector<16xf32> to vector<1xf32>
    %squeeze3A_778 = vector.extract %slice3A_777[0] : f32 from vector<1xf32>
    %slice3A_779 = vector.extract_strided_slice %get3A_758 {offsets = [10], sizes = [1], strides = [1]} : vector<16xf32> to vector<1xf32>
    %squeeze3A_780 = vector.extract %slice3A_779[0] : f32 from vector<1xf32>
    %slice3A_781 = vector.extract_strided_slice %get3A_758 {offsets = [11], sizes = [1], strides = [1]} : vector<16xf32> to vector<1xf32>
    %squeeze3A_782 = vector.extract %slice3A_781[0] : f32 from vector<1xf32>
    %mul3A_783 = vector.broadcast %squeeze3A_760 : f32 to vector<16xf32>
    %mul3A_784 = arith.mulf %mul3A_783, %gather3A : vector<16xf32>
    %mul3A_785 = vector.broadcast %squeeze3A_762 : f32 to vector<16xf32>
    %mul3A_786 = arith.mulf %mul3A_785, %gather3A_79 : vector<16xf32>
    %add3A_787 = arith.addf %mul3A_784, %mul3A_786 : vector<16xf32>
    %mul3A_788 = vector.broadcast %squeeze3A_764 : f32 to vector<16xf32>
    %mul3A_789 = arith.mulf %mul3A_788, %gather3A_83 : vector<16xf32>
    %add3A_790 = arith.addf %add3A_787, %mul3A_789 : vector<16xf32>
    %add3A_791 = vector.broadcast %squeeze3A_766 : f32 to vector<16xf32>
    %add3A_792 = arith.addf %add3A_790, %add3A_791 : vector<16xf32>
    %mul3A_793 = vector.broadcast %squeeze3A_768 : f32 to vector<16xf32>
    %mul3A_794 = arith.mulf %mul3A_793, %gather3A : vector<16xf32>
    %mul3A_795 = vector.broadcast %squeeze3A_770 : f32 to vector<16xf32>
    %mul3A_796 = arith.mulf %mul3A_795, %gather3A_79 : vector<16xf32>
    %add3A_797 = arith.addf %mul3A_794, %mul3A_796 : vector<16xf32>
    %mul3A_798 = vector.broadcast %squeeze3A_772 : f32 to vector<16xf32>
    %mul3A_799 = arith.mulf %mul3A_798, %gather3A_83 : vector<16xf32>
    %add3A_800 = arith.addf %add3A_797, %mul3A_799 : vector<16xf32>
    %add3A_801 = vector.broadcast %squeeze3A_774 : f32 to vector<16xf32>
    %add3A_802 = arith.addf %add3A_800, %add3A_801 : vector<16xf32>
    %mul3A_803 = vector.broadcast %squeeze3A_776 : f32 to vector<16xf32>
    %mul3A_804 = arith.mulf %mul3A_803, %gather3A : vector<16xf32>
    %mul3A_805 = vector.broadcast %squeeze3A_778 : f32 to vector<16xf32>
    %mul3A_806 = arith.mulf %mul3A_805, %gather3A_79 : vector<16xf32>
    %add3A_807 = arith.addf %mul3A_804, %mul3A_806 : vector<16xf32>
    %mul3A_808 = vector.broadcast %squeeze3A_780 : f32 to vector<16xf32>
    %mul3A_809 = arith.mulf %mul3A_808, %gather3A_83 : vector<16xf32>
    %add3A_810 = arith.addf %add3A_807, %mul3A_809 : vector<16xf32>
    %add3A_811 = vector.broadcast %squeeze3A_782 : f32 to vector<16xf32>
    %add3A_812 = arith.addf %add3A_810, %add3A_811 : vector<16xf32>
    %div3A_813 = arith.constant 1.000000e+00 : f32
    %div3A_814 = vector.broadcast %div3A_813 : f32 to vector<16xf32>
    %div3A_815 = arith.divf %div3A_814, %add3A_812 : vector<16xf32>
    %mul3A_816 = arith.mulf %add3A_792, %div3A_815 : vector<16xf32>
    %mul3A_817 = arith.constant 3.200000e+02 : f32
    %mul3A_818 = vector.broadcast %mul3A_817 : f32 to vector<16xf32>
    %mul3A_819 = arith.mulf %mul3A_816, %mul3A_818 : vector<16xf32>
    %add3A_820 = arith.constant 3.200000e+02 : f32
    %add3A_821 = vector.broadcast %add3A_820 : f32 to vector<16xf32>
    %add3A_822 = arith.addf %mul3A_819, %add3A_821 : vector<16xf32>
    %swap3A_823 = arith.constant 160 : index
    %swap3A_824 = tpu.vector_load %arg12[%swap3A_823] {strides = array<i32>} : memref<256xf32, #tpu.memory_space<vmem>>, vector<16xf32>,
    tpu.vector_store %arg12[%swap3A_823], %add3A_822 {strides = array<i32>} : memref<256xf32, #tpu.memory_space<vmem>>, vector<16xf32>,
    %mul3A_825 = arith.mulf %add3A_802, %div3A_815 : vector<16xf32>
    %mul3A_826 = arith.constant 3.200000e+02 : f32
    %mul3A_827 = vector.broadcast %mul3A_826 : f32 to vector<16xf32>
    %mul3A_828 = arith.mulf %mul3A_825, %mul3A_827 : vector<16xf32>
    %add3A_829 = arith.constant 2.400000e+02 : f32
    %add3A_830 = vector.broadcast %add3A_829 : f32 to vector<16xf32>
    %add3A_831 = arith.addf %mul3A_828, %add3A_830 : vector<16xf32>
    %swap3A_832 = arith.constant 160 : index
    %swap3A_833 = tpu.vector_load %arg13[%swap3A_832] {strides = array<i32>} : memref<256xf32, #tpu.memory_space<vmem>>, vector<16xf32>,
    tpu.vector_store %arg13[%swap3A_832], %add3A_831 {strides = array<i32>} : memref<256xf32, #tpu.memory_space<vmem>>, vector<16xf32>,
    %mul3A_834 = vector.broadcast %squeeze3A_760 : f32 to vector<16xf32>
    %mul3A_835 = arith.mulf %mul3A_834, %gather3A_86 : vector<16xf32>
    %mul3A_836 = vector.broadcast %squeeze3A_762 : f32 to vector<16xf32>
    %mul3A_837 = arith.mulf %mul3A_836, %gather3A_90 : vector<16xf32>
    %add3A_838 = arith.addf %mul3A_835, %mul3A_837 : vector<16xf32>
    %mul3A_839 = vector.broadcast %squeeze3A_764 : f32 to vector<16xf32>
    %mul3A_840 = arith.mulf %mul3A_839, %gather3A_94 : vector<16xf32>
    %add3A_841 = arith.addf %add3A_838, %mul3A_840 : vector<16xf32>
    %add3A_842 = vector.broadcast %squeeze3A_766 : f32 to vector<16xf32>
    %add3A_843 = arith.addf %add3A_841, %add3A_842 : vector<16xf32>
    %mul3A_844 = vector.broadcast %squeeze3A_768 : f32 to vector<16xf32>
    %mul3A_845 = arith.mulf %mul3A_844, %gather3A_86 : vector<16xf32>
    %mul3A_846 = vector.broadcast %squeeze3A_770 : f32 to vector<16xf32>
    %mul3A_847 = arith.mulf %mul3A_846, %gather3A_90 : vector<16xf32>
    %add3A_848 = arith.addf %mul3A_845, %mul3A_847 : vector<16xf32>
    %mul3A_849 = vector.broadcast %squeeze3A_772 : f32 to vector<16xf32>
    %mul3A_850 = arith.mulf %mul3A_849, %gather3A_94 : vector<16xf32>
    %add3A_851 = arith.addf %add3A_848, %mul3A_850 : vector<16xf32>
    %add3A_852 = vector.broadcast %squeeze3A_774 : f32 to vector<16xf32>
    %add3A_853 = arith.addf %add3A_851, %add3A_852 : vector<16xf32>
    %mul3A_854 = vector.broadcast %squeeze3A_776 : f32 to vector<16xf32>
    %mul3A_855 = arith.mulf %mul3A_854, %gather3A_86 : vector<16xf32>
    %mul3A_856 = vector.broadcast %squeeze3A_778 : f32 to vector<16xf32>
    %mul3A_857 = arith.mulf %mul3A_856, %gather3A_90 : vector<16xf32>
    %add3A_858 = arith.addf %mul3A_855, %mul3A_857 : vector<16xf32>
    %mul3A_859 = vector.broadcast %squeeze3A_780 : f32 to vector<16xf32>
    %mul3A_860 = arith.mulf %mul3A_859, %gather3A_94 : vector<16xf32>
    %add3A_861 = arith.addf %add3A_858, %mul3A_860 : vector<16xf32>
    %add3A_862 = vector.broadcast %squeeze3A_782 : f32 to vector<16xf32>
    %add3A_863 = arith.addf %add3A_861, %add3A_862 : vector<16xf32>
    %div3A_864 = arith.constant 1.000000e+00 : f32
    %div3A_865 = vector.broadcast %div3A_864 : f32 to vector<16xf32>
    %div3A_866 = arith.divf %div3A_865, %add3A_863 : vector<16xf32>
    %mul3A_867 = arith.mulf %add3A_843, %div3A_866 : vector<16xf32>
    %mul3A_868 = arith.constant 3.200000e+02 : f32
    %mul3A_869 = vector.broadcast %mul3A_868 : f32 to vector<16xf32>
    %mul3A_870 = arith.mulf %mul3A_867, %mul3A_869 : vector<16xf32>
    %add3A_871 = arith.constant 3.200000e+02 : f32
    %add3A_872 = vector.broadcast %add3A_871 : f32 to vector<16xf32>
    %add3A_873 = arith.addf %mul3A_870, %add3A_872 : vector<16xf32>
    %swap3A_874 = arith.constant 176 : index
    %swap3A_875 = tpu.vector_load %arg12[%swap3A_874] {strides = array<i32>} : memref<256xf32, #tpu.memory_space<vmem>>, vector<16xf32>,
    tpu.vector_store %arg12[%swap3A_874], %add3A_873 {strides = array<i32>} : memref<256xf32, #tpu.memory_space<vmem>>, vector<16xf32>,
    %mul3A_876 = arith.mulf %add3A_853, %div3A_866 : vector<16xf32>
    %mul3A_877 = arith.constant 3.200000e+02 : f32
    %mul3A_878 = vector.broadcast %mul3A_877 : f32 to vector<16xf32>
    %mul3A_879 = arith.mulf %mul3A_876, %mul3A_878 : vector<16xf32>
    %add3A_880 = arith.constant 2.400000e+02 : f32
    %add3A_881 = vector.broadcast %add3A_880 : f32 to vector<16xf32>
    %add3A_882 = arith.addf %mul3A_879, %add3A_881 : vector<16xf32>
    %swap3A_883 = arith.constant 176 : index
    %swap3A_884 = tpu.vector_load %arg13[%swap3A_883] {strides = array<i32>} : memref<256xf32, #tpu.memory_space<vmem>>, vector<16xf32>,
    tpu.vector_store %arg13[%swap3A_883], %add3A_882 {strides = array<i32>} : memref<256xf32, #tpu.memory_space<vmem>>, vector<16xf32>,
    %slice3A_885 = vector.extract_strided_slice %get3A_96 {offsets = [6], sizes = [1], strides = [1]} : vector<16xi32> to vector<1xi32>
    %squeeze3A_886 = vector.extract %slice3A_885[0] : i32 from vector<1xi32>
    %mul3A_887 = arith.constant 16 : i32
    %mul3A_888 = arith.muli %squeeze3A_886, %mul3A_887 : i32
    %get3A_889 = arith.index_cast %mul3A_888 : i32 to index
    %get3A_890 = tpu.vector_load %arg17[%get3A_889] {strides = array<i32>} : memref<128xf32, #tpu.memory_space<vmem>>, vector<16xf32>,
    %slice3A_891 = vector.extract_strided_slice %get3A_890 {offsets = [0], sizes = [1], strides = [1]} : vector<16xf32> to vector<1xf32>
    %squeeze3A_892 = vector.extract %slice3A_891[0] : f32 from vector<1xf32>
    %slice3A_893 = vector.extract_strided_slice %get3A_890 {offsets = [1], sizes = [1], strides = [1]} : vector<16xf32> to vector<1xf32>
    %squeeze3A_894 = vector.extract %slice3A_893[0] : f32 from vector<1xf32>
    %slice3A_895 = vector.extract_strided_slice %get3A_890 {offsets = [2], sizes = [1], strides = [1]} : vector<16xf32> to vector<1xf32>
    %squeeze3A_896 = vector.extract %slice3A_895[0] : f32 from vector<1xf32>
    %slice3A_897 = vector.extract_strided_slice %get3A_890 {offsets = [3], sizes = [1], strides = [1]} : vector<16xf32> to vector<1xf32>
    %squeeze3A_898 = vector.extract %slice3A_897[0] : f32 from vector<1xf32>
    %slice3A_899 = vector.extract_strided_slice %get3A_890 {offsets = [4], sizes = [1], strides = [1]} : vector<16xf32> to vector<1xf32>
    %squeeze3A_900 = vector.extract %slice3A_899[0] : f32 from vector<1xf32>
    %slice3A_901 = vector.extract_strided_slice %get3A_890 {offsets = [5], sizes = [1], strides = [1]} : vector<16xf32> to vector<1xf32>
    %squeeze3A_902 = vector.extract %slice3A_901[0] : f32 from vector<1xf32>
    %slice3A_903 = vector.extract_strided_slice %get3A_890 {offsets = [6], sizes = [1], strides = [1]} : vector<16xf32> to vector<1xf32>
    %squeeze3A_904 = vector.extract %slice3A_903[0] : f32 from vector<1xf32>
    %slice3A_905 = vector.extract_strided_slice %get3A_890 {offsets = [7], sizes = [1], strides = [1]} : vector<16xf32> to vector<1xf32>
    %squeeze3A_906 = vector.extract %slice3A_905[0] : f32 from vector<1xf32>
    %slice3A_907 = vector.extract_strided_slice %get3A_890 {offsets = [8], sizes = [1], strides = [1]} : vector<16xf32> to vector<1xf32>
    %squeeze3A_908 = vector.extract %slice3A_907[0] : f32 from vector<1xf32>
    %slice3A_909 = vector.extract_strided_slice %get3A_890 {offsets = [9], sizes = [1], strides = [1]} : vector<16xf32> to vector<1xf32>
    %squeeze3A_910 = vector.extract %slice3A_909[0] : f32 from vector<1xf32>
    %slice3A_911 = vector.extract_strided_slice %get3A_890 {offsets = [10], sizes = [1], strides = [1]} : vector<16xf32> to vector<1xf32>
    %squeeze3A_912 = vector.extract %slice3A_911[0] : f32 from vector<1xf32>
    %slice3A_913 = vector.extract_strided_slice %get3A_890 {offsets = [11], sizes = [1], strides = [1]} : vector<16xf32> to vector<1xf32>
    %squeeze3A_914 = vector.extract %slice3A_913[0] : f32 from vector<1xf32>
    %mul3A_915 = vector.broadcast %squeeze3A_892 : f32 to vector<16xf32>
    %mul3A_916 = arith.mulf %mul3A_915, %gather3A : vector<16xf32>
    %mul3A_917 = vector.broadcast %squeeze3A_894 : f32 to vector<16xf32>
    %mul3A_918 = arith.mulf %mul3A_917, %gather3A_79 : vector<16xf32>
    %add3A_919 = arith.addf %mul3A_916, %mul3A_918 : vector<16xf32>
    %mul3A_920 = vector.broadcast %squeeze3A_896 : f32 to vector<16xf32>
    %mul3A_921 = arith.mulf %mul3A_920, %gather3A_83 : vector<16xf32>
    %add3A_922 = arith.addf %add3A_919, %mul3A_921 : vector<16xf32>
    %add3A_923 = vector.broadcast %squeeze3A_898 : f32 to vector<16xf32>
    %add3A_924 = arith.addf %add3A_922, %add3A_923 : vector<16xf32>
    %mul3A_925 = vector.broadcast %squeeze3A_900 : f32 to vector<16xf32>
    %mul3A_926 = arith.mulf %mul3A_925, %gather3A : vector<16xf32>
    %mul3A_927 = vector.broadcast %squeeze3A_902 : f32 to vector<16xf32>
    %mul3A_928 = arith.mulf %mul3A_927, %gather3A_79 : vector<16xf32>
    %add3A_929 = arith.addf %mul3A_926, %mul3A_928 : vector<16xf32>
    %mul3A_930 = vector.broadcast %squeeze3A_904 : f32 to vector<16xf32>
    %mul3A_931 = arith.mulf %mul3A_930, %gather3A_83 : vector<16xf32>
    %add3A_932 = arith.addf %add3A_929, %mul3A_931 : vector<16xf32>
    %add3A_933 = vector.broadcast %squeeze3A_906 : f32 to vector<16xf32>
    %add3A_934 = arith.addf %add3A_932, %add3A_933 : vector<16xf32>
    %mul3A_935 = vector.broadcast %squeeze3A_908 : f32 to vector<16xf32>
    %mul3A_936 = arith.mulf %mul3A_935, %gather3A : vector<16xf32>
    %mul3A_937 = vector.broadcast %squeeze3A_910 : f32 to vector<16xf32>
    %mul3A_938 = arith.mulf %mul3A_937, %gather3A_79 : vector<16xf32>
    %add3A_939 = arith.addf %mul3A_936, %mul3A_938 : vector<16xf32>
    %mul3A_940 = vector.broadcast %squeeze3A_912 : f32 to vector<16xf32>
    %mul3A_941 = arith.mulf %mul3A_940, %gather3A_83 : vector<16xf32>
    %add3A_942 = arith.addf %add3A_939, %mul3A_941 : vector<16xf32>
    %add3A_943 = vector.broadcast %squeeze3A_914 : f32 to vector<16xf32>
    %add3A_944 = arith.addf %add3A_942, %add3A_943 : vector<16xf32>
    %div3A_945 = arith.constant 1.000000e+00 : f32
    %div3A_946 = vector.broadcast %div3A_945 : f32 to vector<16xf32>
    %div3A_947 = arith.divf %div3A_946, %add3A_944 : vector<16xf32>
    %mul3A_948 = arith.mulf %add3A_924, %div3A_947 : vector<16xf32>
    %mul3A_949 = arith.constant 3.200000e+02 : f32
    %mul3A_950 = vector.broadcast %mul3A_949 : f32 to vector<16xf32>
    %mul3A_951 = arith.mulf %mul3A_948, %mul3A_950 : vector<16xf32>
    %add3A_952 = arith.constant 3.200000e+02 : f32
    %add3A_953 = vector.broadcast %add3A_952 : f32 to vector<16xf32>
    %add3A_954 = arith.addf %mul3A_951, %add3A_953 : vector<16xf32>
    %swap3A_955 = arith.constant 192 : index
    %swap3A_956 = tpu.vector_load %arg12[%swap3A_955] {strides = array<i32>} : memref<256xf32, #tpu.memory_space<vmem>>, vector<16xf32>,
    tpu.vector_store %arg12[%swap3A_955], %add3A_954 {strides = array<i32>} : memref<256xf32, #tpu.memory_space<vmem>>, vector<16xf32>,
    %mul3A_957 = arith.mulf %add3A_934, %div3A_947 : vector<16xf32>
    %mul3A_958 = arith.constant 3.200000e+02 : f32
    %mul3A_959 = vector.broadcast %mul3A_958 : f32 to vector<16xf32>
    %mul3A_960 = arith.mulf %mul3A_957, %mul3A_959 : vector<16xf32>
    %add3A_961 = arith.constant 2.400000e+02 : f32
    %add3A_962 = vector.broadcast %add3A_961 : f32 to vector<16xf32>
    %add3A_963 = arith.addf %mul3A_960, %add3A_962 : vector<16xf32>
    %swap3A_964 = arith.constant 192 : index
    %swap3A_965 = tpu.vector_load %arg13[%swap3A_964] {strides = array<i32>} : memref<256xf32, #tpu.memory_space<vmem>>, vector<16xf32>,
    tpu.vector_store %arg13[%swap3A_964], %add3A_963 {strides = array<i32>} : memref<256xf32, #tpu.memory_space<vmem>>, vector<16xf32>,
    %mul3A_966 = vector.broadcast %squeeze3A_892 : f32 to vector<16xf32>
    %mul3A_967 = arith.mulf %mul3A_966, %gather3A_86 : vector<16xf32>
    %mul3A_968 = vector.broadcast %squeeze3A_894 : f32 to vector<16xf32>
    %mul3A_969 = arith.mulf %mul3A_968, %gather3A_90 : vector<16xf32>
    %add3A_970 = arith.addf %mul3A_967, %mul3A_969 : vector<16xf32>
    %mul3A_971 = vector.broadcast %squeeze3A_896 : f32 to vector<16xf32>
    %mul3A_972 = arith.mulf %mul3A_971, %gather3A_94 : vector<16xf32>
    %add3A_973 = arith.addf %add3A_970, %mul3A_972 : vector<16xf32>
    %add3A_974 = vector.broadcast %squeeze3A_898 : f32 to vector<16xf32>
    %add3A_975 = arith.addf %add3A_973, %add3A_974 : vector<16xf32>
    %mul3A_976 = vector.broadcast %squeeze3A_900 : f32 to vector<16xf32>
    %mul3A_977 = arith.mulf %mul3A_976, %gather3A_86 : vector<16xf32>
    %mul3A_978 = vector.broadcast %squeeze3A_902 : f32 to vector<16xf32>
    %mul3A_979 = arith.mulf %mul3A_978, %gather3A_90 : vector<16xf32>
    %add3A_980 = arith.addf %mul3A_977, %mul3A_979 : vector<16xf32>
    %mul3A_981 = vector.broadcast %squeeze3A_904 : f32 to vector<16xf32>
    %mul3A_982 = arith.mulf %mul3A_981, %gather3A_94 : vector<16xf32>
    %add3A_983 = arith.addf %add3A_980, %mul3A_982 : vector<16xf32>
    %add3A_984 = vector.broadcast %squeeze3A_906 : f32 to vector<16xf32>
    %add3A_985 = arith.addf %add3A_983, %add3A_984 : vector<16xf32>
    %mul3A_986 = vector.broadcast %squeeze3A_908 : f32 to vector<16xf32>
    %mul3A_987 = arith.mulf %mul3A_986, %gather3A_86 : vector<16xf32>
    %mul3A_988 = vector.broadcast %squeeze3A_910 : f32 to vector<16xf32>
    %mul3A_989 = arith.mulf %mul3A_988, %gather3A_90 : vector<16xf32>
    %add3A_990 = arith.addf %mul3A_987, %mul3A_989 : vector<16xf32>
    %mul3A_991 = vector.broadcast %squeeze3A_912 : f32 to vector<16xf32>
    %mul3A_992 = arith.mulf %mul3A_991, %gather3A_94 : vector<16xf32>
    %add3A_993 = arith.addf %add3A_990, %mul3A_992 : vector<16xf32>
    %add3A_994 = vector.broadcast %squeeze3A_914 : f32 to vector<16xf32>
    %add3A_995 = arith.addf %add3A_993, %add3A_994 : vector<16xf32>
    %div3A_996 = arith.constant 1.000000e+00 : f32
    %div3A_997 = vector.broadcast %div3A_996 : f32 to vector<16xf32>
    %div3A_998 = arith.divf %div3A_997, %add3A_995 : vector<16xf32>
    %mul3A_999 = arith.mulf %add3A_975, %div3A_998 : vector<16xf32>
    %mul3A_1000 = arith.constant 3.200000e+02 : f32
    %mul3A_1001 = vector.broadcast %mul3A_1000 : f32 to vector<16xf32>
    %mul3A_1002 = arith.mulf %mul3A_999, %mul3A_1001 : vector<16xf32>
    %add3A_1003 = arith.constant 3.200000e+02 : f32
    %add3A_1004 = vector.broadcast %add3A_1003 : f32 to vector<16xf32>
    %add3A_1005 = arith.addf %mul3A_1002, %add3A_1004 : vector<16xf32>
    %swap3A_1006 = arith.constant 208 : index
    %swap3A_1007 = tpu.vector_load %arg12[%swap3A_1006] {strides = array<i32>} : memref<256xf32, #tpu.memory_space<vmem>>, vector<16xf32>,
    tpu.vector_store %arg12[%swap3A_1006], %add3A_1005 {strides = array<i32>} : memref<256xf32, #tpu.memory_space<vmem>>, vector<16xf32>,
    %mul3A_1008 = arith.mulf %add3A_985, %div3A_998 : vector<16xf32>
    %mul3A_1009 = arith.constant 3.200000e+02 : f32
    %mul3A_1010 = vector.broadcast %mul3A_1009 : f32 to vector<16xf32>
    %mul3A_1011 = arith.mulf %mul3A_1008, %mul3A_1010 : vector<16xf32>
    %add3A_1012 = arith.constant 2.400000e+02 : f32
    %add3A_1013 = vector.broadcast %add3A_1012 : f32 to vector<16xf32>
    %add3A_1014 = arith.addf %mul3A_1011, %add3A_1013 : vector<16xf32>
    %swap3A_1015 = arith.constant 208 : index
    %swap3A_1016 = tpu.vector_load %arg13[%swap3A_1015] {strides = array<i32>} : memref<256xf32, #tpu.memory_space<vmem>>, vector<16xf32>,
    tpu.vector_store %arg13[%swap3A_1015], %add3A_1014 {strides = array<i32>} : memref<256xf32, #tpu.memory_space<vmem>>, vector<16xf32>,
    %slice3A_1017 = vector.extract_strided_slice %get3A_96 {offsets = [7], sizes = [1], strides = [1]} : vector<16xi32> to vector<1xi32>
    %squeeze3A_1018 = vector.extract %slice3A_1017[0] : i32 from vector<1xi32>
    %mul3A_1019 = arith.constant 16 : i32
    %mul3A_1020 = arith.muli %squeeze3A_1018, %mul3A_1019 : i32
    %get3A_1021 = arith.index_cast %mul3A_1020 : i32 to index
    %get3A_1022 = tpu.vector_load %arg17[%get3A_1021] {strides = array<i32>} : memref<128xf32, #tpu.memory_space<vmem>>, vector<16xf32>,
    %slice3A_1023 = vector.extract_strided_slice %get3A_1022 {offsets = [0], sizes = [1], strides = [1]} : vector<16xf32> to vector<1xf32>
    %squeeze3A_1024 = vector.extract %slice3A_1023[0] : f32 from vector<1xf32>
    %slice3A_1025 = vector.extract_strided_slice %get3A_1022 {offsets = [1], sizes = [1], strides = [1]} : vector<16xf32> to vector<1xf32>
    %squeeze3A_1026 = vector.extract %slice3A_1025[0] : f32 from vector<1xf32>
    %slice3A_1027 = vector.extract_strided_slice %get3A_1022 {offsets = [2], sizes = [1], strides = [1]} : vector<16xf32> to vector<1xf32>
    %squeeze3A_1028 = vector.extract %slice3A_1027[0] : f32 from vector<1xf32>
    %slice3A_1029 = vector.extract_strided_slice %get3A_1022 {offsets = [3], sizes = [1], strides = [1]} : vector<16xf32> to vector<1xf32>
    %squeeze3A_1030 = vector.extract %slice3A_1029[0] : f32 from vector<1xf32>
    %slice3A_1031 = vector.extract_strided_slice %get3A_1022 {offsets = [4], sizes = [1], strides = [1]} : vector<16xf32> to vector<1xf32>
    %squeeze3A_1032 = vector.extract %slice3A_1031[0] : f32 from vector<1xf32>
    %slice3A_1033 = vector.extract_strided_slice %get3A_1022 {offsets = [5], sizes = [1], strides = [1]} : vector<16xf32> to vector<1xf32>
    %squeeze3A_1034 = vector.extract %slice3A_1033[0] : f32 from vector<1xf32>
    %slice3A_1035 = vector.extract_strided_slice %get3A_1022 {offsets = [6], sizes = [1], strides = [1]} : vector<16xf32> to vector<1xf32>
    %squeeze3A_1036 = vector.extract %slice3A_1035[0] : f32 from vector<1xf32>
    %slice3A_1037 = vector.extract_strided_slice %get3A_1022 {offsets = [7], sizes = [1], strides = [1]} : vector<16xf32> to vector<1xf32>
    %squeeze3A_1038 = vector.extract %slice3A_1037[0] : f32 from vector<1xf32>
    %slice3A_1039 = vector.extract_strided_slice %get3A_1022 {offsets = [8], sizes = [1], strides = [1]} : vector<16xf32> to vector<1xf32>
    %squeeze3A_1040 = vector.extract %slice3A_1039[0] : f32 from vector<1xf32>
    %slice3A_1041 = vector.extract_strided_slice %get3A_1022 {offsets = [9], sizes = [1], strides = [1]} : vector<16xf32> to vector<1xf32>
    %squeeze3A_1042 = vector.extract %slice3A_1041[0] : f32 from vector<1xf32>
    %slice3A_1043 = vector.extract_strided_slice %get3A_1022 {offsets = [10], sizes = [1], strides = [1]} : vector<16xf32> to vector<1xf32>
    %squeeze3A_1044 = vector.extract %slice3A_1043[0] : f32 from vector<1xf32>
    %slice3A_1045 = vector.extract_strided_slice %get3A_1022 {offsets = [11], sizes = [1], strides = [1]} : vector<16xf32> to vector<1xf32>
    %squeeze3A_1046 = vector.extract %slice3A_1045[0] : f32 from vector<1xf32>
    %mul3A_1047 = vector.broadcast %squeeze3A_1024 : f32 to vector<16xf32>
    %mul3A_1048 = arith.mulf %mul3A_1047, %gather3A : vector<16xf32>
    %mul3A_1049 = vector.broadcast %squeeze3A_1026 : f32 to vector<16xf32>
    %mul3A_1050 = arith.mulf %mul3A_1049, %gather3A_79 : vector<16xf32>
    %add3A_1051 = arith.addf %mul3A_1048, %mul3A_1050 : vector<16xf32>
    %mul3A_1052 = vector.broadcast %squeeze3A_1028 : f32 to vector<16xf32>
    %mul3A_1053 = arith.mulf %mul3A_1052, %gather3A_83 : vector<16xf32>
    %add3A_1054 = arith.addf %add3A_1051, %mul3A_1053 : vector<16xf32>
    %add3A_1055 = vector.broadcast %squeeze3A_1030 : f32 to vector<16xf32>
    %add3A_1056 = arith.addf %add3A_1054, %add3A_1055 : vector<16xf32>
    %mul3A_1057 = vector.broadcast %squeeze3A_1032 : f32 to vector<16xf32>
    %mul3A_1058 = arith.mulf %mul3A_1057, %gather3A : vector<16xf32>
    %mul3A_1059 = vector.broadcast %squeeze3A_1034 : f32 to vector<16xf32>
    %mul3A_1060 = arith.mulf %mul3A_1059, %gather3A_79 : vector<16xf32>
    %add3A_1061 = arith.addf %mul3A_1058, %mul3A_1060 : vector<16xf32>
    %mul3A_1062 = vector.broadcast %squeeze3A_1036 : f32 to vector<16xf32>
    %mul3A_1063 = arith.mulf %mul3A_1062, %gather3A_83 : vector<16xf32>
    %add3A_1064 = arith.addf %add3A_1061, %mul3A_1063 : vector<16xf32>
    %add3A_1065 = vector.broadcast %squeeze3A_1038 : f32 to vector<16xf32>
    %add3A_1066 = arith.addf %add3A_1064, %add3A_1065 : vector<16xf32>
    %mul3A_1067 = vector.broadcast %squeeze3A_1040 : f32 to vector<16xf32>
    %mul3A_1068 = arith.mulf %mul3A_1067, %gather3A : vector<16xf32>
    %mul3A_1069 = vector.broadcast %squeeze3A_1042 : f32 to vector<16xf32>
    %mul3A_1070 = arith.mulf %mul3A_1069, %gather3A_79 : vector<16xf32>
    %add3A_1071 = arith.addf %mul3A_1068, %mul3A_1070 : vector<16xf32>
    %mul3A_1072 = vector.broadcast %squeeze3A_1044 : f32 to vector<16xf32>
    %mul3A_1073 = arith.mulf %mul3A_1072, %gather3A_83 : vector<16xf32>
    %add3A_1074 = arith.addf %add3A_1071, %mul3A_1073 : vector<16xf32>
    %add3A_1075 = vector.broadcast %squeeze3A_1046 : f32 to vector<16xf32>
    %add3A_1076 = arith.addf %add3A_1074, %add3A_1075 : vector<16xf32>
    %div3A_1077 = arith.constant 1.000000e+00 : f32
    %div3A_1078 = vector.broadcast %div3A_1077 : f32 to vector<16xf32>
    %div3A_1079 = arith.divf %div3A_1078, %add3A_1076 : vector<16xf32>
    %mul3A_1080 = arith.mulf %add3A_1056, %div3A_1079 : vector<16xf32>
    %mul3A_1081 = arith.constant 3.200000e+02 : f32
    %mul3A_1082 = vector.broadcast %mul3A_1081 : f32 to vector<16xf32>
    %mul3A_1083 = arith.mulf %mul3A_1080, %mul3A_1082 : vector<16xf32>
    %add3A_1084 = arith.constant 3.200000e+02 : f32
    %add3A_1085 = vector.broadcast %add3A_1084 : f32 to vector<16xf32>
    %add3A_1086 = arith.addf %mul3A_1083, %add3A_1085 : vector<16xf32>
    %swap3A_1087 = arith.constant 224 : index
    %swap3A_1088 = tpu.vector_load %arg12[%swap3A_1087] {strides = array<i32>} : memref<256xf32, #tpu.memory_space<vmem>>, vector<16xf32>,
    tpu.vector_store %arg12[%swap3A_1087], %add3A_1086 {strides = array<i32>} : memref<256xf32, #tpu.memory_space<vmem>>, vector<16xf32>,
    %mul3A_1089 = arith.mulf %add3A_1066, %div3A_1079 : vector<16xf32>
    %mul3A_1090 = arith.constant 3.200000e+02 : f32
    %mul3A_1091 = vector.broadcast %mul3A_1090 : f32 to vector<16xf32>
    %mul3A_1092 = arith.mulf %mul3A_1089, %mul3A_1091 : vector<16xf32>
    %add3A_1093 = arith.constant 2.400000e+02 : f32
    %add3A_1094 = vector.broadcast %add3A_1093 : f32 to vector<16xf32>
    %add3A_1095 = arith.addf %mul3A_1092, %add3A_1094 : vector<16xf32>
    %swap3A_1096 = arith.constant 224 : index
    %swap3A_1097 = tpu.vector_load %arg13[%swap3A_1096] {strides = array<i32>} : memref<256xf32, #tpu.memory_space<vmem>>, vector<16xf32>,
    tpu.vector_store %arg13[%swap3A_1096], %add3A_1095 {strides = array<i32>} : memref<256xf32, #tpu.memory_space<vmem>>, vector<16xf32>,
    %mul3A_1098 = vector.broadcast %squeeze3A_1024 : f32 to vector<16xf32>
    %mul3A_1099 = arith.mulf %mul3A_1098, %gather3A_86 : vector<16xf32>
    %mul3A_1100 = vector.broadcast %squeeze3A_1026 : f32 to vector<16xf32>
    %mul3A_1101 = arith.mulf %mul3A_1100, %gather3A_90 : vector<16xf32>
    %add3A_1102 = arith.addf %mul3A_1099, %mul3A_1101 : vector<16xf32>
    %mul3A_1103 = vector.broadcast %squeeze3A_1028 : f32 to vector<16xf32>
    %mul3A_1104 = arith.mulf %mul3A_1103, %gather3A_94 : vector<16xf32>
    %add3A_1105 = arith.addf %add3A_1102, %mul3A_1104 : vector<16xf32>
    %add3A_1106 = vector.broadcast %squeeze3A_1030 : f32 to vector<16xf32>
    %add3A_1107 = arith.addf %add3A_1105, %add3A_1106 : vector<16xf32>
    %mul3A_1108 = vector.broadcast %squeeze3A_1032 : f32 to vector<16xf32>
    %mul3A_1109 = arith.mulf %mul3A_1108, %gather3A_86 : vector<16xf32>
    %mul3A_1110 = vector.broadcast %squeeze3A_1034 : f32 to vector<16xf32>
    %mul3A_1111 = arith.mulf %mul3A_1110, %gather3A_90 : vector<16xf32>
    %add3A_1112 = arith.addf %mul3A_1109, %mul3A_1111 : vector<16xf32>
    %mul3A_1113 = vector.broadcast %squeeze3A_1036 : f32 to vector<16xf32>
    %mul3A_1114 = arith.mulf %mul3A_1113, %gather3A_94 : vector<16xf32>
    %add3A_1115 = arith.addf %add3A_1112, %mul3A_1114 : vector<16xf32>
    %add3A_1116 = vector.broadcast %squeeze3A_1038 : f32 to vector<16xf32>
    %add3A_1117 = arith.addf %add3A_1115, %add3A_1116 : vector<16xf32>
    %mul3A_1118 = vector.broadcast %squeeze3A_1040 : f32 to vector<16xf32>
    %mul3A_1119 = arith.mulf %mul3A_1118, %gather3A_86 : vector<16xf32>
    %mul3A_1120 = vector.broadcast %squeeze3A_1042 : f32 to vector<16xf32>
    %mul3A_1121 = arith.mulf %mul3A_1120, %gather3A_90 : vector<16xf32>
    %add3A_1122 = arith.addf %mul3A_1119, %mul3A_1121 : vector<16xf32>
    %mul3A_1123 = vector.broadcast %squeeze3A_1044 : f32 to vector<16xf32>
    %mul3A_1124 = arith.mulf %mul3A_1123, %gather3A_94 : vector<16xf32>
    %add3A_1125 = arith.addf %add3A_1122, %mul3A_1124 : vector<16xf32>
    %add3A_1126 = vector.broadcast %squeeze3A_1046 : f32 to vector<16xf32>
    %add3A_1127 = arith.addf %add3A_1125, %add3A_1126 : vector<16xf32>
    %div3A_1128 = arith.constant 1.000000e+00 : f32
    %div3A_1129 = vector.broadcast %div3A_1128 : f32 to vector<16xf32>
    %div3A_1130 = arith.divf %div3A_1129, %add3A_1127 : vector<16xf32>
    %mul3A_1131 = arith.mulf %add3A_1107, %div3A_1130 : vector<16xf32>
    %mul3A_1132 = arith.constant 3.200000e+02 : f32
    %mul3A_1133 = vector.broadcast %mul3A_1132 : f32 to vector<16xf32>
    %mul3A_1134 = arith.mulf %mul3A_1131, %mul3A_1133 : vector<16xf32>
    %add3A_1135 = arith.constant 3.200000e+02 : f32
    %add3A_1136 = vector.broadcast %add3A_1135 : f32 to vector<16xf32>
    %add3A_1137 = arith.addf %mul3A_1134, %add3A_1136 : vector<16xf32>
    %swap3A_1138 = arith.constant 240 : index
    %swap3A_1139 = tpu.vector_load %arg12[%swap3A_1138] {strides = array<i32>} : memref<256xf32, #tpu.memory_space<vmem>>, vector<16xf32>,
    tpu.vector_store %arg12[%swap3A_1138], %add3A_1137 {strides = array<i32>} : memref<256xf32, #tpu.memory_space<vmem>>, vector<16xf32>,
    %mul3A_1140 = arith.mulf %add3A_1117, %div3A_1130 : vector<16xf32>
    %mul3A_1141 = arith.constant 3.200000e+02 : f32
    %mul3A_1142 = vector.broadcast %mul3A_1141 : f32 to vector<16xf32>
    %mul3A_1143 = arith.mulf %mul3A_1140, %mul3A_1142 : vector<16xf32>
    %add3A_1144 = arith.constant 2.400000e+02 : f32
    %add3A_1145 = vector.broadcast %add3A_1144 : f32 to vector<16xf32>
    %add3A_1146 = arith.addf %mul3A_1143, %add3A_1145 : vector<16xf32>
    %swap3A_1147 = arith.constant 240 : index
    %swap3A_1148 = tpu.vector_load %arg13[%swap3A_1147] {strides = array<i32>} : memref<256xf32, #tpu.memory_space<vmem>>, vector<16xf32>,
    tpu.vector_store %arg13[%swap3A_1147], %add3A_1146 {strides = array<i32>} : memref<256xf32, #tpu.memory_space<vmem>>, vector<16xf32>,
    %dma_wait3A = arith.constant 0 : i32
    %dma_wait3A_1149 = tpu.memref_slice %arg9[%dma_wait3A] : memref<16384xi32, #tpu.memory_space<vmem>> -> memref<4096xi32, #tpu.memory_space<vmem>>
    %dma_wait3A_1150 = tpu.memref_slice %arg2[%add3A_4] : memref<524288xi32, #tpu.memory_space<hbm>> -> memref<4096xi32, #tpu.memory_space<hbm>>
    %dma_wait3A_1151 = arith.constant 0 : i32
    %dma_wait3A_1152 = tpu.memref_slice %arg9[%dma_wait3A_1151] : memref<16384xi32, #tpu.memory_space<vmem>> -> memref<4096xi32, #tpu.memory_space<vmem>>
    %dma_wait3A_1153 = tpu.memref_slice %arg2[%add3A_4] : memref<524288xi32, #tpu.memory_space<hbm>> -> memref<4096xi32, #tpu.memory_space<hbm>>
    tpu.wait_dma2 semaphore(%arg20 : memref<!tpu.dma_semaphore, #tpu.memory_space<semaphore_mem>>) src(%dma_wait3A_1153 : memref<4096xi32, #tpu.memory_space<hbm>>) dst(%dma_wait3A_1152 : memref<4096xi32, #tpu.memory_space<vmem>>)
    %dma_wait3A_1154 = arith.constant 0 : i32
    %dma_wait3A_1155 = tpu.memref_slice %arg10[%dma_wait3A_1154] : memref<16384xi32, #tpu.memory_space<vmem>> -> memref<4096xi32, #tpu.memory_space<vmem>>
    %dma_wait3A_1156 = tpu.memref_slice %arg3[%add3A_11] : memref<524288xi32, #tpu.memory_space<hbm>> -> memref<4096xi32, #tpu.memory_space<hbm>>
    %dma_wait3A_1157 = arith.constant 0 : i32
    %dma_wait3A_1158 = tpu.memref_slice %arg10[%dma_wait3A_1157] : memref<16384xi32, #tpu.memory_space<vmem>> -> memref<4096xi32, #tpu.memory_space<vmem>>
    %dma_wait3A_1159 = tpu.memref_slice %arg3[%add3A_11] : memref<524288xi32, #tpu.memory_space<hbm>> -> memref<4096xi32, #tpu.memory_space<hbm>>
    tpu.wait_dma2 semaphore(%arg20 : memref<!tpu.dma_semaphore, #tpu.memory_space<semaphore_mem>>) src(%dma_wait3A_1159 : memref<4096xi32, #tpu.memory_space<hbm>>) dst(%dma_wait3A_1158 : memref<4096xi32, #tpu.memory_space<vmem>>)
    %while3A = arith.constant 0 : i32
    %while3A_1160 = arith.constant 0 : i32
    %while3A_1161 = arith.constant 128 : i32
    %while3A_1162 = arith.subi %while3A_1161, %while3A_1160 : i32
    %while3A_1163 = arith.addi %while3A_1160, %while3A_1162 : i32
    %while3A_1164 = arith.constant 1 : i32
    %while3A_1165 = arith.divsi %while3A_1162, %while3A_1164 : i32
    %while3A_1166 = arith.muli %while3A_1165, %while3A_1164 : i32
    %while3A_1167 = arith.addi %while3A_1160, %while3A_1166 : i32
    %while3A_1168 = arith.constant 1 : i32
    scf.for %while3A_1303 = %while3A_1160 to %while3A_1167 step %while3A_1168  : i32 {
      %mul3A_1304 = arith.constant 2 : i32
      %mul3A_1305 = arith.muli %mul3A_1304, %while3A_1303 : i32
      %add3A_1306 = arith.constant 0 : i32
      %add3A_1307 = arith.addi %mul3A_1305, %add3A_1306 : i32
      %mul3A_1308 = arith.constant 16 : i32
      %mul3A_1309 = arith.muli %add3A_1307, %mul3A_1308 : i32
      %shift_right_arithmetic3A = arith.constant 3 : i32
      %shift_right_arithmetic3A_1310 = arith.shrsi %add3A_1307, %shift_right_arithmetic3A : i32
      %mul3A_1311 = arith.constant 256 : i32
      %mul3A_1312 = arith.muli %shift_right_arithmetic3A_1310, %mul3A_1311 : i32
      %and3A = arith.constant 7 : i32
      %and3A_1313 = arith.andi %add3A_1307, %and3A : i32
      %mul3A_1314 = arith.constant 16 : i32
      %mul3A_1315 = arith.muli %and3A_1313, %mul3A_1314 : i32
      %add3A_1316 = arith.addi %mul3A_1312, %mul3A_1315 : i32
      %get3A_1317 = arith.index_cast %mul3A_1309 : i32 to index
      %get3A_1318 = tpu.vector_load %arg9[%get3A_1317] {strides = array<i32>} : memref<16384xi32, #tpu.memory_space<vmem>>, vector<16xi32>,
      %shift_left3A = arith.constant 5 : i32
      %shift_left3A_1319 = vector.broadcast %shift_left3A : i32 to vector<16xi32>
      %shift_left3A_1320 = arith.shli %get3A_1318, %shift_left3A_1319 : vector<16xi32>
      %get3A_1321 = arith.index_cast %mul3A_1309 : i32 to index
      %get3A_1322 = tpu.vector_load %arg10[%get3A_1321] {strides = array<i32>} : memref<16384xi32, #tpu.memory_space<vmem>>, vector<16xi32>,
      %add3A_1323 = arith.addi %shift_left3A_1320, %get3A_1322 : vector<16xi32>
      %gather3A_1324 = tpu.vector_load_idx %arg12[%add3A_1323] : memref<256xf32, #tpu.memory_space<vmem>>[vector<16xi32>], vector<16xf32>,
      %swap3A_1325 = arith.index_cast %add3A_1316 : i32 to index
      %swap3A_1326 = tpu.vector_load %arg11[%swap3A_1325] {strides = array<i32>} : memref<32768xf32, #tpu.memory_space<vmem>>, vector<16xf32>,
      tpu.vector_store %arg11[%swap3A_1325], %gather3A_1324 {strides = array<i32>} : memref<32768xf32, #tpu.memory_space<vmem>>, vector<16xf32>,
      %gather3A_1327 = tpu.vector_load_idx %arg13[%add3A_1323] : memref<256xf32, #tpu.memory_space<vmem>>[vector<16xi32>], vector<16xf32>,
      %add3A_1328 = arith.constant 128 : i32
      %add3A_1329 = arith.addi %add3A_1316, %add3A_1328 : i32
      %swap3A_1330 = arith.index_cast %add3A_1329 : i32 to index
      %swap3A_1331 = tpu.vector_load %arg11[%swap3A_1330] {strides = array<i32>} : memref<32768xf32, #tpu.memory_space<vmem>>, vector<16xf32>,
      tpu.vector_store %arg11[%swap3A_1330], %gather3A_1327 {strides = array<i32>} : memref<32768xf32, #tpu.memory_space<vmem>>, vector<16xf32>,
      %mul3A_1332 = arith.constant 2 : i32
      %mul3A_1333 = arith.muli %mul3A_1332, %while3A_1303 : i32
      %add3A_1334 = arith.constant 1 : i32
      %add3A_1335 = arith.addi %mul3A_1333, %add3A_1334 : i32
      %mul3A_1336 = arith.constant 16 : i32
      %mul3A_1337 = arith.muli %add3A_1335, %mul3A_1336 : i32
      %shift_right_arithmetic3A_1338 = arith.constant 3 : i32
      %shift_right_arithmetic3A_1339 = arith.shrsi %add3A_1335, %shift_right_arithmetic3A_1338 : i32
      %mul3A_1340 = arith.constant 256 : i32
      %mul3A_1341 = arith.muli %shift_right_arithmetic3A_1339, %mul3A_1340 : i32
      %and3A_1342 = arith.constant 7 : i32
      %and3A_1343 = arith.andi %add3A_1335, %and3A_1342 : i32
      %mul3A_1344 = arith.constant 16 : i32
      %mul3A_1345 = arith.muli %and3A_1343, %mul3A_1344 : i32
      %add3A_1346 = arith.addi %mul3A_1341, %mul3A_1345 : i32
      %get3A_1347 = arith.index_cast %mul3A_1337 : i32 to index
      %get3A_1348 = tpu.vector_load %arg9[%get3A_1347] {strides = array<i32>} : memref<16384xi32, #tpu.memory_space<vmem>>, vector<16xi32>,
      %shift_left3A_1349 = arith.constant 5 : i32
      %shift_left3A_1350 = vector.broadcast %shift_left3A_1349 : i32 to vector<16xi32>
      %shift_left3A_1351 = arith.shli %get3A_1348, %shift_left3A_1350 : vector<16xi32>
      %get3A_1352 = arith.index_cast %mul3A_1337 : i32 to index
      %get3A_1353 = tpu.vector_load %arg10[%get3A_1352] {strides = array<i32>} : memref<16384xi32, #tpu.memory_space<vmem>>, vector<16xi32>,
      %add3A_1354 = arith.addi %shift_left3A_1351, %get3A_1353 : vector<16xi32>
      %gather3A_1355 = tpu.vector_load_idx %arg12[%add3A_1354] : memref<256xf32, #tpu.memory_space<vmem>>[vector<16xi32>], vector<16xf32>,
      %swap3A_1356 = arith.index_cast %add3A_1346 : i32 to index
      %swap3A_1357 = tpu.vector_load %arg11[%swap3A_1356] {strides = array<i32>} : memref<32768xf32, #tpu.memory_space<vmem>>, vector<16xf32>,
      tpu.vector_store %arg11[%swap3A_1356], %gather3A_1355 {strides = array<i32>} : memref<32768xf32, #tpu.memory_space<vmem>>, vector<16xf32>,
      %gather3A_1358 = tpu.vector_load_idx %arg13[%add3A_1354] : memref<256xf32, #tpu.memory_space<vmem>>[vector<16xi32>], vector<16xf32>,
      %add3A_1359 = arith.constant 128 : i32
      %add3A_1360 = arith.addi %add3A_1346, %add3A_1359 : i32
      %swap3A_1361 = arith.index_cast %add3A_1360 : i32 to index
      %swap3A_1362 = tpu.vector_load %arg11[%swap3A_1361] {strides = array<i32>} : memref<32768xf32, #tpu.memory_space<vmem>>, vector<16xf32>,
      tpu.vector_store %arg11[%swap3A_1361], %gather3A_1358 {strides = array<i32>} : memref<32768xf32, #tpu.memory_space<vmem>>, vector<16xf32>,
    }
    %while3A_1169 = arith.constant 1 : i32
    scf.for %while3A_1303 = %while3A_1167 to %while3A_1163 step %while3A_1169  : i32 {
      %mul3A_1304 = arith.constant 2 : i32
      %mul3A_1305 = arith.muli %mul3A_1304, %while3A_1303 : i32
      %add3A_1306 = arith.constant 0 : i32
      %add3A_1307 = arith.addi %mul3A_1305, %add3A_1306 : i32
      %mul3A_1308 = arith.constant 16 : i32
      %mul3A_1309 = arith.muli %add3A_1307, %mul3A_1308 : i32
      %shift_right_arithmetic3A = arith.constant 3 : i32
      %shift_right_arithmetic3A_1310 = arith.shrsi %add3A_1307, %shift_right_arithmetic3A : i32
      %mul3A_1311 = arith.constant 256 : i32
      %mul3A_1312 = arith.muli %shift_right_arithmetic3A_1310, %mul3A_1311 : i32
      %and3A = arith.constant 7 : i32
      %and3A_1313 = arith.andi %add3A_1307, %and3A : i32
      %mul3A_1314 = arith.constant 16 : i32
      %mul3A_1315 = arith.muli %and3A_1313, %mul3A_1314 : i32
      %add3A_1316 = arith.addi %mul3A_1312, %mul3A_1315 : i32
      %get3A_1317 = arith.index_cast %mul3A_1309 : i32 to index
      %get3A_1318 = tpu.vector_load %arg9[%get3A_1317] {strides = array<i32>} : memref<16384xi32, #tpu.memory_space<vmem>>, vector<16xi32>,
      %shift_left3A = arith.constant 5 : i32
      %shift_left3A_1319 = vector.broadcast %shift_left3A : i32 to vector<16xi32>
      %shift_left3A_1320 = arith.shli %get3A_1318, %shift_left3A_1319 : vector<16xi32>
      %get3A_1321 = arith.index_cast %mul3A_1309 : i32 to index
      %get3A_1322 = tpu.vector_load %arg10[%get3A_1321] {strides = array<i32>} : memref<16384xi32, #tpu.memory_space<vmem>>, vector<16xi32>,
      %add3A_1323 = arith.addi %shift_left3A_1320, %get3A_1322 : vector<16xi32>
      %gather3A_1324 = tpu.vector_load_idx %arg12[%add3A_1323] : memref<256xf32, #tpu.memory_space<vmem>>[vector<16xi32>], vector<16xf32>,
      %swap3A_1325 = arith.index_cast %add3A_1316 : i32 to index
      %swap3A_1326 = tpu.vector_load %arg11[%swap3A_1325] {strides = array<i32>} : memref<32768xf32, #tpu.memory_space<vmem>>, vector<16xf32>,
      tpu.vector_store %arg11[%swap3A_1325], %gather3A_1324 {strides = array<i32>} : memref<32768xf32, #tpu.memory_space<vmem>>, vector<16xf32>,
      %gather3A_1327 = tpu.vector_load_idx %arg13[%add3A_1323] : memref<256xf32, #tpu.memory_space<vmem>>[vector<16xi32>], vector<16xf32>,
      %add3A_1328 = arith.constant 128 : i32
      %add3A_1329 = arith.addi %add3A_1316, %add3A_1328 : i32
      %swap3A_1330 = arith.index_cast %add3A_1329 : i32 to index
      %swap3A_1331 = tpu.vector_load %arg11[%swap3A_1330] {strides = array<i32>} : memref<32768xf32, #tpu.memory_space<vmem>>, vector<16xf32>,
      tpu.vector_store %arg11[%swap3A_1330], %gather3A_1327 {strides = array<i32>} : memref<32768xf32, #tpu.memory_space<vmem>>, vector<16xf32>,
      %mul3A_1332 = arith.constant 2 : i32
      %mul3A_1333 = arith.muli %mul3A_1332, %while3A_1303 : i32
      %add3A_1334 = arith.constant 1 : i32
      %add3A_1335 = arith.addi %mul3A_1333, %add3A_1334 : i32
      %mul3A_1336 = arith.constant 16 : i32
      %mul3A_1337 = arith.muli %add3A_1335, %mul3A_1336 : i32
      %shift_right_arithmetic3A_1338 = arith.constant 3 : i32
      %shift_right_arithmetic3A_1339 = arith.shrsi %add3A_1335, %shift_right_arithmetic3A_1338 : i32
      %mul3A_1340 = arith.constant 256 : i32
      %mul3A_1341 = arith.muli %shift_right_arithmetic3A_1339, %mul3A_1340 : i32
      %and3A_1342 = arith.constant 7 : i32
      %and3A_1343 = arith.andi %add3A_1335, %and3A_1342 : i32
      %mul3A_1344 = arith.constant 16 : i32
      %mul3A_1345 = arith.muli %and3A_1343, %mul3A_1344 : i32
      %add3A_1346 = arith.addi %mul3A_1341, %mul3A_1345 : i32
      %get3A_1347 = arith.index_cast %mul3A_1337 : i32 to index
      %get3A_1348 = tpu.vector_load %arg9[%get3A_1347] {strides = array<i32>} : memref<16384xi32, #tpu.memory_space<vmem>>, vector<16xi32>,
      %shift_left3A_1349 = arith.constant 5 : i32
      %shift_left3A_1350 = vector.broadcast %shift_left3A_1349 : i32 to vector<16xi32>
      %shift_left3A_1351 = arith.shli %get3A_1348, %shift_left3A_1350 : vector<16xi32>
      %get3A_1352 = arith.index_cast %mul3A_1337 : i32 to index
      %get3A_1353 = tpu.vector_load %arg10[%get3A_1352] {strides = array<i32>} : memref<16384xi32, #tpu.memory_space<vmem>>, vector<16xi32>,
      %add3A_1354 = arith.addi %shift_left3A_1351, %get3A_1353 : vector<16xi32>
      %gather3A_1355 = tpu.vector_load_idx %arg12[%add3A_1354] : memref<256xf32, #tpu.memory_space<vmem>>[vector<16xi32>], vector<16xf32>,
      %swap3A_1356 = arith.index_cast %add3A_1346 : i32 to index
      %swap3A_1357 = tpu.vector_load %arg11[%swap3A_1356] {strides = array<i32>} : memref<32768xf32, #tpu.memory_space<vmem>>, vector<16xf32>,
      tpu.vector_store %arg11[%swap3A_1356], %gather3A_1355 {strides = array<i32>} : memref<32768xf32, #tpu.memory_space<vmem>>, vector<16xf32>,
      %gather3A_1358 = tpu.vector_load_idx %arg13[%add3A_1354] : memref<256xf32, #tpu.memory_space<vmem>>[vector<16xi32>], vector<16xf32>,
      %add3A_1359 = arith.constant 128 : i32
      %add3A_1360 = arith.addi %add3A_1346, %add3A_1359 : i32
      %swap3A_1361 = arith.index_cast %add3A_1360 : i32 to index
      %swap3A_1362 = tpu.vector_load %arg11[%swap3A_1361] {strides = array<i32>} : memref<32768xf32, #tpu.memory_space<vmem>>, vector<16xf32>,
      tpu.vector_store %arg11[%swap3A_1361], %gather3A_1358 {strides = array<i32>} : memref<32768xf32, #tpu.memory_space<vmem>>, vector<16xf32>,
    }
    %mul3A_1170 = arith.constant 2 : i32
    %mul3A_1171 = arith.muli %mul3A_1170, %mul3A_2 : i32
    %add3A_1172 = arith.constant 0 : i32
    %add3A_1173 = arith.addi %mul3A_1171, %add3A_1172 : i32
    %dma_start3A_1174 = arith.constant 0 : i32
    %dma_start3A_1175 = tpu.memref_slice %arg11[%dma_start3A_1174] : memref<32768xf32, #tpu.memory_space<vmem>> -> memref<8192xf32, #tpu.memory_space<vmem>>
    %dma_start3A_1176 = tpu.memref_slice %arg8[%add3A_1173] : memref<1048576xf32, #tpu.memory_space<hbm>> -> memref<8192xf32, #tpu.memory_space<hbm>>
    %dma_start3A_1177 = tpu.memref_slice %arg8[%add3A_1173] : memref<1048576xf32, #tpu.memory_space<hbm>> -> memref<8192xf32, #tpu.memory_space<hbm>>
    %dma_start3A_1178 = arith.constant 0 : i32
    %dma_start3A_1179 = tpu.memref_slice %arg11[%dma_start3A_1178] : memref<32768xf32, #tpu.memory_space<vmem>> -> memref<8192xf32, #tpu.memory_space<vmem>>
    tpu.enqueue_dma source(%dma_start3A_1179 : memref<8192xf32, #tpu.memory_space<vmem>>) target(%dma_start3A_1177 : memref<8192xf32, #tpu.memory_space<hbm>>) target_semaphore(%arg24 : memref<!tpu.dma_semaphore, #tpu.memory_space<semaphore_mem>>)
    %dma_wait3A_1180 = arith.constant 4096 : i32
    %dma_wait3A_1181 = tpu.memref_slice %arg9[%dma_wait3A_1180] : memref<16384xi32, #tpu.memory_space<vmem>> -> memref<4096xi32, #tpu.memory_space<vmem>>
    %dma_wait3A_1182 = tpu.memref_slice %arg2[%add3A_19] : memref<524288xi32, #tpu.memory_space<hbm>> -> memref<4096xi32, #tpu.memory_space<hbm>>
    %dma_wait3A_1183 = arith.constant 4096 : i32
    %dma_wait3A_1184 = tpu.memref_slice %arg9[%dma_wait3A_1183] : memref<16384xi32, #tpu.memory_space<vmem>> -> memref<4096xi32, #tpu.memory_space<vmem>>
    %dma_wait3A_1185 = tpu.memref_slice %arg2[%add3A_19] : memref<524288xi32, #tpu.memory_space<hbm>> -> memref<4096xi32, #tpu.memory_space<hbm>>
    tpu.wait_dma2 semaphore(%arg21 : memref<!tpu.dma_semaphore, #tpu.memory_space<semaphore_mem>>) src(%dma_wait3A_1185 : memref<4096xi32, #tpu.memory_space<hbm>>) dst(%dma_wait3A_1184 : memref<4096xi32, #tpu.memory_space<vmem>>)
    %dma_wait3A_1186 = arith.constant 4096 : i32
    %dma_wait3A_1187 = tpu.memref_slice %arg10[%dma_wait3A_1186] : memref<16384xi32, #tpu.memory_space<vmem>> -> memref<4096xi32, #tpu.memory_space<vmem>>
    %dma_wait3A_1188 = tpu.memref_slice %arg3[%add3A_27] : memref<524288xi32, #tpu.memory_space<hbm>> -> memref<4096xi32, #tpu.memory_space<hbm>>
    %dma_wait3A_1189 = arith.constant 4096 : i32
    %dma_wait3A_1190 = tpu.memref_slice %arg10[%dma_wait3A_1189] : memref<16384xi32, #tpu.memory_space<vmem>> -> memref<4096xi32, #tpu.memory_space<vmem>>
    %dma_wait3A_1191 = tpu.memref_slice %arg3[%add3A_27] : memref<524288xi32, #tpu.memory_space<hbm>> -> memref<4096xi32, #tpu.memory_space<hbm>>
    tpu.wait_dma2 semaphore(%arg21 : memref<!tpu.dma_semaphore, #tpu.memory_space<semaphore_mem>>) src(%dma_wait3A_1191 : memref<4096xi32, #tpu.memory_space<hbm>>) dst(%dma_wait3A_1190 : memref<4096xi32, #tpu.memory_space<vmem>>)
    %while3A_1192 = arith.constant 0 : i32
    %while3A_1193 = arith.constant 128 : i32
    %while3A_1194 = arith.constant 256 : i32
    %while3A_1195 = arith.subi %while3A_1194, %while3A_1193 : i32
    %while3A_1196 = arith.addi %while3A_1193, %while3A_1195 : i32
    %while3A_1197 = arith.constant 1 : i32
    %while3A_1198 = arith.divsi %while3A_1195, %while3A_1197 : i32
    %while3A_1199 = arith.muli %while3A_1198, %while3A_1197 : i32
    %while3A_1200 = arith.addi %while3A_1193, %while3A_1199 : i32
    %while3A_1201 = arith.constant 1 : i32
    scf.for %while3A_1303 = %while3A_1193 to %while3A_1200 step %while3A_1201  : i32 {
      %mul3A_1304 = arith.constant 2 : i32
      %mul3A_1305 = arith.muli %mul3A_1304, %while3A_1303 : i32
      %add3A_1306 = arith.constant 0 : i32
      %add3A_1307 = arith.addi %mul3A_1305, %add3A_1306 : i32
      %mul3A_1308 = arith.constant 16 : i32
      %mul3A_1309 = arith.muli %add3A_1307, %mul3A_1308 : i32
      %shift_right_arithmetic3A = arith.constant 3 : i32
      %shift_right_arithmetic3A_1310 = arith.shrsi %add3A_1307, %shift_right_arithmetic3A : i32
      %mul3A_1311 = arith.constant 256 : i32
      %mul3A_1312 = arith.muli %shift_right_arithmetic3A_1310, %mul3A_1311 : i32
      %and3A = arith.constant 7 : i32
      %and3A_1313 = arith.andi %add3A_1307, %and3A : i32
      %mul3A_1314 = arith.constant 16 : i32
      %mul3A_1315 = arith.muli %and3A_1313, %mul3A_1314 : i32
      %add3A_1316 = arith.addi %mul3A_1312, %mul3A_1315 : i32
      %get3A_1317 = arith.index_cast %mul3A_1309 : i32 to index
      %get3A_1318 = tpu.vector_load %arg9[%get3A_1317] {strides = array<i32>} : memref<16384xi32, #tpu.memory_space<vmem>>, vector<16xi32>,
      %shift_left3A = arith.constant 5 : i32
      %shift_left3A_1319 = vector.broadcast %shift_left3A : i32 to vector<16xi32>
      %shift_left3A_1320 = arith.shli %get3A_1318, %shift_left3A_1319 : vector<16xi32>
      %get3A_1321 = arith.index_cast %mul3A_1309 : i32 to index
      %get3A_1322 = tpu.vector_load %arg10[%get3A_1321] {strides = array<i32>} : memref<16384xi32, #tpu.memory_space<vmem>>, vector<16xi32>,
      %add3A_1323 = arith.addi %shift_left3A_1320, %get3A_1322 : vector<16xi32>
      %gather3A_1324 = tpu.vector_load_idx %arg12[%add3A_1323] : memref<256xf32, #tpu.memory_space<vmem>>[vector<16xi32>], vector<16xf32>,
      %swap3A_1325 = arith.index_cast %add3A_1316 : i32 to index
      %swap3A_1326 = tpu.vector_load %arg11[%swap3A_1325] {strides = array<i32>} : memref<32768xf32, #tpu.memory_space<vmem>>, vector<16xf32>,
      tpu.vector_store %arg11[%swap3A_1325], %gather3A_1324 {strides = array<i32>} : memref<32768xf32, #tpu.memory_space<vmem>>, vector<16xf32>,
      %gather3A_1327 = tpu.vector_load_idx %arg13[%add3A_1323] : memref<256xf32, #tpu.memory_space<vmem>>[vector<16xi32>], vector<16xf32>,
      %add3A_1328 = arith.constant 128 : i32
      %add3A_1329 = arith.addi %add3A_1316, %add3A_1328 : i32
      %swap3A_1330 = arith.index_cast %add3A_1329 : i32 to index
      %swap3A_1331 = tpu.vector_load %arg11[%swap3A_1330] {strides = array<i32>} : memref<32768xf32, #tpu.memory_space<vmem>>, vector<16xf32>,
      tpu.vector_store %arg11[%swap3A_1330], %gather3A_1327 {strides = array<i32>} : memref<32768xf32, #tpu.memory_space<vmem>>, vector<16xf32>,
      %mul3A_1332 = arith.constant 2 : i32
      %mul3A_1333 = arith.muli %mul3A_1332, %while3A_1303 : i32
      %add3A_1334 = arith.constant 1 : i32
      %add3A_1335 = arith.addi %mul3A_1333, %add3A_1334 : i32
      %mul3A_1336 = arith.constant 16 : i32
      %mul3A_1337 = arith.muli %add3A_1335, %mul3A_1336 : i32
      %shift_right_arithmetic3A_1338 = arith.constant 3 : i32
      %shift_right_arithmetic3A_1339 = arith.shrsi %add3A_1335, %shift_right_arithmetic3A_1338 : i32
      %mul3A_1340 = arith.constant 256 : i32
      %mul3A_1341 = arith.muli %shift_right_arithmetic3A_1339, %mul3A_1340 : i32
      %and3A_1342 = arith.constant 7 : i32
      %and3A_1343 = arith.andi %add3A_1335, %and3A_1342 : i32
      %mul3A_1344 = arith.constant 16 : i32
      %mul3A_1345 = arith.muli %and3A_1343, %mul3A_1344 : i32
      %add3A_1346 = arith.addi %mul3A_1341, %mul3A_1345 : i32
      %get3A_1347 = arith.index_cast %mul3A_1337 : i32 to index
      %get3A_1348 = tpu.vector_load %arg9[%get3A_1347] {strides = array<i32>} : memref<16384xi32, #tpu.memory_space<vmem>>, vector<16xi32>,
      %shift_left3A_1349 = arith.constant 5 : i32
      %shift_left3A_1350 = vector.broadcast %shift_left3A_1349 : i32 to vector<16xi32>
      %shift_left3A_1351 = arith.shli %get3A_1348, %shift_left3A_1350 : vector<16xi32>
      %get3A_1352 = arith.index_cast %mul3A_1337 : i32 to index
      %get3A_1353 = tpu.vector_load %arg10[%get3A_1352] {strides = array<i32>} : memref<16384xi32, #tpu.memory_space<vmem>>, vector<16xi32>,
      %add3A_1354 = arith.addi %shift_left3A_1351, %get3A_1353 : vector<16xi32>
      %gather3A_1355 = tpu.vector_load_idx %arg12[%add3A_1354] : memref<256xf32, #tpu.memory_space<vmem>>[vector<16xi32>], vector<16xf32>,
      %swap3A_1356 = arith.index_cast %add3A_1346 : i32 to index
      %swap3A_1357 = tpu.vector_load %arg11[%swap3A_1356] {strides = array<i32>} : memref<32768xf32, #tpu.memory_space<vmem>>, vector<16xf32>,
      tpu.vector_store %arg11[%swap3A_1356], %gather3A_1355 {strides = array<i32>} : memref<32768xf32, #tpu.memory_space<vmem>>, vector<16xf32>,
      %gather3A_1358 = tpu.vector_load_idx %arg13[%add3A_1354] : memref<256xf32, #tpu.memory_space<vmem>>[vector<16xi32>], vector<16xf32>,
      %add3A_1359 = arith.constant 128 : i32
      %add3A_1360 = arith.addi %add3A_1346, %add3A_1359 : i32
      %swap3A_1361 = arith.index_cast %add3A_1360 : i32 to index
      %swap3A_1362 = tpu.vector_load %arg11[%swap3A_1361] {strides = array<i32>} : memref<32768xf32, #tpu.memory_space<vmem>>, vector<16xf32>,
      tpu.vector_store %arg11[%swap3A_1361], %gather3A_1358 {strides = array<i32>} : memref<32768xf32, #tpu.memory_space<vmem>>, vector<16xf32>,
    }
    %while3A_1202 = arith.constant 1 : i32
    scf.for %while3A_1303 = %while3A_1200 to %while3A_1196 step %while3A_1202  : i32 {
      %mul3A_1304 = arith.constant 2 : i32
      %mul3A_1305 = arith.muli %mul3A_1304, %while3A_1303 : i32
      %add3A_1306 = arith.constant 0 : i32
      %add3A_1307 = arith.addi %mul3A_1305, %add3A_1306 : i32
      %mul3A_1308 = arith.constant 16 : i32
      %mul3A_1309 = arith.muli %add3A_1307, %mul3A_1308 : i32
      %shift_right_arithmetic3A = arith.constant 3 : i32
      %shift_right_arithmetic3A_1310 = arith.shrsi %add3A_1307, %shift_right_arithmetic3A : i32
      %mul3A_1311 = arith.constant 256 : i32
      %mul3A_1312 = arith.muli %shift_right_arithmetic3A_1310, %mul3A_1311 : i32
      %and3A = arith.constant 7 : i32
      %and3A_1313 = arith.andi %add3A_1307, %and3A : i32
      %mul3A_1314 = arith.constant 16 : i32
      %mul3A_1315 = arith.muli %and3A_1313, %mul3A_1314 : i32
      %add3A_1316 = arith.addi %mul3A_1312, %mul3A_1315 : i32
      %get3A_1317 = arith.index_cast %mul3A_1309 : i32 to index
      %get3A_1318 = tpu.vector_load %arg9[%get3A_1317] {strides = array<i32>} : memref<16384xi32, #tpu.memory_space<vmem>>, vector<16xi32>,
      %shift_left3A = arith.constant 5 : i32
      %shift_left3A_1319 = vector.broadcast %shift_left3A : i32 to vector<16xi32>
      %shift_left3A_1320 = arith.shli %get3A_1318, %shift_left3A_1319 : vector<16xi32>
      %get3A_1321 = arith.index_cast %mul3A_1309 : i32 to index
      %get3A_1322 = tpu.vector_load %arg10[%get3A_1321] {strides = array<i32>} : memref<16384xi32, #tpu.memory_space<vmem>>, vector<16xi32>,
      %add3A_1323 = arith.addi %shift_left3A_1320, %get3A_1322 : vector<16xi32>
      %gather3A_1324 = tpu.vector_load_idx %arg12[%add3A_1323] : memref<256xf32, #tpu.memory_space<vmem>>[vector<16xi32>], vector<16xf32>,
      %swap3A_1325 = arith.index_cast %add3A_1316 : i32 to index
      %swap3A_1326 = tpu.vector_load %arg11[%swap3A_1325] {strides = array<i32>} : memref<32768xf32, #tpu.memory_space<vmem>>, vector<16xf32>,
      tpu.vector_store %arg11[%swap3A_1325], %gather3A_1324 {strides = array<i32>} : memref<32768xf32, #tpu.memory_space<vmem>>, vector<16xf32>,
      %gather3A_1327 = tpu.vector_load_idx %arg13[%add3A_1323] : memref<256xf32, #tpu.memory_space<vmem>>[vector<16xi32>], vector<16xf32>,
      %add3A_1328 = arith.constant 128 : i32
      %add3A_1329 = arith.addi %add3A_1316, %add3A_1328 : i32
      %swap3A_1330 = arith.index_cast %add3A_1329 : i32 to index
      %swap3A_1331 = tpu.vector_load %arg11[%swap3A_1330] {strides = array<i32>} : memref<32768xf32, #tpu.memory_space<vmem>>, vector<16xf32>,
      tpu.vector_store %arg11[%swap3A_1330], %gather3A_1327 {strides = array<i32>} : memref<32768xf32, #tpu.memory_space<vmem>>, vector<16xf32>,
      %mul3A_1332 = arith.constant 2 : i32
      %mul3A_1333 = arith.muli %mul3A_1332, %while3A_1303 : i32
      %add3A_1334 = arith.constant 1 : i32
      %add3A_1335 = arith.addi %mul3A_1333, %add3A_1334 : i32
      %mul3A_1336 = arith.constant 16 : i32
      %mul3A_1337 = arith.muli %add3A_1335, %mul3A_1336 : i32
      %shift_right_arithmetic3A_1338 = arith.constant 3 : i32
      %shift_right_arithmetic3A_1339 = arith.shrsi %add3A_1335, %shift_right_arithmetic3A_1338 : i32
      %mul3A_1340 = arith.constant 256 : i32
      %mul3A_1341 = arith.muli %shift_right_arithmetic3A_1339, %mul3A_1340 : i32
      %and3A_1342 = arith.constant 7 : i32
      %and3A_1343 = arith.andi %add3A_1335, %and3A_1342 : i32
      %mul3A_1344 = arith.constant 16 : i32
      %mul3A_1345 = arith.muli %and3A_1343, %mul3A_1344 : i32
      %add3A_1346 = arith.addi %mul3A_1341, %mul3A_1345 : i32
      %get3A_1347 = arith.index_cast %mul3A_1337 : i32 to index
      %get3A_1348 = tpu.vector_load %arg9[%get3A_1347] {strides = array<i32>} : memref<16384xi32, #tpu.memory_space<vmem>>, vector<16xi32>,
      %shift_left3A_1349 = arith.constant 5 : i32
      %shift_left3A_1350 = vector.broadcast %shift_left3A_1349 : i32 to vector<16xi32>
      %shift_left3A_1351 = arith.shli %get3A_1348, %shift_left3A_1350 : vector<16xi32>
      %get3A_1352 = arith.index_cast %mul3A_1337 : i32 to index
      %get3A_1353 = tpu.vector_load %arg10[%get3A_1352] {strides = array<i32>} : memref<16384xi32, #tpu.memory_space<vmem>>, vector<16xi32>,
      %add3A_1354 = arith.addi %shift_left3A_1351, %get3A_1353 : vector<16xi32>
      %gather3A_1355 = tpu.vector_load_idx %arg12[%add3A_1354] : memref<256xf32, #tpu.memory_space<vmem>>[vector<16xi32>], vector<16xf32>,
      %swap3A_1356 = arith.index_cast %add3A_1346 : i32 to index
      %swap3A_1357 = tpu.vector_load %arg11[%swap3A_1356] {strides = array<i32>} : memref<32768xf32, #tpu.memory_space<vmem>>, vector<16xf32>,
      tpu.vector_store %arg11[%swap3A_1356], %gather3A_1355 {strides = array<i32>} : memref<32768xf32, #tpu.memory_space<vmem>>, vector<16xf32>,
      %gather3A_1358 = tpu.vector_load_idx %arg13[%add3A_1354] : memref<256xf32, #tpu.memory_space<vmem>>[vector<16xi32>], vector<16xf32>,
      %add3A_1359 = arith.constant 128 : i32
      %add3A_1360 = arith.addi %add3A_1346, %add3A_1359 : i32
      %swap3A_1361 = arith.index_cast %add3A_1360 : i32 to index
      %swap3A_1362 = tpu.vector_load %arg11[%swap3A_1361] {strides = array<i32>} : memref<32768xf32, #tpu.memory_space<vmem>>, vector<16xf32>,
      tpu.vector_store %arg11[%swap3A_1361], %gather3A_1358 {strides = array<i32>} : memref<32768xf32, #tpu.memory_space<vmem>>, vector<16xf32>,
    }
    %mul3A_1203 = arith.constant 2 : i32
    %mul3A_1204 = arith.muli %mul3A_1203, %mul3A_2 : i32
    %add3A_1205 = arith.constant 8192 : i32
    %add3A_1206 = arith.addi %mul3A_1204, %add3A_1205 : i32
    %dma_start3A_1207 = arith.constant 8192 : i32
    %dma_start3A_1208 = tpu.memref_slice %arg11[%dma_start3A_1207] : memref<32768xf32, #tpu.memory_space<vmem>> -> memref<8192xf32, #tpu.memory_space<vmem>>
    %dma_start3A_1209 = tpu.memref_slice %arg8[%add3A_1206] : memref<1048576xf32, #tpu.memory_space<hbm>> -> memref<8192xf32, #tpu.memory_space<hbm>>
    %dma_start3A_1210 = tpu.memref_slice %arg8[%add3A_1206] : memref<1048576xf32, #tpu.memory_space<hbm>> -> memref<8192xf32, #tpu.memory_space<hbm>>
    %dma_start3A_1211 = arith.constant 8192 : i32
    %dma_start3A_1212 = tpu.memref_slice %arg11[%dma_start3A_1211] : memref<32768xf32, #tpu.memory_space<vmem>> -> memref<8192xf32, #tpu.memory_space<vmem>>
    tpu.enqueue_dma source(%dma_start3A_1212 : memref<8192xf32, #tpu.memory_space<vmem>>) target(%dma_start3A_1210 : memref<8192xf32, #tpu.memory_space<hbm>>) target_semaphore(%arg24 : memref<!tpu.dma_semaphore, #tpu.memory_space<semaphore_mem>>)
    %dma_wait3A_1213 = arith.constant 8192 : i32
    %dma_wait3A_1214 = tpu.memref_slice %arg9[%dma_wait3A_1213] : memref<16384xi32, #tpu.memory_space<vmem>> -> memref<4096xi32, #tpu.memory_space<vmem>>
    %dma_wait3A_1215 = tpu.memref_slice %arg2[%add3A_35] : memref<524288xi32, #tpu.memory_space<hbm>> -> memref<4096xi32, #tpu.memory_space<hbm>>
    %dma_wait3A_1216 = arith.constant 8192 : i32
    %dma_wait3A_1217 = tpu.memref_slice %arg9[%dma_wait3A_1216] : memref<16384xi32, #tpu.memory_space<vmem>> -> memref<4096xi32, #tpu.memory_space<vmem>>
    %dma_wait3A_1218 = tpu.memref_slice %arg2[%add3A_35] : memref<524288xi32, #tpu.memory_space<hbm>> -> memref<4096xi32, #tpu.memory_space<hbm>>
    tpu.wait_dma2 semaphore(%arg22 : memref<!tpu.dma_semaphore, #tpu.memory_space<semaphore_mem>>) src(%dma_wait3A_1218 : memref<4096xi32, #tpu.memory_space<hbm>>) dst(%dma_wait3A_1217 : memref<4096xi32, #tpu.memory_space<vmem>>)
    %dma_wait3A_1219 = arith.constant 8192 : i32
    %dma_wait3A_1220 = tpu.memref_slice %arg10[%dma_wait3A_1219] : memref<16384xi32, #tpu.memory_space<vmem>> -> memref<4096xi32, #tpu.memory_space<vmem>>
    %dma_wait3A_1221 = tpu.memref_slice %arg3[%add3A_43] : memref<524288xi32, #tpu.memory_space<hbm>> -> memref<4096xi32, #tpu.memory_space<hbm>>
    %dma_wait3A_1222 = arith.constant 8192 : i32
    %dma_wait3A_1223 = tpu.memref_slice %arg10[%dma_wait3A_1222] : memref<16384xi32, #tpu.memory_space<vmem>> -> memref<4096xi32, #tpu.memory_space<vmem>>
    %dma_wait3A_1224 = tpu.memref_slice %arg3[%add3A_43] : memref<524288xi32, #tpu.memory_space<hbm>> -> memref<4096xi32, #tpu.memory_space<hbm>>
    tpu.wait_dma2 semaphore(%arg22 : memref<!tpu.dma_semaphore, #tpu.memory_space<semaphore_mem>>) src(%dma_wait3A_1224 : memref<4096xi32, #tpu.memory_space<hbm>>) dst(%dma_wait3A_1223 : memref<4096xi32, #tpu.memory_space<vmem>>)
    %while3A_1225 = arith.constant 0 : i32
    %while3A_1226 = arith.constant 256 : i32
    %while3A_1227 = arith.constant 384 : i32
    %while3A_1228 = arith.subi %while3A_1227, %while3A_1226 : i32
    %while3A_1229 = arith.addi %while3A_1226, %while3A_1228 : i32
    %while3A_1230 = arith.constant 1 : i32
    %while3A_1231 = arith.divsi %while3A_1228, %while3A_1230 : i32
    %while3A_1232 = arith.muli %while3A_1231, %while3A_1230 : i32
    %while3A_1233 = arith.addi %while3A_1226, %while3A_1232 : i32
    %while3A_1234 = arith.constant 1 : i32
    scf.for %while3A_1303 = %while3A_1226 to %while3A_1233 step %while3A_1234  : i32 {
      %mul3A_1304 = arith.constant 2 : i32
      %mul3A_1305 = arith.muli %mul3A_1304, %while3A_1303 : i32
      %add3A_1306 = arith.constant 0 : i32
      %add3A_1307 = arith.addi %mul3A_1305, %add3A_1306 : i32
      %mul3A_1308 = arith.constant 16 : i32
      %mul3A_1309 = arith.muli %add3A_1307, %mul3A_1308 : i32
      %shift_right_arithmetic3A = arith.constant 3 : i32
      %shift_right_arithmetic3A_1310 = arith.shrsi %add3A_1307, %shift_right_arithmetic3A : i32
      %mul3A_1311 = arith.constant 256 : i32
      %mul3A_1312 = arith.muli %shift_right_arithmetic3A_1310, %mul3A_1311 : i32
      %and3A = arith.constant 7 : i32
      %and3A_1313 = arith.andi %add3A_1307, %and3A : i32
      %mul3A_1314 = arith.constant 16 : i32
      %mul3A_1315 = arith.muli %and3A_1313, %mul3A_1314 : i32
      %add3A_1316 = arith.addi %mul3A_1312, %mul3A_1315 : i32
      %get3A_1317 = arith.index_cast %mul3A_1309 : i32 to index
      %get3A_1318 = tpu.vector_load %arg9[%get3A_1317] {strides = array<i32>} : memref<16384xi32, #tpu.memory_space<vmem>>, vector<16xi32>,
      %shift_left3A = arith.constant 5 : i32
      %shift_left3A_1319 = vector.broadcast %shift_left3A : i32 to vector<16xi32>
      %shift_left3A_1320 = arith.shli %get3A_1318, %shift_left3A_1319 : vector<16xi32>
      %get3A_1321 = arith.index_cast %mul3A_1309 : i32 to index
      %get3A_1322 = tpu.vector_load %arg10[%get3A_1321] {strides = array<i32>} : memref<16384xi32, #tpu.memory_space<vmem>>, vector<16xi32>,
      %add3A_1323 = arith.addi %shift_left3A_1320, %get3A_1322 : vector<16xi32>
      %gather3A_1324 = tpu.vector_load_idx %arg12[%add3A_1323] : memref<256xf32, #tpu.memory_space<vmem>>[vector<16xi32>], vector<16xf32>,
      %swap3A_1325 = arith.index_cast %add3A_1316 : i32 to index
      %swap3A_1326 = tpu.vector_load %arg11[%swap3A_1325] {strides = array<i32>} : memref<32768xf32, #tpu.memory_space<vmem>>, vector<16xf32>,
      tpu.vector_store %arg11[%swap3A_1325], %gather3A_1324 {strides = array<i32>} : memref<32768xf32, #tpu.memory_space<vmem>>, vector<16xf32>,
      %gather3A_1327 = tpu.vector_load_idx %arg13[%add3A_1323] : memref<256xf32, #tpu.memory_space<vmem>>[vector<16xi32>], vector<16xf32>,
      %add3A_1328 = arith.constant 128 : i32
      %add3A_1329 = arith.addi %add3A_1316, %add3A_1328 : i32
      %swap3A_1330 = arith.index_cast %add3A_1329 : i32 to index
      %swap3A_1331 = tpu.vector_load %arg11[%swap3A_1330] {strides = array<i32>} : memref<32768xf32, #tpu.memory_space<vmem>>, vector<16xf32>,
      tpu.vector_store %arg11[%swap3A_1330], %gather3A_1327 {strides = array<i32>} : memref<32768xf32, #tpu.memory_space<vmem>>, vector<16xf32>,
      %mul3A_1332 = arith.constant 2 : i32
      %mul3A_1333 = arith.muli %mul3A_1332, %while3A_1303 : i32
      %add3A_1334 = arith.constant 1 : i32
      %add3A_1335 = arith.addi %mul3A_1333, %add3A_1334 : i32
      %mul3A_1336 = arith.constant 16 : i32
      %mul3A_1337 = arith.muli %add3A_1335, %mul3A_1336 : i32
      %shift_right_arithmetic3A_1338 = arith.constant 3 : i32
      %shift_right_arithmetic3A_1339 = arith.shrsi %add3A_1335, %shift_right_arithmetic3A_1338 : i32
      %mul3A_1340 = arith.constant 256 : i32
      %mul3A_1341 = arith.muli %shift_right_arithmetic3A_1339, %mul3A_1340 : i32
      %and3A_1342 = arith.constant 7 : i32
      %and3A_1343 = arith.andi %add3A_1335, %and3A_1342 : i32
      %mul3A_1344 = arith.constant 16 : i32
      %mul3A_1345 = arith.muli %and3A_1343, %mul3A_1344 : i32
      %add3A_1346 = arith.addi %mul3A_1341, %mul3A_1345 : i32
      %get3A_1347 = arith.index_cast %mul3A_1337 : i32 to index
      %get3A_1348 = tpu.vector_load %arg9[%get3A_1347] {strides = array<i32>} : memref<16384xi32, #tpu.memory_space<vmem>>, vector<16xi32>,
      %shift_left3A_1349 = arith.constant 5 : i32
      %shift_left3A_1350 = vector.broadcast %shift_left3A_1349 : i32 to vector<16xi32>
      %shift_left3A_1351 = arith.shli %get3A_1348, %shift_left3A_1350 : vector<16xi32>
      %get3A_1352 = arith.index_cast %mul3A_1337 : i32 to index
      %get3A_1353 = tpu.vector_load %arg10[%get3A_1352] {strides = array<i32>} : memref<16384xi32, #tpu.memory_space<vmem>>, vector<16xi32>,
      %add3A_1354 = arith.addi %shift_left3A_1351, %get3A_1353 : vector<16xi32>
      %gather3A_1355 = tpu.vector_load_idx %arg12[%add3A_1354] : memref<256xf32, #tpu.memory_space<vmem>>[vector<16xi32>], vector<16xf32>,
      %swap3A_1356 = arith.index_cast %add3A_1346 : i32 to index
      %swap3A_1357 = tpu.vector_load %arg11[%swap3A_1356] {strides = array<i32>} : memref<32768xf32, #tpu.memory_space<vmem>>, vector<16xf32>,
      tpu.vector_store %arg11[%swap3A_1356], %gather3A_1355 {strides = array<i32>} : memref<32768xf32, #tpu.memory_space<vmem>>, vector<16xf32>,
      %gather3A_1358 = tpu.vector_load_idx %arg13[%add3A_1354] : memref<256xf32, #tpu.memory_space<vmem>>[vector<16xi32>], vector<16xf32>,
      %add3A_1359 = arith.constant 128 : i32
      %add3A_1360 = arith.addi %add3A_1346, %add3A_1359 : i32
      %swap3A_1361 = arith.index_cast %add3A_1360 : i32 to index
      %swap3A_1362 = tpu.vector_load %arg11[%swap3A_1361] {strides = array<i32>} : memref<32768xf32, #tpu.memory_space<vmem>>, vector<16xf32>,
      tpu.vector_store %arg11[%swap3A_1361], %gather3A_1358 {strides = array<i32>} : memref<32768xf32, #tpu.memory_space<vmem>>, vector<16xf32>,
    }
    %while3A_1235 = arith.constant 1 : i32
    scf.for %while3A_1303 = %while3A_1233 to %while3A_1229 step %while3A_1235  : i32 {
      %mul3A_1304 = arith.constant 2 : i32
      %mul3A_1305 = arith.muli %mul3A_1304, %while3A_1303 : i32
      %add3A_1306 = arith.constant 0 : i32
      %add3A_1307 = arith.addi %mul3A_1305, %add3A_1306 : i32
      %mul3A_1308 = arith.constant 16 : i32
      %mul3A_1309 = arith.muli %add3A_1307, %mul3A_1308 : i32
      %shift_right_arithmetic3A = arith.constant 3 : i32
      %shift_right_arithmetic3A_1310 = arith.shrsi %add3A_1307, %shift_right_arithmetic3A : i32
      %mul3A_1311 = arith.constant 256 : i32
      %mul3A_1312 = arith.muli %shift_right_arithmetic3A_1310, %mul3A_1311 : i32
      %and3A = arith.constant 7 : i32
      %and3A_1313 = arith.andi %add3A_1307, %and3A : i32
      %mul3A_1314 = arith.constant 16 : i32
      %mul3A_1315 = arith.muli %and3A_1313, %mul3A_1314 : i32
      %add3A_1316 = arith.addi %mul3A_1312, %mul3A_1315 : i32
      %get3A_1317 = arith.index_cast %mul3A_1309 : i32 to index
      %get3A_1318 = tpu.vector_load %arg9[%get3A_1317] {strides = array<i32>} : memref<16384xi32, #tpu.memory_space<vmem>>, vector<16xi32>,
      %shift_left3A = arith.constant 5 : i32
      %shift_left3A_1319 = vector.broadcast %shift_left3A : i32 to vector<16xi32>
      %shift_left3A_1320 = arith.shli %get3A_1318, %shift_left3A_1319 : vector<16xi32>
      %get3A_1321 = arith.index_cast %mul3A_1309 : i32 to index
      %get3A_1322 = tpu.vector_load %arg10[%get3A_1321] {strides = array<i32>} : memref<16384xi32, #tpu.memory_space<vmem>>, vector<16xi32>,
      %add3A_1323 = arith.addi %shift_left3A_1320, %get3A_1322 : vector<16xi32>
      %gather3A_1324 = tpu.vector_load_idx %arg12[%add3A_1323] : memref<256xf32, #tpu.memory_space<vmem>>[vector<16xi32>], vector<16xf32>,
      %swap3A_1325 = arith.index_cast %add3A_1316 : i32 to index
      %swap3A_1326 = tpu.vector_load %arg11[%swap3A_1325] {strides = array<i32>} : memref<32768xf32, #tpu.memory_space<vmem>>, vector<16xf32>,
      tpu.vector_store %arg11[%swap3A_1325], %gather3A_1324 {strides = array<i32>} : memref<32768xf32, #tpu.memory_space<vmem>>, vector<16xf32>,
      %gather3A_1327 = tpu.vector_load_idx %arg13[%add3A_1323] : memref<256xf32, #tpu.memory_space<vmem>>[vector<16xi32>], vector<16xf32>,
      %add3A_1328 = arith.constant 128 : i32
      %add3A_1329 = arith.addi %add3A_1316, %add3A_1328 : i32
      %swap3A_1330 = arith.index_cast %add3A_1329 : i32 to index
      %swap3A_1331 = tpu.vector_load %arg11[%swap3A_1330] {strides = array<i32>} : memref<32768xf32, #tpu.memory_space<vmem>>, vector<16xf32>,
      tpu.vector_store %arg11[%swap3A_1330], %gather3A_1327 {strides = array<i32>} : memref<32768xf32, #tpu.memory_space<vmem>>, vector<16xf32>,
      %mul3A_1332 = arith.constant 2 : i32
      %mul3A_1333 = arith.muli %mul3A_1332, %while3A_1303 : i32
      %add3A_1334 = arith.constant 1 : i32
      %add3A_1335 = arith.addi %mul3A_1333, %add3A_1334 : i32
      %mul3A_1336 = arith.constant 16 : i32
      %mul3A_1337 = arith.muli %add3A_1335, %mul3A_1336 : i32
      %shift_right_arithmetic3A_1338 = arith.constant 3 : i32
      %shift_right_arithmetic3A_1339 = arith.shrsi %add3A_1335, %shift_right_arithmetic3A_1338 : i32
      %mul3A_1340 = arith.constant 256 : i32
      %mul3A_1341 = arith.muli %shift_right_arithmetic3A_1339, %mul3A_1340 : i32
      %and3A_1342 = arith.constant 7 : i32
      %and3A_1343 = arith.andi %add3A_1335, %and3A_1342 : i32
      %mul3A_1344 = arith.constant 16 : i32
      %mul3A_1345 = arith.muli %and3A_1343, %mul3A_1344 : i32
      %add3A_1346 = arith.addi %mul3A_1341, %mul3A_1345 : i32
      %get3A_1347 = arith.index_cast %mul3A_1337 : i32 to index
      %get3A_1348 = tpu.vector_load %arg9[%get3A_1347] {strides = array<i32>} : memref<16384xi32, #tpu.memory_space<vmem>>, vector<16xi32>,
      %shift_left3A_1349 = arith.constant 5 : i32
      %shift_left3A_1350 = vector.broadcast %shift_left3A_1349 : i32 to vector<16xi32>
      %shift_left3A_1351 = arith.shli %get3A_1348, %shift_left3A_1350 : vector<16xi32>
      %get3A_1352 = arith.index_cast %mul3A_1337 : i32 to index
      %get3A_1353 = tpu.vector_load %arg10[%get3A_1352] {strides = array<i32>} : memref<16384xi32, #tpu.memory_space<vmem>>, vector<16xi32>,
      %add3A_1354 = arith.addi %shift_left3A_1351, %get3A_1353 : vector<16xi32>
      %gather3A_1355 = tpu.vector_load_idx %arg12[%add3A_1354] : memref<256xf32, #tpu.memory_space<vmem>>[vector<16xi32>], vector<16xf32>,
      %swap3A_1356 = arith.index_cast %add3A_1346 : i32 to index
      %swap3A_1357 = tpu.vector_load %arg11[%swap3A_1356] {strides = array<i32>} : memref<32768xf32, #tpu.memory_space<vmem>>, vector<16xf32>,
      tpu.vector_store %arg11[%swap3A_1356], %gather3A_1355 {strides = array<i32>} : memref<32768xf32, #tpu.memory_space<vmem>>, vector<16xf32>,
      %gather3A_1358 = tpu.vector_load_idx %arg13[%add3A_1354] : memref<256xf32, #tpu.memory_space<vmem>>[vector<16xi32>], vector<16xf32>,
      %add3A_1359 = arith.constant 128 : i32
      %add3A_1360 = arith.addi %add3A_1346, %add3A_1359 : i32
      %swap3A_1361 = arith.index_cast %add3A_1360 : i32 to index
      %swap3A_1362 = tpu.vector_load %arg11[%swap3A_1361] {strides = array<i32>} : memref<32768xf32, #tpu.memory_space<vmem>>, vector<16xf32>,
      tpu.vector_store %arg11[%swap3A_1361], %gather3A_1358 {strides = array<i32>} : memref<32768xf32, #tpu.memory_space<vmem>>, vector<16xf32>,
    }
    %mul3A_1236 = arith.constant 2 : i32
    %mul3A_1237 = arith.muli %mul3A_1236, %mul3A_2 : i32
    %add3A_1238 = arith.constant 16384 : i32
    %add3A_1239 = arith.addi %mul3A_1237, %add3A_1238 : i32
    %dma_start3A_1240 = arith.constant 16384 : i32
    %dma_start3A_1241 = tpu.memref_slice %arg11[%dma_start3A_1240] : memref<32768xf32, #tpu.memory_space<vmem>> -> memref<8192xf32, #tpu.memory_space<vmem>>
    %dma_start3A_1242 = tpu.memref_slice %arg8[%add3A_1239] : memref<1048576xf32, #tpu.memory_space<hbm>> -> memref<8192xf32, #tpu.memory_space<hbm>>
    %dma_start3A_1243 = tpu.memref_slice %arg8[%add3A_1239] : memref<1048576xf32, #tpu.memory_space<hbm>> -> memref<8192xf32, #tpu.memory_space<hbm>>
    %dma_start3A_1244 = arith.constant 16384 : i32
    %dma_start3A_1245 = tpu.memref_slice %arg11[%dma_start3A_1244] : memref<32768xf32, #tpu.memory_space<vmem>> -> memref<8192xf32, #tpu.memory_space<vmem>>
    tpu.enqueue_dma source(%dma_start3A_1245 : memref<8192xf32, #tpu.memory_space<vmem>>) target(%dma_start3A_1243 : memref<8192xf32, #tpu.memory_space<hbm>>) target_semaphore(%arg24 : memref<!tpu.dma_semaphore, #tpu.memory_space<semaphore_mem>>)
    %dma_wait3A_1246 = arith.constant 12288 : i32
    %dma_wait3A_1247 = tpu.memref_slice %arg9[%dma_wait3A_1246] : memref<16384xi32, #tpu.memory_space<vmem>> -> memref<4096xi32, #tpu.memory_space<vmem>>
    %dma_wait3A_1248 = tpu.memref_slice %arg2[%add3A_51] : memref<524288xi32, #tpu.memory_space<hbm>> -> memref<4096xi32, #tpu.memory_space<hbm>>
    %dma_wait3A_1249 = arith.constant 12288 : i32
    %dma_wait3A_1250 = tpu.memref_slice %arg9[%dma_wait3A_1249] : memref<16384xi32, #tpu.memory_space<vmem>> -> memref<4096xi32, #tpu.memory_space<vmem>>
    %dma_wait3A_1251 = tpu.memref_slice %arg2[%add3A_51] : memref<524288xi32, #tpu.memory_space<hbm>> -> memref<4096xi32, #tpu.memory_space<hbm>>
    tpu.wait_dma2 semaphore(%arg23 : memref<!tpu.dma_semaphore, #tpu.memory_space<semaphore_mem>>) src(%dma_wait3A_1251 : memref<4096xi32, #tpu.memory_space<hbm>>) dst(%dma_wait3A_1250 : memref<4096xi32, #tpu.memory_space<vmem>>)
    %dma_wait3A_1252 = arith.constant 12288 : i32
    %dma_wait3A_1253 = tpu.memref_slice %arg10[%dma_wait3A_1252] : memref<16384xi32, #tpu.memory_space<vmem>> -> memref<4096xi32, #tpu.memory_space<vmem>>
    %dma_wait3A_1254 = tpu.memref_slice %arg3[%add3A_59] : memref<524288xi32, #tpu.memory_space<hbm>> -> memref<4096xi32, #tpu.memory_space<hbm>>
    %dma_wait3A_1255 = arith.constant 12288 : i32
    %dma_wait3A_1256 = tpu.memref_slice %arg10[%dma_wait3A_1255] : memref<16384xi32, #tpu.memory_space<vmem>> -> memref<4096xi32, #tpu.memory_space<vmem>>
    %dma_wait3A_1257 = tpu.memref_slice %arg3[%add3A_59] : memref<524288xi32, #tpu.memory_space<hbm>> -> memref<4096xi32, #tpu.memory_space<hbm>>
    tpu.wait_dma2 semaphore(%arg23 : memref<!tpu.dma_semaphore, #tpu.memory_space<semaphore_mem>>) src(%dma_wait3A_1257 : memref<4096xi32, #tpu.memory_space<hbm>>) dst(%dma_wait3A_1256 : memref<4096xi32, #tpu.memory_space<vmem>>)
    %while3A_1258 = arith.constant 0 : i32
    %while3A_1259 = arith.constant 384 : i32
    %while3A_1260 = arith.constant 512 : i32
    %while3A_1261 = arith.subi %while3A_1260, %while3A_1259 : i32
    %while3A_1262 = arith.addi %while3A_1259, %while3A_1261 : i32
    %while3A_1263 = arith.constant 1 : i32
    %while3A_1264 = arith.divsi %while3A_1261, %while3A_1263 : i32
    %while3A_1265 = arith.muli %while3A_1264, %while3A_1263 : i32
    %while3A_1266 = arith.addi %while3A_1259, %while3A_1265 : i32
    %while3A_1267 = arith.constant 1 : i32
    scf.for %while3A_1303 = %while3A_1259 to %while3A_1266 step %while3A_1267  : i32 {
      %mul3A_1304 = arith.constant 2 : i32
      %mul3A_1305 = arith.muli %mul3A_1304, %while3A_1303 : i32
      %add3A_1306 = arith.constant 0 : i32
      %add3A_1307 = arith.addi %mul3A_1305, %add3A_1306 : i32
      %mul3A_1308 = arith.constant 16 : i32
      %mul3A_1309 = arith.muli %add3A_1307, %mul3A_1308 : i32
      %shift_right_arithmetic3A = arith.constant 3 : i32
      %shift_right_arithmetic3A_1310 = arith.shrsi %add3A_1307, %shift_right_arithmetic3A : i32
      %mul3A_1311 = arith.constant 256 : i32
      %mul3A_1312 = arith.muli %shift_right_arithmetic3A_1310, %mul3A_1311 : i32
      %and3A = arith.constant 7 : i32
      %and3A_1313 = arith.andi %add3A_1307, %and3A : i32
      %mul3A_1314 = arith.constant 16 : i32
      %mul3A_1315 = arith.muli %and3A_1313, %mul3A_1314 : i32
      %add3A_1316 = arith.addi %mul3A_1312, %mul3A_1315 : i32
      %get3A_1317 = arith.index_cast %mul3A_1309 : i32 to index
      %get3A_1318 = tpu.vector_load %arg9[%get3A_1317] {strides = array<i32>} : memref<16384xi32, #tpu.memory_space<vmem>>, vector<16xi32>,
      %shift_left3A = arith.constant 5 : i32
      %shift_left3A_1319 = vector.broadcast %shift_left3A : i32 to vector<16xi32>
      %shift_left3A_1320 = arith.shli %get3A_1318, %shift_left3A_1319 : vector<16xi32>
      %get3A_1321 = arith.index_cast %mul3A_1309 : i32 to index
      %get3A_1322 = tpu.vector_load %arg10[%get3A_1321] {strides = array<i32>} : memref<16384xi32, #tpu.memory_space<vmem>>, vector<16xi32>,
      %add3A_1323 = arith.addi %shift_left3A_1320, %get3A_1322 : vector<16xi32>
      %gather3A_1324 = tpu.vector_load_idx %arg12[%add3A_1323] : memref<256xf32, #tpu.memory_space<vmem>>[vector<16xi32>], vector<16xf32>,
      %swap3A_1325 = arith.index_cast %add3A_1316 : i32 to index
      %swap3A_1326 = tpu.vector_load %arg11[%swap3A_1325] {strides = array<i32>} : memref<32768xf32, #tpu.memory_space<vmem>>, vector<16xf32>,
      tpu.vector_store %arg11[%swap3A_1325], %gather3A_1324 {strides = array<i32>} : memref<32768xf32, #tpu.memory_space<vmem>>, vector<16xf32>,
      %gather3A_1327 = tpu.vector_load_idx %arg13[%add3A_1323] : memref<256xf32, #tpu.memory_space<vmem>>[vector<16xi32>], vector<16xf32>,
      %add3A_1328 = arith.constant 128 : i32
      %add3A_1329 = arith.addi %add3A_1316, %add3A_1328 : i32
      %swap3A_1330 = arith.index_cast %add3A_1329 : i32 to index
      %swap3A_1331 = tpu.vector_load %arg11[%swap3A_1330] {strides = array<i32>} : memref<32768xf32, #tpu.memory_space<vmem>>, vector<16xf32>,
      tpu.vector_store %arg11[%swap3A_1330], %gather3A_1327 {strides = array<i32>} : memref<32768xf32, #tpu.memory_space<vmem>>, vector<16xf32>,
      %mul3A_1332 = arith.constant 2 : i32
      %mul3A_1333 = arith.muli %mul3A_1332, %while3A_1303 : i32
      %add3A_1334 = arith.constant 1 : i32
      %add3A_1335 = arith.addi %mul3A_1333, %add3A_1334 : i32
      %mul3A_1336 = arith.constant 16 : i32
      %mul3A_1337 = arith.muli %add3A_1335, %mul3A_1336 : i32
      %shift_right_arithmetic3A_1338 = arith.constant 3 : i32
      %shift_right_arithmetic3A_1339 = arith.shrsi %add3A_1335, %shift_right_arithmetic3A_1338 : i32
      %mul3A_1340 = arith.constant 256 : i32
      %mul3A_1341 = arith.muli %shift_right_arithmetic3A_1339, %mul3A_1340 : i32
      %and3A_1342 = arith.constant 7 : i32
      %and3A_1343 = arith.andi %add3A_1335, %and3A_1342 : i32
      %mul3A_1344 = arith.constant 16 : i32
      %mul3A_1345 = arith.muli %and3A_1343, %mul3A_1344 : i32
      %add3A_1346 = arith.addi %mul3A_1341, %mul3A_1345 : i32
      %get3A_1347 = arith.index_cast %mul3A_1337 : i32 to index
      %get3A_1348 = tpu.vector_load %arg9[%get3A_1347] {strides = array<i32>} : memref<16384xi32, #tpu.memory_space<vmem>>, vector<16xi32>,
      %shift_left3A_1349 = arith.constant 5 : i32
      %shift_left3A_1350 = vector.broadcast %shift_left3A_1349 : i32 to vector<16xi32>
      %shift_left3A_1351 = arith.shli %get3A_1348, %shift_left3A_1350 : vector<16xi32>
      %get3A_1352 = arith.index_cast %mul3A_1337 : i32 to index
      %get3A_1353 = tpu.vector_load %arg10[%get3A_1352] {strides = array<i32>} : memref<16384xi32, #tpu.memory_space<vmem>>, vector<16xi32>,
      %add3A_1354 = arith.addi %shift_left3A_1351, %get3A_1353 : vector<16xi32>
      %gather3A_1355 = tpu.vector_load_idx %arg12[%add3A_1354] : memref<256xf32, #tpu.memory_space<vmem>>[vector<16xi32>], vector<16xf32>,
      %swap3A_1356 = arith.index_cast %add3A_1346 : i32 to index
      %swap3A_1357 = tpu.vector_load %arg11[%swap3A_1356] {strides = array<i32>} : memref<32768xf32, #tpu.memory_space<vmem>>, vector<16xf32>,
      tpu.vector_store %arg11[%swap3A_1356], %gather3A_1355 {strides = array<i32>} : memref<32768xf32, #tpu.memory_space<vmem>>, vector<16xf32>,
      %gather3A_1358 = tpu.vector_load_idx %arg13[%add3A_1354] : memref<256xf32, #tpu.memory_space<vmem>>[vector<16xi32>], vector<16xf32>,
      %add3A_1359 = arith.constant 128 : i32
      %add3A_1360 = arith.addi %add3A_1346, %add3A_1359 : i32
      %swap3A_1361 = arith.index_cast %add3A_1360 : i32 to index
      %swap3A_1362 = tpu.vector_load %arg11[%swap3A_1361] {strides = array<i32>} : memref<32768xf32, #tpu.memory_space<vmem>>, vector<16xf32>,
      tpu.vector_store %arg11[%swap3A_1361], %gather3A_1358 {strides = array<i32>} : memref<32768xf32, #tpu.memory_space<vmem>>, vector<16xf32>,
    }
    %while3A_1268 = arith.constant 1 : i32
    scf.for %while3A_1303 = %while3A_1266 to %while3A_1262 step %while3A_1268  : i32 {
      %mul3A_1304 = arith.constant 2 : i32
      %mul3A_1305 = arith.muli %mul3A_1304, %while3A_1303 : i32
      %add3A_1306 = arith.constant 0 : i32
      %add3A_1307 = arith.addi %mul3A_1305, %add3A_1306 : i32
      %mul3A_1308 = arith.constant 16 : i32
      %mul3A_1309 = arith.muli %add3A_1307, %mul3A_1308 : i32
      %shift_right_arithmetic3A = arith.constant 3 : i32
      %shift_right_arithmetic3A_1310 = arith.shrsi %add3A_1307, %shift_right_arithmetic3A : i32
      %mul3A_1311 = arith.constant 256 : i32
      %mul3A_1312 = arith.muli %shift_right_arithmetic3A_1310, %mul3A_1311 : i32
      %and3A = arith.constant 7 : i32
      %and3A_1313 = arith.andi %add3A_1307, %and3A : i32
      %mul3A_1314 = arith.constant 16 : i32
      %mul3A_1315 = arith.muli %and3A_1313, %mul3A_1314 : i32
      %add3A_1316 = arith.addi %mul3A_1312, %mul3A_1315 : i32
      %get3A_1317 = arith.index_cast %mul3A_1309 : i32 to index
      %get3A_1318 = tpu.vector_load %arg9[%get3A_1317] {strides = array<i32>} : memref<16384xi32, #tpu.memory_space<vmem>>, vector<16xi32>,
      %shift_left3A = arith.constant 5 : i32
      %shift_left3A_1319 = vector.broadcast %shift_left3A : i32 to vector<16xi32>
      %shift_left3A_1320 = arith.shli %get3A_1318, %shift_left3A_1319 : vector<16xi32>
      %get3A_1321 = arith.index_cast %mul3A_1309 : i32 to index
      %get3A_1322 = tpu.vector_load %arg10[%get3A_1321] {strides = array<i32>} : memref<16384xi32, #tpu.memory_space<vmem>>, vector<16xi32>,
      %add3A_1323 = arith.addi %shift_left3A_1320, %get3A_1322 : vector<16xi32>
      %gather3A_1324 = tpu.vector_load_idx %arg12[%add3A_1323] : memref<256xf32, #tpu.memory_space<vmem>>[vector<16xi32>], vector<16xf32>,
      %swap3A_1325 = arith.index_cast %add3A_1316 : i32 to index
      %swap3A_1326 = tpu.vector_load %arg11[%swap3A_1325] {strides = array<i32>} : memref<32768xf32, #tpu.memory_space<vmem>>, vector<16xf32>,
      tpu.vector_store %arg11[%swap3A_1325], %gather3A_1324 {strides = array<i32>} : memref<32768xf32, #tpu.memory_space<vmem>>, vector<16xf32>,
      %gather3A_1327 = tpu.vector_load_idx %arg13[%add3A_1323] : memref<256xf32, #tpu.memory_space<vmem>>[vector<16xi32>], vector<16xf32>,
      %add3A_1328 = arith.constant 128 : i32
      %add3A_1329 = arith.addi %add3A_1316, %add3A_1328 : i32
      %swap3A_1330 = arith.index_cast %add3A_1329 : i32 to index
      %swap3A_1331 = tpu.vector_load %arg11[%swap3A_1330] {strides = array<i32>} : memref<32768xf32, #tpu.memory_space<vmem>>, vector<16xf32>,
      tpu.vector_store %arg11[%swap3A_1330], %gather3A_1327 {strides = array<i32>} : memref<32768xf32, #tpu.memory_space<vmem>>, vector<16xf32>,
      %mul3A_1332 = arith.constant 2 : i32
      %mul3A_1333 = arith.muli %mul3A_1332, %while3A_1303 : i32
      %add3A_1334 = arith.constant 1 : i32
      %add3A_1335 = arith.addi %mul3A_1333, %add3A_1334 : i32
      %mul3A_1336 = arith.constant 16 : i32
      %mul3A_1337 = arith.muli %add3A_1335, %mul3A_1336 : i32
      %shift_right_arithmetic3A_1338 = arith.constant 3 : i32
      %shift_right_arithmetic3A_1339 = arith.shrsi %add3A_1335, %shift_right_arithmetic3A_1338 : i32
      %mul3A_1340 = arith.constant 256 : i32
      %mul3A_1341 = arith.muli %shift_right_arithmetic3A_1339, %mul3A_1340 : i32
      %and3A_1342 = arith.constant 7 : i32
      %and3A_1343 = arith.andi %add3A_1335, %and3A_1342 : i32
      %mul3A_1344 = arith.constant 16 : i32
      %mul3A_1345 = arith.muli %and3A_1343, %mul3A_1344 : i32
      %add3A_1346 = arith.addi %mul3A_1341, %mul3A_1345 : i32
      %get3A_1347 = arith.index_cast %mul3A_1337 : i32 to index
      %get3A_1348 = tpu.vector_load %arg9[%get3A_1347] {strides = array<i32>} : memref<16384xi32, #tpu.memory_space<vmem>>, vector<16xi32>,
      %shift_left3A_1349 = arith.constant 5 : i32
      %shift_left3A_1350 = vector.broadcast %shift_left3A_1349 : i32 to vector<16xi32>
      %shift_left3A_1351 = arith.shli %get3A_1348, %shift_left3A_1350 : vector<16xi32>
      %get3A_1352 = arith.index_cast %mul3A_1337 : i32 to index
      %get3A_1353 = tpu.vector_load %arg10[%get3A_1352] {strides = array<i32>} : memref<16384xi32, #tpu.memory_space<vmem>>, vector<16xi32>,
      %add3A_1354 = arith.addi %shift_left3A_1351, %get3A_1353 : vector<16xi32>
      %gather3A_1355 = tpu.vector_load_idx %arg12[%add3A_1354] : memref<256xf32, #tpu.memory_space<vmem>>[vector<16xi32>], vector<16xf32>,
      %swap3A_1356 = arith.index_cast %add3A_1346 : i32 to index
      %swap3A_1357 = tpu.vector_load %arg11[%swap3A_1356] {strides = array<i32>} : memref<32768xf32, #tpu.memory_space<vmem>>, vector<16xf32>,
      tpu.vector_store %arg11[%swap3A_1356], %gather3A_1355 {strides = array<i32>} : memref<32768xf32, #tpu.memory_space<vmem>>, vector<16xf32>,
      %gather3A_1358 = tpu.vector_load_idx %arg13[%add3A_1354] : memref<256xf32, #tpu.memory_space<vmem>>[vector<16xi32>], vector<16xf32>,
      %add3A_1359 = arith.constant 128 : i32
      %add3A_1360 = arith.addi %add3A_1346, %add3A_1359 : i32
      %swap3A_1361 = arith.index_cast %add3A_1360 : i32 to index
      %swap3A_1362 = tpu.vector_load %arg11[%swap3A_1361] {strides = array<i32>} : memref<32768xf32, #tpu.memory_space<vmem>>, vector<16xf32>,
      tpu.vector_store %arg11[%swap3A_1361], %gather3A_1358 {strides = array<i32>} : memref<32768xf32, #tpu.memory_space<vmem>>, vector<16xf32>,
    }
    %mul3A_1269 = arith.constant 2 : i32
    %mul3A_1270 = arith.muli %mul3A_1269, %mul3A_2 : i32
    %add3A_1271 = arith.constant 24576 : i32
    %add3A_1272 = arith.addi %mul3A_1270, %add3A_1271 : i32
    %dma_start3A_1273 = arith.constant 24576 : i32
    %dma_start3A_1274 = tpu.memref_slice %arg11[%dma_start3A_1273] : memref<32768xf32, #tpu.memory_space<vmem>> -> memref<8192xf32, #tpu.memory_space<vmem>>
    %dma_start3A_1275 = tpu.memref_slice %arg8[%add3A_1272] : memref<1048576xf32, #tpu.memory_space<hbm>> -> memref<8192xf32, #tpu.memory_space<hbm>>
    %dma_start3A_1276 = tpu.memref_slice %arg8[%add3A_1272] : memref<1048576xf32, #tpu.memory_space<hbm>> -> memref<8192xf32, #tpu.memory_space<hbm>>
    %dma_start3A_1277 = arith.constant 24576 : i32
    %dma_start3A_1278 = tpu.memref_slice %arg11[%dma_start3A_1277] : memref<32768xf32, #tpu.memory_space<vmem>> -> memref<8192xf32, #tpu.memory_space<vmem>>
    tpu.enqueue_dma source(%dma_start3A_1278 : memref<8192xf32, #tpu.memory_space<vmem>>) target(%dma_start3A_1276 : memref<8192xf32, #tpu.memory_space<hbm>>) target_semaphore(%arg24 : memref<!tpu.dma_semaphore, #tpu.memory_space<semaphore_mem>>)
    %dma_wait3A_1279 = arith.constant 0 : i32
    %dma_wait3A_1280 = tpu.memref_slice %arg11[%dma_wait3A_1279] : memref<32768xf32, #tpu.memory_space<vmem>> -> memref<8192xf32, #tpu.memory_space<vmem>>
    %dma_wait3A_1281 = tpu.memref_slice %arg8[%add3A_1173] : memref<1048576xf32, #tpu.memory_space<hbm>> -> memref<8192xf32, #tpu.memory_space<hbm>>
    %dma_wait3A_1282 = tpu.memref_slice %arg8[%add3A_1173] : memref<1048576xf32, #tpu.memory_space<hbm>> -> memref<8192xf32, #tpu.memory_space<hbm>>
    %dma_wait3A_1283 = arith.constant 0 : i32
    %dma_wait3A_1284 = tpu.memref_slice %arg11[%dma_wait3A_1283] : memref<32768xf32, #tpu.memory_space<vmem>> -> memref<8192xf32, #tpu.memory_space<vmem>>
    tpu.wait_dma2 semaphore(%arg24 : memref<!tpu.dma_semaphore, #tpu.memory_space<semaphore_mem>>) src(%dma_wait3A_1284 : memref<8192xf32, #tpu.memory_space<vmem>>) dst(%dma_wait3A_1282 : memref<8192xf32, #tpu.memory_space<hbm>>)
    %dma_wait3A_1285 = arith.constant 8192 : i32
    %dma_wait3A_1286 = tpu.memref_slice %arg11[%dma_wait3A_1285] : memref<32768xf32, #tpu.memory_space<vmem>> -> memref<8192xf32, #tpu.memory_space<vmem>>
    %dma_wait3A_1287 = tpu.memref_slice %arg8[%add3A_1206] : memref<1048576xf32, #tpu.memory_space<hbm>> -> memref<8192xf32, #tpu.memory_space<hbm>>
    %dma_wait3A_1288 = tpu.memref_slice %arg8[%add3A_1206] : memref<1048576xf32, #tpu.memory_space<hbm>> -> memref<8192xf32, #tpu.memory_space<hbm>>
    %dma_wait3A_1289 = arith.constant 8192 : i32
    %dma_wait3A_1290 = tpu.memref_slice %arg11[%dma_wait3A_1289] : memref<32768xf32, #tpu.memory_space<vmem>> -> memref<8192xf32, #tpu.memory_space<vmem>>
    tpu.wait_dma2 semaphore(%arg24 : memref<!tpu.dma_semaphore, #tpu.memory_space<semaphore_mem>>) src(%dma_wait3A_1290 : memref<8192xf32, #tpu.memory_space<vmem>>) dst(%dma_wait3A_1288 : memref<8192xf32, #tpu.memory_space<hbm>>)
    %dma_wait3A_1291 = arith.constant 16384 : i32
    %dma_wait3A_1292 = tpu.memref_slice %arg11[%dma_wait3A_1291] : memref<32768xf32, #tpu.memory_space<vmem>> -> memref<8192xf32, #tpu.memory_space<vmem>>
    %dma_wait3A_1293 = tpu.memref_slice %arg8[%add3A_1239] : memref<1048576xf32, #tpu.memory_space<hbm>> -> memref<8192xf32, #tpu.memory_space<hbm>>
    %dma_wait3A_1294 = tpu.memref_slice %arg8[%add3A_1239] : memref<1048576xf32, #tpu.memory_space<hbm>> -> memref<8192xf32, #tpu.memory_space<hbm>>
    %dma_wait3A_1295 = arith.constant 16384 : i32
    %dma_wait3A_1296 = tpu.memref_slice %arg11[%dma_wait3A_1295] : memref<32768xf32, #tpu.memory_space<vmem>> -> memref<8192xf32, #tpu.memory_space<vmem>>
    tpu.wait_dma2 semaphore(%arg24 : memref<!tpu.dma_semaphore, #tpu.memory_space<semaphore_mem>>) src(%dma_wait3A_1296 : memref<8192xf32, #tpu.memory_space<vmem>>) dst(%dma_wait3A_1294 : memref<8192xf32, #tpu.memory_space<hbm>>)
    %dma_wait3A_1297 = arith.constant 24576 : i32
    %dma_wait3A_1298 = tpu.memref_slice %arg11[%dma_wait3A_1297] : memref<32768xf32, #tpu.memory_space<vmem>> -> memref<8192xf32, #tpu.memory_space<vmem>>
    %dma_wait3A_1299 = tpu.memref_slice %arg8[%add3A_1272] : memref<1048576xf32, #tpu.memory_space<hbm>> -> memref<8192xf32, #tpu.memory_space<hbm>>
    %dma_wait3A_1300 = tpu.memref_slice %arg8[%add3A_1272] : memref<1048576xf32, #tpu.memory_space<hbm>> -> memref<8192xf32, #tpu.memory_space<hbm>>
    %dma_wait3A_1301 = arith.constant 24576 : i32
    %dma_wait3A_1302 = tpu.memref_slice %arg11[%dma_wait3A_1301] : memref<32768xf32, #tpu.memory_space<vmem>> -> memref<8192xf32, #tpu.memory_space<vmem>>
    tpu.wait_dma2 semaphore(%arg24 : memref<!tpu.dma_semaphore, #tpu.memory_space<semaphore_mem>>) src(%dma_wait3A_1302 : memref<8192xf32, #tpu.memory_space<vmem>>) dst(%dma_wait3A_1300 : memref<8192xf32, #tpu.memory_space<hbm>>)
    return
  }
}

</mosaic_0001>

<sc_bundles>
// kernel: kernel.3.cloned.1.call-start
scs
__scs_entry_jumppad:
0x0: {  	(pc) =	sbr.rel $0x88, $3  }
0x1: {  	(tag) =	ssettag $0x0;
	lr =	simm.s32 $0x1  }
0x2: {  	[smem:$0x3F9C] =	sst lr;
	_ =	strace $0xD0000000  }
0x3: {  	_ = 	snop  }
0x4: {  	_ = 	snop  }
0x5: {  	_ = 	snop  }
0x6: {  	_ = 	snop  }
0x7: {  	_ = 	snop  }
__scs_overlays_trampoline_lowered:
0x8: {  	[smem:$0x3FAB] =	sst s0  }
0x9: {  	[smem:$0x3FAC] =	sst s1  }
0xa: {  	[smem:$0x3FAD] =	sst s2  }
0xb: {  	[smem:$0x3FAE] =	sst s3  }
0xc: {  	[smem:$0x3FAF] =	sst s4  }
0xd: {  	[smem:$0x3FB0] =	sst s5  }
0xe: {  	[smem:$0x3FB1] =	sst s6  }
0xf: {  	[smem:$0x3FB2] =	sst s7  }
0x10: {  	[smem:$0x3FB3] =	sst s8  }
0x11: {  	[smem:$0x3FB4] =	sst s9;
	s0 =	simm.s32 @!p0 $0x0  }
0x12: {  	s1 =	sld [smem:$0x3F9A];
	s0 =	simm.s32 @p0 $0x1  }
0x13: {  	[smem:$0x3FB5] =	sst s0;
	s0 =	simm.s32 @!p1 $0x0  }
0x14: {  	s2 =	sld [smem:$0x3F99];
	s0 =	simm.s32 @p1 $0x1  }
0x15: {  	[smem:$0x3FB6] =	sst s0;
	s0 =	simm.s32 @!p2 $0x0  }
0x16: {  	s3 =	sld [smem:$0x3FDB];
	s0 =	simm.s32 @p2 $0x1  }
0x17: {  	s4 =	simm.s32 $0x1BF5;
	[smem:$0x3FB8] =	sst s0  }
0x18: {  	s0 =	sld [smem:$0x3F9B];
	_ =	swait.ge [sflag:s4], $0x0  }
0x19: {  	s7 =	sld [smem:$0x3F9C]  }
0x1a: {  	s8 =	sadd.s32 $0xFFFFE003, lr  }
0x1b: {  	s9 =	sadd.s32 $0xFFFFFEF7, lr;
	s5 =	simm.s32 $0xFFFFFFFF;
	p2 =	slt.u32 s8, $0xFFFFF086  }
0x1c: {  	p1 =	slt.u32 s9, $0xF7A;
	s5 =	simm.s32 @!p2 $0x0  }
0x1d: {  	s5 =	simm.s32 @p1 $0x1;
	p0 =	seq.s32 s7, s2  }
0x1e: {  	s7 =	smul.u32 @!p0 $0xF7A, s2;
	p2 =	seq.s32 @!p0 s5, $0x0  }
0x1f: {  	s9 =	smul.u32 $0xF7A, s1;
	s8 =	simm.s32 @!p0 $0x1BF5;
	p2 =	por !p2, p0  }
0x20: {  	[sflag:s8] =	ssyncset.s32 @!p0 $0xFFFFF086;
	s6 =	sadd.s32 @!p0 s3, s7;
	s7 =	simm.s32 @!p0 $0x108  }
0x21: {  	s3 =	sadd.s32 s3, s9;
	s6 =	sadd.s32 @!p0 $0x88, s6;
	s7 =	simm.s32 @p2 $0x1082  }
0x22: {  	[simem:s7], [sflag:s8] =	dma.local @!p0 [hbm:s6], $0xF7A  }
0x23: {  	s9 =	sor.u32 $0xD0000000, s2;
	s6 =	simm.s32 $0x108;
	_ =	swait.ge @!p0 [sflag:s8], $0x0  }
0x24: {  	s3 =	sadd.s32 $0x88, s3;
	s6 =	simm.s32 @!p1 $0x1082;
	[sflag:s4] =	ssyncset.s32 $0xFFFFF086  }
0x25: {  	[simem:s6], [sflag:s4] =	dma.local [hbm:s3], $0xF7A  }
0x26: {  	[smem:$0x3F9C] =	sst s1;
	(tag) =	ssettag s2;
	_ =	strace s9  }
0x27: {  	s1 =	sld [smem:$0x3FAC]  }
0x28: {  	s2 =	sld [smem:$0x3FAD]  }
0x29: {  	s4 =	sld [smem:$0x3FAF]  }
0x2a: {  	p0 =	seq.s32 s5, $0x0;
	s5 =	sld [smem:$0x3FB0]  }
0x2b: {  	s6 =	sld [smem:$0x3FB1]  }
0x2c: {  	s7 =	sld [smem:$0x3FB2]  }
0x2d: {  	s3 =	simm.s32 $0x108;
	s8 =	sld [smem:$0x3FB3]  }
0x2e: {  	s3 =	simm.s32 @!p0 $0x1082;
	s9 =	sld [smem:$0x3FB4]  }
0x2f: {  	lr =	sadd.s32 s0, s3;
	s0 =	sld [smem:$0x3FAB]  }
0x30: {  	s3 =	sld [smem:$0x3FAE]  }
0x31: {  	[smem:$0x3FB7] =	sst s10  }
0x32: {  	s10 =	sld [smem:$0x3FB5];
	_ =	sdelay $0x3  }
0x33: {  	p0 =	seq.s32 s10, $0x1;
	s10 =	sld [smem:$0x3FB7];
	_ =	sdelay $0x3  }
0x34: {  	[smem:$0x3FB7] =	sst s10  }
0x35: {  	s10 =	sld [smem:$0x3FB6];
	_ =	sdelay $0x3  }
0x36: {  	p1 =	seq.s32 s10, $0x1;
	s10 =	sld [smem:$0x3FB7];
	_ =	sdelay $0x3  }
0x37: {  	[smem:$0x3FB7] =	sst s10  }
0x38: {  	s10 =	sld [smem:$0x3FB8]  }
0x39: {  	_ = 	snop;
	(pc) =	sbr.ind lr, $3  }
0x3a: {  	_ = 	snop  }
0x3b: {  	_ = 	snop  }
0x3c: {  	p2 =	seq.s32 s10, $0x1;
	s10 =	sld [smem:$0x3FB7]  }
0x3d: {  	_ =	shalt  }
0x3e: {  	_ =	shalt  }
0x3f: {  	_ =	shalt  }
0x40: {  	_ =	shalt  }
0x41: {  	_ =	shalt  }
0x42: {  	_ =	shalt  }
0x43: {  	_ =	shalt  }
0x44: {  	_ =	shalt  }
0x45: {  	_ =	shalt  }
0x46: {  	_ =	shalt  }
0x47: {  	_ =	shalt  }
0x48: {  	_ =	shalt  }
0x49: {  	_ =	shalt  }
0x4a: {  	_ =	shalt  }
0x4b: {  	_ =	shalt  }
0x4c: {  	_ =	shalt  }
0x4d: {  	_ =	shalt  }
0x4e: {  	_ =	shalt  }
0x4f: {  	_ =	shalt  }
0x50: {  	_ =	shalt  }
0x51: {  	_ =	shalt  }
0x52: {  	_ =	shalt  }
0x53: {  	_ =	shalt  }
0x54: {  	_ =	shalt  }
0x55: {  	_ =	shalt  }
0x56: {  	_ =	shalt  }
0x57: {  	_ =	shalt  }
0x58: {  	_ =	shalt  }
0x59: {  	_ =	shalt  }
0x5a: {  	_ =	shalt  }
0x5b: {  	_ =	shalt  }
0x5c: {  	_ =	shalt  }
0x5d: {  	_ =	shalt  }
0x5e: {  	_ =	shalt  }
0x5f: {  	_ =	shalt  }
0x60: {  	_ =	shalt  }
0x61: {  	_ =	shalt  }
0x62: {  	_ =	shalt  }
0x63: {  	_ =	shalt  }
0x64: {  	_ =	shalt  }
0x65: {  	_ =	shalt  }
0x66: {  	_ =	shalt  }
0x67: {  	_ =	shalt  }
0x68: {  	_ =	shalt  }
0x69: {  	_ =	shalt  }
0x6a: {  	_ =	shalt  }
0x6b: {  	_ =	shalt  }
0x6c: {  	_ =	shalt  }
0x6d: {  	_ =	shalt  }
0x6e: {  	_ =	shalt  }
0x6f: {  	_ =	shalt  }
0x70: {  	_ =	shalt  }
0x71: {  	_ =	shalt  }
0x72: {  	_ =	shalt  }
0x73: {  	_ =	shalt  }
0x74: {  	_ =	shalt  }
0x75: {  	_ =	shalt  }
0x76: {  	_ =	shalt  }
0x77: {  	_ =	shalt  }
0x78: {  	_ =	shalt  }
0x79: {  	_ =	shalt  }
0x7a: {  	_ =	shalt  }
0x7b: {  	_ =	shalt  }
0x7c: {  	_ =	shalt  }
0x7d: {  	_ =	shalt  }
0x7e: {  	_ =	shalt  }
0x7f: {  	_ =	shalt  }
0x80: {  	_ =	shalt  }
0x81: {  	_ =	shalt  }
0x82: {  	_ =	shalt  }
0x83: {  	_ =	shalt  }
0x84: {  	_ =	shalt  }
0x85: {  	_ =	shalt  }
0x86: {  	_ =	shalt  }
0x87: {  	_ =	shalt  }
.Lfunc_end0:
.L_simem_size_0:
called_computation_lowered:
.L_overlay_start_0:
0x88: {  	s2 =	sld [smem:$0x3FD9]  }
0x89: {  	s3 =	sld [smem:$0x3FFE];
	_ =	sdelay $0x1  }
0x8a: {  	s1 =	srdreg.scid  }
0x8b: {  	s0 =	sand.u32 $0x1, s1  }
0x8c: {  	s17 =	sshll.u32 s0, $0xA;
	s2 =	sadd.s32 s3, s2  }
0x8d: {  	s2 =	sadd.s32 s2, s17  }
0x8e: {  	[smem:$0x3FC3] =	sst s2  }
0x8f: {  	_ = 	snop  }
0x90: {  	s2 =	sld [smem:$0x3FC6]  }
0x91: {  	s18 =	sld [smem:$0x3FD0];
	(tm) =	ssettm $0x1  }
0x92: {  	s4 =	sld [smem:$0x3FFB];
	_ =	sdelay $0x3  }
0x93: {  	_ =	strace s4  }
0x94: {  	s4 =	sld [smem:$0x3FFC];
	_ =	sdelay $0x3  }
0x95: {  	_ =	strace s4  }
0x96: {  	s4 =	sld [smem:$0x3FFD];
	_ =	sdelay $0x3  }
0x97: {  	_ =	strace s4  }
0x98: {  	_ =	strace $0x8FFFFFFF  }
0x99: {  	s19 =	sld [smem:$0x3FDB];
	_ =	sdelay $0x1  }
0x9a: {  	s5 =	simm.s32 $_scs_section_size  }
0x9b: {  	s6 =	simm.s32 $_size__tile_overlayer_lowered;
	s7 =	simm.s32 $_tile_overlayer_lowered  }
0x9c: {  	s22 =	simm.s32 $0x1BFF;
	s21 =	sshll.u32 s7, $0x1;
	s4 =	sadd.s32 s5, s19  }
0x9d: {  	s8 =	simm.s32 $0x0;
	s20 =	sshll.u32 s6, $0x1;
	s6 =	sadd.s32 s21, s4  }
0x9e: {  	[timem:s8], [sflag:s22] =	dma.local [hbm:s6], s20  }
0x9f: {  	_ =	swait.ge [sflag:s22], s20  }
0xa0: {  	s5 =	ssub.s32 $0x0, s20;
	[sflag:s22] =	ssyncset.done $0x0  }
0xa1: {  	[sflag:s22] =	ssyncadd.s32 s5;
	_ =	sdelay $0x1  }
0xa2: {  	s23 =	simm.s32 $0x1B8B  }
0xa3: {  	_ =	swait.ge [sflag:s23], $0x1  }
0xa4: {  	[sflag:s23] =	ssyncset.done $0x0  }
0xa5: {  	s25 =	simm.s32 $0x1B8E;
	s24 =	sld [smem:$0x3FFE];
	[sflag:s23] =	ssyncadd.s32 $0xFFFFFFFF  }
0xa6: {  	s26 =	simm.s32 $execute0_lowered;
	[smem:$0x3FD2] =	sst s25  }
0xa7: {  	s6 =	sshll.u32 s26, $0x1;
	_ =	strace $0x80000046;
	[dreg:$0x1] =	wrdreg $0xFFFFFFFF  }
0xa8: {  	s28 =	simm.s32 $_size_execute0_lowered;
	s4 =	sadd.s32 s4, s6;
	[dreg:$0x0] =	wrdreg $0x0  }
0xa9: {  	s6 =	sshll.u32 s28, $0x1;
	[dreg:$0x2] =	wrdreg s4  }
0xaa: {  	[dreg:$0x3] =	wrdreg s6  }
0xab: {  	[dreg:$0x4] =	wrdreg $0xC0  }
0xac: {  	_ =	task [dreg:s8], $0x5FFFF  }
0xad: {  	[dreg:$0x1] =	wrdreg $0xFFFFFFFF  }
0xae: {  	[dreg:$0x0] =	wrdreg $0x60  }
0xaf: {  	[dreg:$0x2] =	wrdreg s24  }
0xb0: {  	[dreg:$0x3] =	wrdreg s18  }
0xb1: {  	[dreg:$0x4] =	wrdreg s2  }
0xb2: {  	[dreg:$0x5] =	wrdreg $0x9  }
0xb3: {  	_ =	task.clear_ibuf [dreg:s8], $0x6FFFF;
	_ =	strace $0x90000046  }
0xb4: {  	s29 =	simm.s32 $0x9;
	_ =	strace $0x80000048  }
0xb5: {  	_ =	swait.ge [sflag:s29], $0x1  }
0xb6: {  	[sflag:s29] =	ssyncadd.s32 $0xFFFFFFFF  }
0xb7: {  	_ =	strace $0x90000048  }
0xb8: {  	_ =	sfence  }
0xb9: {  	s30 =	sld [smem:$0x0];
	_ =	sdelay $0x2  }
0xba: {  	s31 =	sshll.u32 s1, $0xD;
	s1 =	sshrl.u32 s1, $0x2  }
0xbb: {  	s3 =	sand.u32 $0x4000, s31;
	s1 =	sadd.s32 s1, s30  }
0xbc: {  	s0 =	sor.u32 s3, s0;
	s1 =	sshll.u32 s1, $0x11  }
0xbd: {  	s0 =	sor.u32 s1, s0  }
0xbe: {  	s0 =	sadd.s32 $0x8F2B, s0  }
0xbf: {  	[sflag:s0] =	ssyncadd.remote.s32 $0x1  }
0xc0: {  	_ =	sfence.sel $0xFFFF  }
0xc1: {  	[dreg:$0x0] =	wrdreg $0xFFFFFFFF;
	(pc) =	sbr.abs _section_cstart, $3  }
0xc2: {  	[dreg:$0x1] =	wrdreg $0xFFFFFFFF  }
0xc3: {  	_ =	task.clear_ibuf [dreg:s8], $0x2FFFF;
	_ =	strace $0x9FFFFFFF  }
0xc4: {  	(tm) =	ssettm $0x7FFFFFFF  }
0xc5: {  	_ =	shalt  }
tec
execute0_lowered:
.L_overlay_start_1:
0x0: {  	(tag) =	ssettag $0x1  }
0x1: {  	s0 =	rddreg [dreg:$0x0]  }
0x2: {  	s1 =	rddreg [dreg:$0x1]  }
0x3: {  	s2 =	simm.s32 $0x0;
	s4 =	srdreg.scid;
	s5 =	stileid.u32  }
0x4: {  	s20 =	simm.s32 $0x10300;
	s21 =	simm.s32 $0x1;
	s22 =	simm.s32 $0x10000  }
0x5: {  	s23 =	simm.s32 $0x10100;
	s25 =	simm.s32 $0x2;
	s28 =	simm.s32 $0x3  }
0x6: {  	s30 =	simm.s32 $0x4;
	s24 =	simm.s32 $0x0;
	[smem:$0x7FF] =	sst s2  }
0x7: {  	s3 =	sadd.s32 $0xC00, s0;
	s6 =	sadd.s32 $0x800, s0;
	s4 =	sand.u32 $0x1, s4  }
0x8: {  	s29 =	sadd.s32 $0xA00, s0;
	_ =	strace $0x80000047;
	[dreg:$0x4] =	wrdreg s6  }
0x9: {  	s26 =	sshll.u32 s5, $0x1;
	s31 =	sadd.s32 $0x10C00, s0;
	[dreg:$0x5] =	wrdreg s29  }
0xa: {  	s7 =	sor.u32 s4, s26;
	s4 =	ssub.s32 $0x2, s4;
	[dreg:$0x6] =	wrdreg s31  }
0xb: {  	s8 =	sshll.u32 s7, $0xC;
	s9 =	sshrl.u32 s4, $0x1;
	s13 =	sshll.u32 s7, $0xB  }
0xc: {  	s0 =	sadd.s32 s8, s0;
	s4 =	ssub.s32 s4, s9;
	s7 =	sadd.s32 s3, s13  }
0xd: {  	s8 =	sadd.s32 s1, s13;
	s10 =	sor.u32 $0x200, s13;
	s12 =	sor.u32 $0x400, s13  }
0xe: {  	s14 =	sor.u32 $0x600, s13;
	s9 =	sadd.s32 s3, s10;
	s10 =	sadd.s32 s1, s10  }
0xf: {  	s11 =	sadd.s32 s3, s12;
	s12 =	sadd.s32 s1, s12;
	s13 =	sadd.s32 s3, s14  }
0x10: {  	s14 =	sadd.s32 s1, s14;
	s15 =	sadd.s32 $0x10E00, s0;
	s16 =	sadd.s32 $0x11200, s0  }
0x11: {  	v0 =	vlaneseq.u32;
	s17 =	sadd.s32 $0x11600, s0;
	s18 =	sadd.s32 $0x11A00, s0;
	s19 =	smax.u32 s4, $0x1  }
0x12: {  	v1 =	vor.u32 $0x10, v0;
	s0 =	simm.s32 $0x6;
	s1 =	simm.s32 $0x10280;
	s3 =	simm.s32 $0x5  }
.LBB2_1:
0x13: {  	s4 =	rddreg [dreg:$0x4]  }
0x14: {  	[tilespmem:s20], [sflag:$0x6] =	stream.linear.gather [hbm4b:s4+s2], $0x80, $0x38;
	[tilespmem:$0x10500] =	vst v63  }
0x15: {  	s26 =	rddreg [dreg:$0x5];
	s5 =	simm.s32 $0x10380  }
0x16: {  	[tilespmem:s5], [sflag:$0x6] =	stream.linear.gather [hbm4b:s26+s2], $0x80, $0x38;
	[tilespmem:$0x10500] =	vst v63  }
0x17: {  	s6 =	rddreg [dreg:$0x6];
	s26 =	simm.s32 $0x10400  }
0x18: {  	[tilespmem:s26], [sflag:$0x6] =	stream.linear.gather [hbm4b:s6+s2], $0x80, $0x38;
	[tilespmem:$0x10500] =	vst v63  }
0x19: {  	s5 =	rddreg [dreg:$0x2];
	s6 =	simm.s32 $0x10480  }
0x1a: {  	[tilespmem:s6], [sflag:$0x6] =	stream.linear.gather [hbm4b:s5+s2], $0x80, $0x38;
	[tilespmem:$0x10500] =	vst v63  }
0x1b: {  	_ = 	snop  }
0x1c: {  	[tilespmem:s2], [sflag:$0x1] =	stream.linear.gather [hbm4b:s7+s2], $0x1000, $0x38;
	[tilespmem:$0x10500] =	vst v63  }
0x1d: {  	s26 =	simm.s32 $0x4000  }
0x1e: {  	[tilespmem:s26], [sflag:$0x1] =	stream.linear.gather [hbm4b:s8+s2], $0x1000, $0x38;
	[tilespmem:$0x10500] =	vst v63  }
0x1f: {  	s5 =	simm.s32 $0x1000  }
0x20: {  	[tilespmem:s5], [sflag:$0x2] =	stream.linear.gather [hbm4b:s9+s2], $0x1000, $0x38;
	[tilespmem:$0x10500] =	vst v63  }
0x21: {  	s6 =	simm.s32 $0x5000  }
0x22: {  	[tilespmem:s6], [sflag:$0x2] =	stream.linear.gather [hbm4b:s10+s2], $0x1000, $0x38;
	[tilespmem:$0x10500] =	vst v63  }
0x23: {  	s26 =	simm.s32 $0x2000  }
0x24: {  	[tilespmem:s26], [sflag:$0x3] =	stream.linear.gather [hbm4b:s11+s2], $0x1000, $0x38;
	[tilespmem:$0x10500] =	vst v63  }
0x25: {  	s5 =	simm.s32 $0x6000  }
0x26: {  	[tilespmem:s5], [sflag:$0x3] =	stream.linear.gather [hbm4b:s12+s2], $0x1000, $0x38;
	[tilespmem:$0x10500] =	vst v63  }
0x27: {  	s6 =	simm.s32 $0x3000  }
0x28: {  	[tilespmem:s6], [sflag:$0x4] =	stream.linear.gather [hbm4b:s13+s2], $0x1000, $0x38;
	[tilespmem:$0x10500] =	vst v63  }
0x29: {  	s26 =	simm.s32 $0x7000  }
0x2a: {  	[tilespmem:s26], [sflag:$0x4] =	stream.linear.gather [hbm4b:s14+s2], $0x1000, $0x38;
	[tilespmem:$0x10500] =	vst v63  }
0x2b: {  	_ =	swait.ge [sflag:s0], $0x80  }
0x2c: {  	[sflag:s0] =	ssyncset.done $0x0  }
0x2d: {  	[sflag:s0] =	ssyncadd.s32 $0xFFFFFF80  }
0x2e: {  	_ =	swait.ge [sflag:s0], $0x80  }
0x2f: {  	[sflag:s0] =	ssyncset.done $0x0  }
0x30: {  	[sflag:s0] =	ssyncadd.s32 $0xFFFFFF80  }
0x31: {  	_ =	swait.ge [sflag:s0], $0x80  }
0x32: {  	[sflag:s0] =	ssyncset.done $0x0  }
0x33: {  	[sflag:s0] =	ssyncadd.s32 $0xFFFFFF80  }
0x34: {  	_ =	swait.ge [sflag:s0], $0x80  }
0x35: {  	[sflag:s0] =	ssyncset.done $0x0  }
0x36: {  	[sflag:s0] =	ssyncadd.s32 $0xFFFFFF80  }
0x37: {  	v2 =	vld [tilespmem:$0x10400];
	_ =	sdelay $0x6  }
0x38: {  	s5 =	simm.s32 $0x10200  }
0x39: {  	[tilespmem:v2+s5+$0x0] =	vst.idx.msk $0xffff, v0  }
0x3a: {  	v2 =	vld [tilespmem:$0x10480];
	_ =	sdelay $0x7  }
0x3b: {  	[tilespmem:v2+s1+$0x0] =	vst.idx.msk $0xffff, v0  }
0x3c: {  	v2 =	vld [tilespmem:$0x10490];
	_ =	sdelay $0x7  }
0x3d: {  	[tilespmem:v2+s1+$0x0] =	vst.idx.msk $0xffff, v1  }
0x3e: {  	v2 =	vld [tilespmem:$0x10200];
	_ =	sdelay $0x4  }
0x3f: {  	v2 =	vshll.u32 v2, $0x6  }
0x40: {  	v2 =	vshra.s32 v2, $0x2  }
0x41: {  	v8 =	vadd.s32 $0x10380, v2  }
0x42: {  	(v2sf) =	vpush v8, $0x0;
	_ =	sdelay $0x6  }
0x43: {  	v2 =	vld [tilespmem:$0x10280];
	_ =	sdelay $0x1  }
0x44: {  	v3 =	vld [tilespmem:$0x10290];
	_ =	sdelay $0x3  }
0x45: {  	v4 =	vadd.s32 $0x20, v2  }
0x46: {  	v5 =	vadd.s32 $0x40, v2  }
0x47: {  	v10 =	vadd.s32 $0x20, v3;
	v7 =	vld.idx.msk [tilespmem:v2+s20+$0x0], $0xffff;
	s6 =	spop (v2sf)  }
0x48: {  	v9 =	vld [tilespmem:s6+$0x0]  }
0x49: {  	v2 =	vadd.s32 $0x40, v3;
	v3 =	vld.idx.msk [tilespmem:v3+s20+$0x0], $0xffff  }
0x4a: {  	v6 =	vld.idx.msk [tilespmem:v4+s20+$0x0], $0xffff  }
0x4b: {  	v5 =	vld.idx.msk [tilespmem:v5+s20+$0x0], $0xffff  }
0x4c: {  	v4 =	vld.idx.msk [tilespmem:v10+s20+$0x0], $0xffff  }
0x4d: {  	v11 =	vbroadcast v9, $0x8;
	v61 =	vbroadcast v9, $0x9  }
0x4e: {  	v2 =	vld.idx.msk [tilespmem:v2+s20+$0x0], $0xffff;
	v14 =	vbroadcast v9, $0xA;
	v15 =	vbroadcast v9, $0x0  }
0x4f: {  	v12 =	vmul.f32 v11, v7;
	v13 =	vmul.f32 v61, v6  }
0x50: {  	v16 =	vbroadcast v9, $0x1;
	v62 =	vmul.f32 v14, v5  }
0x51: {  	v11 =	vmul.f32 v11, v3;
	v10 =	vmul.f32 v61, v4;
	v12 =	vadd.f32 v13, v12  }
0x52: {  	v63 =	vbroadcast v9, $0xB;
	v18 =	vbroadcast v9, $0x4  }
0x53: {  	v23 =	vmul.f32 v14, v2;
	v10 =	vadd.f32 v10, v11;
	v12 =	vadd.f32 v12, v62  }
0x54: {  	v25 =	vbroadcast v9, $0x2;
	v19 =	vbroadcast v9, $0x5  }
0x55: {  	v27 =	vbroadcast v9, $0x6;
	v10 =	vadd.f32 v10, v23;
	v12 =	vadd.f32 v12, v63  }
0x56: {  	v29 =	vbroadcast v9, $0x3;
	v9 =	vbroadcast v9, $0x7  }
0x57: {  	v24 =	vmul.f32 v15, v7;
	v10 =	vadd.f32 v10, v63;
	(erf) = vrcp.f32 v12  }
0x58: {  	v17 =	vmul.f32 v16, v6;
	v20 =	vmul.f32 v18, v7  }
0x59: {  	v26 =	vmul.f32 v19, v6;
	(erf) = vrcp.f32 v10  }
0x5a: {  	(v2sf) =	vpush v8, $0x1;
	v28 =	vmul.f32 v25, v5;
	v30 =	vmul.f32 v27, v5  }
0x5b: {  	v15 =	vmul.f32 v15, v3;
	v16 =	vmul.f32 v16, v4;
	v14 =	vadd.f32 v17, v24  }
0x5c: {  	v31 =	vmul.f32 v18, v3;
	v32 =	vmul.f32 v19, v4;
	v12 =	vadd.f32 v26, v20  }
0x5d: {  	v15 =	vadd.f32 v16, v15;
	v11 =	vmul.f32 v25, v2;
	v14 =	vadd.f32 v14, v28  }
0x5e: {  	v33 =	vadd.f32 v32, v31;
	v13 =	vmul.f32 v27, v2;
	v12 =	vadd.f32 v12, v30  }
0x5f: {  	v11 =	vadd.f32 v15, v11;
	v14 =	vadd.f32 v14, v29  }
0x60: {  	v13 =	vadd.f32 v33, v13;
	v12 =	vadd.f32 v12, v9;
	v34 =	vpop (erf)  }
0x61: {  	v10 =	vadd.f32 v11, v29;
	v14 =	vmul.f32 v34, v14  }
0x62: {  	v9 =	vadd.f32 v13, v9;
	v35 =	vmul.f32 v34, v12;
	v36 =	vpop (erf)  }
0x63: {  	v10 =	vmul.f32 v36, v10;
	v37 =	vmul.f32 $3.200000000e+02, v14  }
0x64: {  	v9 =	vmul.f32 v36, v9;
	v11 =	vmul.f32 $3.200000000e+02, v35  }
0x65: {  	v10 =	vmul.f32 $3.200000000e+02, v10;
	v38 =	vadd.f32 $3.200000000e+02, v37  }
0x66: {  	v9 =	vmul.f32 $3.200000000e+02, v9;
	v11 =	vadd.f32 $2.400000000e+02, v11  }
0x67: {  	v10 =	vadd.f32 $3.200000000e+02, v10;
	[tilespmem:$0x10000] =	vst v38  }
0x68: {  	v9 =	vadd.f32 $2.400000000e+02, v9;
	[tilespmem:$0x10100] =	vst v11  }
0x69: {  	[tilespmem:$0x10010] =	vst v10  }
0x6a: {  	s26 =	spop (v2sf);
	[tilespmem:$0x10110] =	vst v9  }
0x6b: {  	v9 =	vld [tilespmem:s26+$0x0];
	_ =	sdelay $0x4  }
0x6c: {  	v39 =	vbroadcast v9, $0x8;
	v40 =	vbroadcast v9, $0x9  }
0x6d: {  	v43 =	vbroadcast v9, $0xA;
	v45 =	vbroadcast v9, $0x0  }
0x6e: {  	v41 =	vmul.f32 v39, v7;
	v42 =	vmul.f32 v40, v6  }
0x6f: {  	v46 =	vbroadcast v9, $0x1;
	v44 =	vmul.f32 v43, v5  }
0x70: {  	v10 =	vmul.f32 v39, v3;
	v11 =	vmul.f32 v40, v4;
	v12 =	vadd.f32 v42, v41  }
0x71: {  	v47 =	vbroadcast v9, $0xB;
	v51 =	vbroadcast v9, $0x4  }
0x72: {  	v48 =	vmul.f32 v43, v2;
	v10 =	vadd.f32 v11, v10;
	v12 =	vadd.f32 v12, v44  }
0x73: {  	v52 =	vbroadcast v9, $0x2;
	v53 =	vbroadcast v9, $0x5  }
0x74: {  	v56 =	vbroadcast v9, $0x6;
	v10 =	vadd.f32 v10, v48;
	v12 =	vadd.f32 v12, v47  }
0x75: {  	v58 =	vbroadcast v9, $0x3;
	v9 =	vbroadcast v9, $0x7  }
0x76: {  	v49 =	vmul.f32 v45, v7;
	v10 =	vadd.f32 v10, v47;
	(erf) = vrcp.f32 v12  }
0x77: {  	v50 =	vmul.f32 v46, v6;
	v54 =	vmul.f32 v51, v7  }
0x78: {  	v55 =	vmul.f32 v53, v6;
	(erf) = vrcp.f32 v10  }
0x79: {  	(v2sf) =	vpush v8, $0x2;
	v57 =	vmul.f32 v52, v5;
	v59 =	vmul.f32 v56, v5  }
0x7a: {  	v15 =	vmul.f32 v45, v3;
	v16 =	vmul.f32 v46, v4;
	v14 =	vadd.f32 v50, v49  }
0x7b: {  	v60 =	vmul.f32 v51, v3;
	v61 =	vmul.f32 v53, v4;
	v12 =	vadd.f32 v55, v54  }
0x7c: {  	v15 =	vadd.f32 v16, v15;
	v11 =	vmul.f32 v52, v2;
	v14 =	vadd.f32 v14, v57  }
0x7d: {  	v13 =	vmul.f32 v56, v2;
	v62 =	vadd.f32 v61, v60;
	v12 =	vadd.f32 v12, v59  }
0x7e: {  	v11 =	vadd.f32 v15, v11;
	v14 =	vadd.f32 v14, v58  }
0x7f: {  	v13 =	vadd.f32 v62, v13;
	v12 =	vadd.f32 v12, v9;
	v63 =	vpop (erf)  }
0x80: {  	v10 =	vadd.f32 v11, v58;
	v14 =	vmul.f32 v63, v14  }
0x81: {  	v9 =	vadd.f32 v13, v9;
	v17 =	vmul.f32 v63, v12;
	v18 =	vpop (erf)  }
0x82: {  	v10 =	vmul.f32 v18, v10;
	v19 =	vmul.f32 $3.200000000e+02, v14  }
0x83: {  	v9 =	vmul.f32 v18, v9;
	v11 =	vmul.f32 $3.200000000e+02, v17  }
0x84: {  	v10 =	vmul.f32 $3.200000000e+02, v10;
	v20 =	vadd.f32 $3.200000000e+02, v19  }
0x85: {  	v9 =	vmul.f32 $3.200000000e+02, v9;
	v11 =	vadd.f32 $2.400000000e+02, v11  }
0x86: {  	v10 =	vadd.f32 $3.200000000e+02, v10;
	[tilespmem:$0x10020] =	vst v20  }
0x87: {  	v9 =	vadd.f32 $2.400000000e+02, v9;
	[tilespmem:$0x10120] =	vst v11  }
0x88: {  	[tilespmem:$0x10030] =	vst v10  }
0x89: {  	s5 =	spop (v2sf);
	[tilespmem:$0x10130] =	vst v9  }
0x8a: {  	v9 =	vld [tilespmem:s5+$0x0];
	_ =	sdelay $0x4  }
0x8b: {  	v21 =	vbroadcast v9, $0x8;
	v22 =	vbroadcast v9, $0x9  }
0x8c: {  	v25 =	vbroadcast v9, $0xA;
	v27 =	vbroadcast v9, $0x0  }
0x8d: {  	v23 =	vmul.f32 v21, v7;
	v24 =	vmul.f32 v22, v6  }
0x8e: {  	v28 =	vbroadcast v9, $0x1;
	v26 =	vmul.f32 v25, v5  }
0x8f: {  	v10 =	vmul.f32 v21, v3;
	v11 =	vmul.f32 v22, v4;
	v12 =	vadd.f32 v24, v23  }
0x90: {  	v29 =	vbroadcast v9, $0xB;
	v33 =	vbroadcast v9, $0x4  }
0x91: {  	v30 =	vmul.f32 v25, v2;
	v10 =	vadd.f32 v11, v10;
	v12 =	vadd.f32 v12, v26  }
0x92: {  	v34 =	vbroadcast v9, $0x2;
	v35 =	vbroadcast v9, $0x5  }
0x93: {  	v38 =	vbroadcast v9, $0x6;
	v10 =	vadd.f32 v10, v30;
	v12 =	vadd.f32 v12, v29  }
0x94: {  	v40 =	vbroadcast v9, $0x3;
	v9 =	vbroadcast v9, $0x7  }
0x95: {  	v31 =	vmul.f32 v27, v7;
	v10 =	vadd.f32 v10, v29;
	(erf) = vrcp.f32 v12  }
0x96: {  	v32 =	vmul.f32 v28, v6;
	v36 =	vmul.f32 v33, v7  }
0x97: {  	v37 =	vmul.f32 v35, v6;
	(erf) = vrcp.f32 v10  }
0x98: {  	(v2sf) =	vpush v8, $0x3;
	v39 =	vmul.f32 v34, v5;
	v41 =	vmul.f32 v38, v5  }
0x99: {  	v15 =	vmul.f32 v27, v3;
	v16 =	vmul.f32 v28, v4;
	v14 =	vadd.f32 v32, v31  }
0x9a: {  	v42 =	vmul.f32 v33, v3;
	v43 =	vmul.f32 v35, v4;
	v12 =	vadd.f32 v37, v36  }
0x9b: {  	v15 =	vadd.f32 v16, v15;
	v11 =	vmul.f32 v34, v2;
	v14 =	vadd.f32 v14, v39  }
0x9c: {  	v13 =	vmul.f32 v38, v2;
	v44 =	vadd.f32 v43, v42;
	v12 =	vadd.f32 v12, v41  }
0x9d: {  	v11 =	vadd.f32 v15, v11;
	v14 =	vadd.f32 v14, v40  }
0x9e: {  	v13 =	vadd.f32 v44, v13;
	v12 =	vadd.f32 v12, v9;
	v45 =	vpop (erf)  }
0x9f: {  	v10 =	vadd.f32 v11, v40;
	v14 =	vmul.f32 v45, v14  }
0xa0: {  	v9 =	vadd.f32 v13, v9;
	v46 =	vmul.f32 v45, v12;
	v47 =	vpop (erf)  }
0xa1: {  	v10 =	vmul.f32 v47, v10;
	v48 =	vmul.f32 $3.200000000e+02, v14  }
0xa2: {  	v9 =	vmul.f32 v47, v9;
	v11 =	vmul.f32 $3.200000000e+02, v46  }
0xa3: {  	v10 =	vmul.f32 $3.200000000e+02, v10;
	v49 =	vadd.f32 $3.200000000e+02, v48  }
0xa4: {  	v9 =	vmul.f32 $3.200000000e+02, v9;
	v11 =	vadd.f32 $2.400000000e+02, v11  }
0xa5: {  	v10 =	vadd.f32 $3.200000000e+02, v10;
	[tilespmem:$0x10040] =	vst v49  }
0xa6: {  	v9 =	vadd.f32 $2.400000000e+02, v9;
	[tilespmem:$0x10140] =	vst v11  }
0xa7: {  	[tilespmem:$0x10050] =	vst v10  }
0xa8: {  	s6 =	spop (v2sf);
	[tilespmem:$0x10150] =	vst v9  }
0xa9: {  	v9 =	vld [tilespmem:s6+$0x0];
	_ =	sdelay $0x4  }
0xaa: {  	v50 =	vbroadcast v9, $0x8;
	v51 =	vbroadcast v9, $0x9  }
0xab: {  	v54 =	vbroadcast v9, $0xA;
	v56 =	vbroadcast v9, $0x0  }
0xac: {  	v52 =	vmul.f32 v50, v7;
	v53 =	vmul.f32 v51, v6  }
0xad: {  	v57 =	vbroadcast v9, $0x1;
	v55 =	vmul.f32 v54, v5  }
0xae: {  	v10 =	vmul.f32 v50, v3;
	v11 =	vmul.f32 v51, v4;
	v12 =	vadd.f32 v53, v52  }
0xaf: {  	v58 =	vbroadcast v9, $0xB;
	v62 =	vbroadcast v9, $0x4  }
0xb0: {  	v59 =	vmul.f32 v54, v2;
	v10 =	vadd.f32 v11, v10;
	v12 =	vadd.f32 v12, v55  }
0xb1: {  	v63 =	vbroadcast v9, $0x2;
	v24 =	vbroadcast v9, $0x5  }
0xb2: {  	v27 =	vbroadcast v9, $0x6;
	v10 =	vadd.f32 v10, v59;
	v12 =	vadd.f32 v12, v58  }
0xb3: {  	v29 =	vbroadcast v9, $0x3;
	v9 =	vbroadcast v9, $0x7  }
0xb4: {  	v60 =	vmul.f32 v56, v7;
	v10 =	vadd.f32 v10, v58;
	(erf) = vrcp.f32 v12  }
0xb5: {  	v61 =	vmul.f32 v57, v6;
	v25 =	vmul.f32 v62, v7  }
0xb6: {  	v26 =	vmul.f32 v24, v6;
	(erf) = vrcp.f32 v10  }
0xb7: {  	(v2sf) =	vpush v8, $0x4;
	v28 =	vmul.f32 v63, v5;
	v30 =	vmul.f32 v27, v5  }
0xb8: {  	v15 =	vmul.f32 v56, v3;
	v16 =	vmul.f32 v57, v4;
	v14 =	vadd.f32 v61, v60  }
0xb9: {  	v31 =	vmul.f32 v62, v3;
	v32 =	vmul.f32 v24, v4;
	v12 =	vadd.f32 v26, v25  }
0xba: {  	v15 =	vadd.f32 v16, v15;
	v11 =	vmul.f32 v63, v2;
	v14 =	vadd.f32 v14, v28  }
0xbb: {  	v13 =	vmul.f32 v27, v2;
	v33 =	vadd.f32 v32, v31;
	v12 =	vadd.f32 v12, v30  }
0xbc: {  	v11 =	vadd.f32 v15, v11;
	v14 =	vadd.f32 v14, v29  }
0xbd: {  	v13 =	vadd.f32 v33, v13;
	v12 =	vadd.f32 v12, v9;
	v34 =	vpop (erf)  }
0xbe: {  	v10 =	vadd.f32 v11, v29;
	v14 =	vmul.f32 v34, v14  }
0xbf: {  	v9 =	vadd.f32 v13, v9;
	v35 =	vmul.f32 v34, v12;
	v36 =	vpop (erf)  }
0xc0: {  	v10 =	vmul.f32 v36, v10;
	v37 =	vmul.f32 $3.200000000e+02, v14  }
0xc1: {  	v9 =	vmul.f32 v36, v9;
	v11 =	vmul.f32 $3.200000000e+02, v35  }
0xc2: {  	v10 =	vmul.f32 $3.200000000e+02, v10;
	v38 =	vadd.f32 $3.200000000e+02, v37  }
0xc3: {  	v9 =	vmul.f32 $3.200000000e+02, v9;
	v11 =	vadd.f32 $2.400000000e+02, v11  }
0xc4: {  	v10 =	vadd.f32 $3.200000000e+02, v10;
	[tilespmem:$0x10060] =	vst v38  }
0xc5: {  	v9 =	vadd.f32 $2.400000000e+02, v9;
	[tilespmem:$0x10160] =	vst v11  }
0xc6: {  	[tilespmem:$0x10070] =	vst v10  }
0xc7: {  	s26 =	spop (v2sf);
	[tilespmem:$0x10170] =	vst v9  }
0xc8: {  	v9 =	vld [tilespmem:s26+$0x0];
	_ =	sdelay $0x4  }
0xc9: {  	v39 =	vbroadcast v9, $0x8;
	v40 =	vbroadcast v9, $0x9  }
0xca: {  	v43 =	vbroadcast v9, $0xA;
	v45 =	vbroadcast v9, $0x0  }
0xcb: {  	v41 =	vmul.f32 v39, v7;
	v42 =	vmul.f32 v40, v6  }
0xcc: {  	v46 =	vbroadcast v9, $0x1;
	v44 =	vmul.f32 v43, v5  }
0xcd: {  	v10 =	vmul.f32 v39, v3;
	v11 =	vmul.f32 v40, v4;
	v12 =	vadd.f32 v42, v41  }
0xce: {  	v47 =	vbroadcast v9, $0xB;
	v51 =	vbroadcast v9, $0x4  }
0xcf: {  	v48 =	vmul.f32 v43, v2;
	v10 =	vadd.f32 v11, v10;
	v12 =	vadd.f32 v12, v44  }
0xd0: {  	v52 =	vbroadcast v9, $0x2;
	v53 =	vbroadcast v9, $0x5  }
0xd1: {  	v56 =	vbroadcast v9, $0x6;
	v10 =	vadd.f32 v10, v48;
	v12 =	vadd.f32 v12, v47  }
0xd2: {  	v58 =	vbroadcast v9, $0x3;
	v9 =	vbroadcast v9, $0x7  }
0xd3: {  	v49 =	vmul.f32 v45, v7;
	v10 =	vadd.f32 v10, v47;
	(erf) = vrcp.f32 v12  }
0xd4: {  	v50 =	vmul.f32 v46, v6;
	v54 =	vmul.f32 v51, v7  }
0xd5: {  	v55 =	vmul.f32 v53, v6;
	(erf) = vrcp.f32 v10  }
0xd6: {  	(v2sf) =	vpush v8, $0x5;
	v57 =	vmul.f32 v52, v5;
	v59 =	vmul.f32 v56, v5  }
0xd7: {  	v15 =	vmul.f32 v45, v3;
	v16 =	vmul.f32 v46, v4;
	v14 =	vadd.f32 v50, v49  }
0xd8: {  	v60 =	vmul.f32 v51, v3;
	v61 =	vmul.f32 v53, v4;
	v12 =	vadd.f32 v55, v54  }
0xd9: {  	v15 =	vadd.f32 v16, v15;
	v11 =	vmul.f32 v52, v2;
	v14 =	vadd.f32 v14, v57  }
0xda: {  	v13 =	vmul.f32 v56, v2;
	v62 =	vadd.f32 v61, v60;
	v12 =	vadd.f32 v12, v59  }
0xdb: {  	v11 =	vadd.f32 v15, v11;
	v14 =	vadd.f32 v14, v58  }
0xdc: {  	v13 =	vadd.f32 v62, v13;
	v12 =	vadd.f32 v12, v9;
	v63 =	vpop (erf)  }
0xdd: {  	v10 =	vadd.f32 v11, v58;
	v14 =	vmul.f32 v63, v14  }
0xde: {  	v9 =	vadd.f32 v13, v9;
	v16 =	vmul.f32 v63, v12;
	v17 =	vpop (erf)  }
0xdf: {  	v10 =	vmul.f32 v17, v10;
	v18 =	vmul.f32 $3.200000000e+02, v14  }
0xe0: {  	v9 =	vmul.f32 v17, v9;
	v11 =	vmul.f32 $3.200000000e+02, v16  }
0xe1: {  	v10 =	vmul.f32 $3.200000000e+02, v10;
	v19 =	vadd.f32 $3.200000000e+02, v18  }
0xe2: {  	v9 =	vmul.f32 $3.200000000e+02, v9;
	v11 =	vadd.f32 $2.400000000e+02, v11  }
0xe3: {  	v10 =	vadd.f32 $3.200000000e+02, v10;
	[tilespmem:$0x10080] =	vst v19  }
0xe4: {  	v9 =	vadd.f32 $2.400000000e+02, v9;
	[tilespmem:$0x10180] =	vst v11  }
0xe5: {  	[tilespmem:$0x10090] =	vst v10  }
0xe6: {  	s5 =	spop (v2sf);
	[tilespmem:$0x10190] =	vst v9  }
0xe7: {  	v9 =	vld [tilespmem:s5+$0x0];
	_ =	sdelay $0x4  }
0xe8: {  	v20 =	vbroadcast v9, $0x8;
	v21 =	vbroadcast v9, $0x9  }
0xe9: {  	v24 =	vbroadcast v9, $0xA;
	v26 =	vbroadcast v9, $0x0  }
0xea: {  	v22 =	vmul.f32 v20, v7;
	v23 =	vmul.f32 v21, v6  }
0xeb: {  	v27 =	vbroadcast v9, $0x1;
	v25 =	vmul.f32 v24, v5  }
0xec: {  	v10 =	vmul.f32 v20, v3;
	v11 =	vmul.f32 v21, v4;
	v12 =	vadd.f32 v23, v22  }
0xed: {  	v28 =	vbroadcast v9, $0xB;
	v32 =	vbroadcast v9, $0x4  }
0xee: {  	v29 =	vmul.f32 v24, v2;
	v10 =	vadd.f32 v11, v10;
	v12 =	vadd.f32 v12, v25  }
0xef: {  	v33 =	vbroadcast v9, $0x2;
	v34 =	vbroadcast v9, $0x5  }
0xf0: {  	v37 =	vbroadcast v9, $0x6;
	v10 =	vadd.f32 v10, v29;
	v12 =	vadd.f32 v12, v28  }
0xf1: {  	v39 =	vbroadcast v9, $0x3;
	v9 =	vbroadcast v9, $0x7  }
0xf2: {  	v30 =	vmul.f32 v26, v7;
	v10 =	vadd.f32 v10, v28;
	(erf) = vrcp.f32 v12  }
0xf3: {  	v31 =	vmul.f32 v27, v6;
	v35 =	vmul.f32 v32, v7  }
0xf4: {  	v36 =	vmul.f32 v34, v6;
	(erf) = vrcp.f32 v10  }
0xf5: {  	(v2sf) =	vpush v8, $0x6;
	v38 =	vmul.f32 v33, v5;
	v40 =	vmul.f32 v37, v5  }
0xf6: {  	v15 =	vmul.f32 v26, v3;
	v16 =	vmul.f32 v27, v4;
	v14 =	vadd.f32 v31, v30  }
0xf7: {  	v41 =	vmul.f32 v32, v3;
	v42 =	vmul.f32 v34, v4;
	v12 =	vadd.f32 v36, v35  }
0xf8: {  	v15 =	vadd.f32 v16, v15;
	v11 =	vmul.f32 v33, v2;
	v14 =	vadd.f32 v14, v38  }
0xf9: {  	v13 =	vmul.f32 v37, v2;
	v43 =	vadd.f32 v42, v41;
	v12 =	vadd.f32 v12, v40  }
0xfa: {  	v11 =	vadd.f32 v15, v11;
	v14 =	vadd.f32 v14, v39  }
0xfb: {  	v13 =	vadd.f32 v43, v13;
	v12 =	vadd.f32 v12, v9;
	v44 =	vpop (erf)  }
0xfc: {  	v10 =	vadd.f32 v11, v39;
	v14 =	vmul.f32 v44, v14  }
0xfd: {  	v9 =	vadd.f32 v13, v9;
	v45 =	vmul.f32 v44, v12;
	v46 =	vpop (erf)  }
0xfe: {  	v10 =	vmul.f32 v46, v10;
	v47 =	vmul.f32 $3.200000000e+02, v14  }
0xff: {  	v9 =	vmul.f32 v46, v9;
	v11 =	vmul.f32 $3.200000000e+02, v45  }
0x100: {  	v10 =	vmul.f32 $3.200000000e+02, v10;
	v48 =	vadd.f32 $3.200000000e+02, v47  }
0x101: {  	v9 =	vmul.f32 $3.200000000e+02, v9;
	v11 =	vadd.f32 $2.400000000e+02, v11  }
0x102: {  	v10 =	vadd.f32 $3.200000000e+02, v10;
	[tilespmem:$0x100A0] =	vst v48  }
0x103: {  	v9 =	vadd.f32 $2.400000000e+02, v9;
	[tilespmem:$0x101A0] =	vst v11  }
0x104: {  	[tilespmem:$0x100B0] =	vst v10  }
0x105: {  	s6 =	spop (v2sf);
	[tilespmem:$0x101B0] =	vst v9  }
0x106: {  	v9 =	vld [tilespmem:s6+$0x0];
	_ =	sdelay $0x4  }
0x107: {  	v49 =	vbroadcast v9, $0x8;
	v50 =	vbroadcast v9, $0x9  }
0x108: {  	v53 =	vbroadcast v9, $0xA;
	v55 =	vbroadcast v9, $0x0  }
0x109: {  	v51 =	vmul.f32 v49, v7;
	v52 =	vmul.f32 v50, v6  }
0x10a: {  	v56 =	vbroadcast v9, $0x1;
	v54 =	vmul.f32 v53, v5  }
0x10b: {  	v10 =	vmul.f32 v49, v3;
	v11 =	vmul.f32 v50, v4;
	v12 =	vadd.f32 v52, v51  }
0x10c: {  	v57 =	vbroadcast v9, $0xB;
	v61 =	vbroadcast v9, $0x4  }
0x10d: {  	v58 =	vmul.f32 v53, v2;
	v10 =	vadd.f32 v11, v10;
	v12 =	vadd.f32 v12, v54  }
0x10e: {  	v62 =	vbroadcast v9, $0x2;
	v63 =	vbroadcast v9, $0x5  }
0x10f: {  	v26 =	vbroadcast v9, $0x6;
	v10 =	vadd.f32 v10, v58;
	v12 =	vadd.f32 v12, v57  }
0x110: {  	v28 =	vbroadcast v9, $0x3;
	v9 =	vbroadcast v9, $0x7  }
0x111: {  	v59 =	vmul.f32 v55, v7;
	v10 =	vadd.f32 v10, v57;
	(erf) = vrcp.f32 v12  }
0x112: {  	v60 =	vmul.f32 v56, v6;
	v24 =	vmul.f32 v61, v7  }
0x113: {  	v25 =	vmul.f32 v63, v6;
	(erf) = vrcp.f32 v10  }
0x114: {  	(v2sf) =	vpush v8, $0x7;
	v27 =	vmul.f32 v62, v5;
	v29 =	vmul.f32 v26, v5  }
0x115: {  	v15 =	vmul.f32 v55, v3;
	v16 =	vmul.f32 v56, v4;
	v14 =	vadd.f32 v60, v59  }
0x116: {  	v31 =	vmul.f32 v61, v3;
	v32 =	vmul.f32 v63, v4;
	v12 =	vadd.f32 v25, v24  }
0x117: {  	v15 =	vadd.f32 v16, v15;
	v11 =	vmul.f32 v62, v2;
	v30 =	vadd.f32 v14, v27  }
0x118: {  	v13 =	vmul.f32 v26, v2;
	v14 =	vadd.f32 v32, v31;
	v12 =	vadd.f32 v12, v29  }
0x119: {  	v11 =	vadd.f32 v15, v11;
	v8 =	vadd.f32 v30, v28  }
0x11a: {  	v13 =	vadd.f32 v14, v13;
	v12 =	vadd.f32 v12, v9;
	v33 =	vpop (erf)  }
0x11b: {  	v10 =	vadd.f32 v11, v28;
	v8 =	vmul.f32 v33, v8  }
0x11c: {  	v9 =	vadd.f32 v13, v9;
	v34 =	vmul.f32 v33, v12;
	v35 =	vpop (erf)  }
0x11d: {  	v10 =	vmul.f32 v35, v10;
	v8 =	vmul.f32 $3.200000000e+02, v8  }
0x11e: {  	v9 =	vmul.f32 v35, v9;
	v11 =	vmul.f32 $3.200000000e+02, v34  }
0x11f: {  	v10 =	vmul.f32 $3.200000000e+02, v10;
	v8 =	vadd.f32 $3.200000000e+02, v8  }
0x120: {  	v9 =	vmul.f32 $3.200000000e+02, v9;
	v11 =	vadd.f32 $2.400000000e+02, v11  }
0x121: {  	v36 =	vadd.f32 $3.200000000e+02, v10;
	[tilespmem:$0x100C0] =	vst v8  }
0x122: {  	v9 =	vadd.f32 $2.400000000e+02, v9;
	[tilespmem:$0x101C0] =	vst v11  }
0x123: {  	[tilespmem:$0x100D0] =	vst v36  }
0x124: {  	s26 =	spop (v2sf);
	[tilespmem:$0x101D0] =	vst v9  }
0x125: {  	v8 =	vld [tilespmem:s26+$0x0];
	_ =	sdelay $0x4  }
0x126: {  	v37 =	vbroadcast v8, $0x8;
	v38 =	vbroadcast v8, $0x9  }
0x127: {  	v41 =	vbroadcast v8, $0xA;
	v43 =	vbroadcast v8, $0x0  }
0x128: {  	v39 =	vmul.f32 v37, v7;
	v40 =	vmul.f32 v38, v6  }
0x129: {  	v44 =	vbroadcast v8, $0x1;
	v42 =	vmul.f32 v41, v5  }
0x12a: {  	v9 =	vmul.f32 v37, v3;
	v10 =	vmul.f32 v38, v4;
	v11 =	vadd.f32 v40, v39  }
0x12b: {  	v45 =	vbroadcast v8, $0xB;
	v48 =	vbroadcast v8, $0x2  }
0x12c: {  	v46 =	vmul.f32 v41, v2;
	v9 =	vadd.f32 v10, v9;
	v11 =	vadd.f32 v11, v42  }
0x12d: {  	v51 =	vbroadcast v8, $0x4;
	v52 =	vbroadcast v8, $0x5  }
0x12e: {  	v53 =	vbroadcast v8, $0x6;
	v9 =	vadd.f32 v9, v46;
	v11 =	vadd.f32 v11, v45  }
0x12f: {  	v55 =	vbroadcast v8, $0x3;
	v47 =	vmul.f32 v43, v7  }
0x130: {  	v49 =	vmul.f32 v44, v6;
	v9 =	vadd.f32 v9, v45;
	(erf) = vrcp.f32 v11  }
0x131: {  	v50 =	vmul.f32 v48, v5;
	v7 =	vmul.f32 v51, v7  }
0x132: {  	v6 =	vmul.f32 v52, v6;
	(erf) = vrcp.f32 v9  }
0x133: {  	v56 =	vmul.f32 v43, v3;
	v57 =	vmul.f32 v44, v4  }
0x134: {  	v3 =	vmul.f32 v51, v3;
	v4 =	vmul.f32 v52, v4;
	v54 =	vadd.f32 v49, v47  }
0x135: {  	v5 =	vmul.f32 v53, v5;
	v59 =	vmul.f32 v48, v2;
	v6 =	vadd.f32 v6, v7  }
0x136: {  	v2 =	vmul.f32 v53, v2;
	v3 =	vadd.f32 v4, v3;
	v9 =	vadd.f32 v54, v50  }
0x137: {  	v8 =	vbroadcast v8, $0x7;
	v58 =	vadd.f32 v57, v56;
	v5 =	vadd.f32 v6, v5  }
0x138: {  	v2 =	vadd.f32 v3, v2;
	v60 =	vadd.f32 v9, v55  }
0x139: {  	v6 =	vadd.f32 v58, v59;
	v5 =	vadd.f32 v5, v8;
	v61 =	vpop (erf)  }
0x13a: {  	v2 =	vadd.f32 v2, v8;
	v3 =	vmul.f32 v61, v60  }
0x13b: {  	v62 =	vadd.f32 v6, v55;
	v5 =	vmul.f32 v61, v5;
	v63 =	vpop (erf)  }
0x13c: {  	v2 =	vmul.f32 v63, v2;
	v3 =	vmul.f32 $3.200000000e+02, v3  }
0x13d: {  	v4 =	vmul.f32 v63, v62;
	v5 =	vmul.f32 $3.200000000e+02, v5  }
0x13e: {  	v2 =	vmul.f32 $3.200000000e+02, v2;
	v3 =	vadd.f32 $3.200000000e+02, v3  }
0x13f: {  	v4 =	vmul.f32 $3.200000000e+02, v4;
	v5 =	vadd.f32 $2.400000000e+02, v5  }
0x140: {  	v2 =	vadd.f32 $2.400000000e+02, v2;
	[tilespmem:$0x100E0] =	vst v3  }
0x141: {  	v3 =	vadd.f32 $3.200000000e+02, v4;
	[tilespmem:$0x101E0] =	vst v5  }
0x142: {  	[tilespmem:$0x101F0] =	vst v2  }
0x143: {  	[tilespmem:$0x100F0] =	vst v3  }
0x144: {  	_ =	swait.ge [sflag:s21], $0x1000  }
0x145: {  	[sflag:s21] =	ssyncset.done $0x0  }
0x146: {  	[sflag:s21] =	ssyncadd.s32 $0xFFFFF000  }
0x147: {  	_ =	swait.ge [sflag:s21], $0x1000  }
0x148: {  	s29 =	simm.s32 $0x4010;
	s31 =	simm.s32 $0x0;
	[sflag:s21] =	ssyncset.done $0x0  }
0x149: {  	s4 =	simm.s32 $0x0;
	s26 =	simm.s32 $0x10;
	[sflag:s21] =	ssyncadd.s32 $0xFFFFF000  }
.LBB2_2:
0x14a: {  	v2 =	vld [tilespmem:s26+$0xFFFFFFF0]  }
0x14b: {  	v3 =	vld [tilespmem:s29+$0xFFFFFFF0];
	_ =	sdelay $0x3  }
0x14c: {  	v2 =	vshll.u32 v2, $0x5  }
0x14d: {  	v2 =	vadd.s32 v3, v2;
	_ =	sdelay $0x4  }
0x14e: {  	v3 =	vld.idx.msk [tilespmem:v2+s22+$0x0], $0xffff;
	_ =	sdelay $0x1  }
0x14f: {  	s5 =	sand.u32 $0x1F00, s31  }
0x150: {  	s6 =	sand.u32 $0x60, s4;
	s5 =	sor.u32 $0x8000, s5  }
0x151: {  	s6 =	sor.u32 s6, s5  }
0x152: {  	[tilespmem:s6+$0x0] =	vst v3  }
0x153: {  	v2 =	vld.idx.msk [tilespmem:v2+s23+$0x0], $0xffff;
	_ =	sdelay $0x4  }
0x154: {  	[tilespmem:s6+$0x80] =	vst v2  }
0x155: {  	v2 =	vld [tilespmem:s26+$0x0]  }
0x156: {  	v3 =	vld [tilespmem:s29+$0x0];
	_ =	sdelay $0x3  }
0x157: {  	v2 =	vshll.u32 v2, $0x5  }
0x158: {  	v2 =	vadd.s32 v3, v2;
	_ =	sdelay $0x4  }
0x159: {  	v3 =	vld.idx.msk [tilespmem:v2+s22+$0x0], $0xffff;
	_ =	sdelay $0x1  }
0x15a: {  	s6 =	sadd.s32 $0x10, s4  }
0x15b: {  	s6 =	sand.u32 $0x70, s6  }
0x15c: {  	s5 =	sor.u32 s6, s5  }
0x15d: {  	[tilespmem:s5+$0x0] =	vst v3  }
0x15e: {  	p0 =	sne.s32 s4, $0xFE0;
	v2 =	vld.idx.msk [tilespmem:v2+s23+$0x0], $0xffff  }
.Ltmp0:
0x15f: {  	_ = 	snop;
	(pc) =	sbr.rel @p0 .LBB2_2-.Ltmp0, $3  }
0x160: {  	_ =	sdelay $0x1  }
0x161: {  	s31 =	sadd.s32 $0x40, s31  }
0x162: {  	s4 =	sadd.s32 $0x20, s4;
	s26 =	sadd.s32 $0x20, s26;
	s29 =	sadd.s32 $0x20, s29;
	[tilespmem:s5+$0x80] =	vst v2  }
0x163: {  	s4 =	simm.s32 $0x8000  }
0x164: {  	[hbm4b:s15+s2] =	stream.linear.scatter [tilespmem:s4], [sflag:$0x5], $0x2000, $0x38;
	[tilespmem:$0x10500] =	vst v63  }
0x165: {  	_ =	swait.ge [sflag:s25], $0x1000  }
0x166: {  	[sflag:s25] =	ssyncset.done $0x0  }
0x167: {  	[sflag:s25] =	ssyncadd.s32 $0xFFFFF000  }
0x168: {  	_ =	swait.ge [sflag:s25], $0x1000  }
0x169: {  	s26 =	simm.s32 $0x1000;
	s29 =	simm.s32 $0x2000;
	[sflag:s25] =	ssyncset.done $0x0  }
0x16a: {  	s31 =	simm.s32 $0x1010;
	s4 =	simm.s32 $0x5010;
	[sflag:s25] =	ssyncadd.s32 $0xFFFFF000  }
.LBB2_4:
0x16b: {  	v2 =	vld [tilespmem:s31+$0xFFFFFFF0]  }
0x16c: {  	v3 =	vld [tilespmem:s4+$0xFFFFFFF0];
	_ =	sdelay $0x3  }
0x16d: {  	v2 =	vshll.u32 v2, $0x5  }
0x16e: {  	v2 =	vadd.s32 v3, v2;
	_ =	sdelay $0x4  }
0x16f: {  	v3 =	vld.idx.msk [tilespmem:v2+s22+$0x0], $0xffff;
	_ =	sdelay $0x1  }
0x170: {  	s5 =	sand.u32 $0x3F00, s29  }
0x171: {  	s6 =	sand.u32 $0x60, s26;
	s5 =	sor.u32 $0x8000, s5  }
0x172: {  	s6 =	sor.u32 s6, s5  }
0x173: {  	[tilespmem:s6+$0x0] =	vst v3  }
0x174: {  	v2 =	vld.idx.msk [tilespmem:v2+s23+$0x0], $0xffff;
	_ =	sdelay $0x4  }
0x175: {  	[tilespmem:s6+$0x80] =	vst v2  }
0x176: {  	v2 =	vld [tilespmem:s31+$0x0]  }
0x177: {  	v3 =	vld [tilespmem:s4+$0x0];
	_ =	sdelay $0x3  }
0x178: {  	v2 =	vshll.u32 v2, $0x5  }
0x179: {  	v2 =	vadd.s32 v3, v2;
	_ =	sdelay $0x4  }
0x17a: {  	v3 =	vld.idx.msk [tilespmem:v2+s22+$0x0], $0xffff;
	_ =	sdelay $0x1  }
0x17b: {  	s6 =	sadd.s32 $0x10, s26  }
0x17c: {  	s6 =	sand.u32 $0x70, s6  }
0x17d: {  	s5 =	sor.u32 s6, s5  }
0x17e: {  	[tilespmem:s5+$0x0] =	vst v3  }
0x17f: {  	p0 =	sne.s32 s26, $0x1FE0;
	v2 =	vld.idx.msk [tilespmem:v2+s23+$0x0], $0xffff  }
.Ltmp1:
0x180: {  	_ = 	snop;
	(pc) =	sbr.rel @p0 .LBB2_4-.Ltmp1, $3  }
0x181: {  	_ =	sdelay $0x1  }
0x182: {  	s29 =	sadd.s32 $0x40, s29  }
0x183: {  	s26 =	sadd.s32 $0x20, s26;
	s31 =	sadd.s32 $0x20, s31;
	s4 =	sadd.s32 $0x20, s4;
	[tilespmem:s5+$0x80] =	vst v2  }
0x184: {  	s4 =	simm.s32 $0xA000  }
0x185: {  	[hbm4b:s16+s2] =	stream.linear.scatter [tilespmem:s4], [sflag:$0x5], $0x2000, $0x38;
	[tilespmem:$0x10500] =	vst v63  }
0x186: {  	_ =	swait.ge [sflag:s28], $0x1000  }
0x187: {  	[sflag:s28] =	ssyncset.done $0x0  }
0x188: {  	[sflag:s28] =	ssyncadd.s32 $0xFFFFF000  }
0x189: {  	_ =	swait.ge [sflag:s28], $0x1000  }
0x18a: {  	s26 =	simm.s32 $0x2000;
	s29 =	simm.s32 $0x4000;
	[sflag:s28] =	ssyncset.done $0x0  }
0x18b: {  	s31 =	simm.s32 $0x2010;
	s4 =	simm.s32 $0x6010;
	[sflag:s28] =	ssyncadd.s32 $0xFFFFF000  }
.LBB2_6:
0x18c: {  	v2 =	vld [tilespmem:s31+$0xFFFFFFF0]  }
0x18d: {  	v3 =	vld [tilespmem:s4+$0xFFFFFFF0];
	_ =	sdelay $0x3  }
0x18e: {  	v2 =	vshll.u32 v2, $0x5  }
0x18f: {  	v2 =	vadd.s32 v3, v2;
	_ =	sdelay $0x4  }
0x190: {  	v3 =	vld.idx.msk [tilespmem:v2+s22+$0x0], $0xffff;
	_ =	sdelay $0x1  }
0x191: {  	s5 =	sand.u32 $0x7F00, s29  }
0x192: {  	s6 =	sand.u32 $0x60, s26;
	s5 =	sor.u32 $0x8000, s5  }
0x193: {  	s6 =	sor.u32 s6, s5  }
0x194: {  	[tilespmem:s6+$0x0] =	vst v3  }
0x195: {  	v2 =	vld.idx.msk [tilespmem:v2+s23+$0x0], $0xffff;
	_ =	sdelay $0x4  }
0x196: {  	[tilespmem:s6+$0x80] =	vst v2  }
0x197: {  	v2 =	vld [tilespmem:s31+$0x0]  }
0x198: {  	v3 =	vld [tilespmem:s4+$0x0];
	_ =	sdelay $0x3  }
0x199: {  	v2 =	vshll.u32 v2, $0x5  }
0x19a: {  	v2 =	vadd.s32 v3, v2;
	_ =	sdelay $0x4  }
0x19b: {  	v3 =	vld.idx.msk [tilespmem:v2+s22+$0x0], $0xffff;
	_ =	sdelay $0x1  }
0x19c: {  	s6 =	sadd.s32 $0x10, s26  }
0x19d: {  	s6 =	sand.u32 $0x70, s6  }
0x19e: {  	s5 =	sor.u32 s6, s5  }
0x19f: {  	[tilespmem:s5+$0x0] =	vst v3  }
0x1a0: {  	p0 =	sne.s32 s26, $0x2FE0;
	v2 =	vld.idx.msk [tilespmem:v2+s23+$0x0], $0xffff  }
.Ltmp2:
0x1a1: {  	_ = 	snop;
	(pc) =	sbr.rel @p0 .LBB2_6-.Ltmp2, $3  }
0x1a2: {  	_ =	sdelay $0x1  }
0x1a3: {  	s29 =	sadd.s32 $0x40, s29  }
0x1a4: {  	s26 =	sadd.s32 $0x20, s26;
	s31 =	sadd.s32 $0x20, s31;
	s4 =	sadd.s32 $0x20, s4;
	[tilespmem:s5+$0x80] =	vst v2  }
0x1a5: {  	s4 =	simm.s32 $0xC000  }
0x1a6: {  	[hbm4b:s17+s2] =	stream.linear.scatter [tilespmem:s4], [sflag:$0x5], $0x2000, $0x38;
	[tilespmem:$0x10500] =	vst v63  }
0x1a7: {  	_ =	swait.ge [sflag:s30], $0x1000  }
0x1a8: {  	[sflag:s30] =	ssyncset.done $0x0  }
0x1a9: {  	[sflag:s30] =	ssyncadd.s32 $0xFFFFF000  }
0x1aa: {  	_ =	swait.ge [sflag:s30], $0x1000  }
0x1ab: {  	s26 =	simm.s32 $0x3000;
	s29 =	simm.s32 $0x6000;
	[sflag:s30] =	ssyncset.done $0x0  }
0x1ac: {  	s31 =	simm.s32 $0x3010;
	s4 =	simm.s32 $0x7010;
	[sflag:s30] =	ssyncadd.s32 $0xFFFFF000  }
.LBB2_8:
0x1ad: {  	v2 =	vld [tilespmem:s31+$0xFFFFFFF0]  }
0x1ae: {  	v3 =	vld [tilespmem:s4+$0xFFFFFFF0];
	_ =	sdelay $0x3  }
0x1af: {  	v2 =	vshll.u32 v2, $0x5  }
0x1b0: {  	v2 =	vadd.s32 v3, v2;
	_ =	sdelay $0x4  }
0x1b1: {  	v3 =	vld.idx.msk [tilespmem:v2+s22+$0x0], $0xffff;
	_ =	sdelay $0x1  }
0x1b2: {  	s5 =	sand.u32 $0x7F00, s29  }
0x1b3: {  	s6 =	sand.u32 $0x60, s26;
	s5 =	sor.u32 $0x8000, s5  }
0x1b4: {  	s6 =	sor.u32 s6, s5  }
0x1b5: {  	[tilespmem:s6+$0x0] =	vst v3  }
0x1b6: {  	v2 =	vld.idx.msk [tilespmem:v2+s23+$0x0], $0xffff;
	_ =	sdelay $0x4  }
0x1b7: {  	[tilespmem:s6+$0x80] =	vst v2  }
0x1b8: {  	v2 =	vld [tilespmem:s31+$0x0]  }
0x1b9: {  	v3 =	vld [tilespmem:s4+$0x0];
	_ =	sdelay $0x3  }
0x1ba: {  	v2 =	vshll.u32 v2, $0x5  }
0x1bb: {  	v2 =	vadd.s32 v3, v2;
	_ =	sdelay $0x4  }
0x1bc: {  	v3 =	vld.idx.msk [tilespmem:v2+s22+$0x0], $0xffff;
	_ =	sdelay $0x1  }
0x1bd: {  	s6 =	sadd.s32 $0x10, s26  }
0x1be: {  	s6 =	sand.u32 $0x70, s6  }
0x1bf: {  	s5 =	sor.u32 s6, s5  }
0x1c0: {  	[tilespmem:s5+$0x0] =	vst v3  }
0x1c1: {  	p0 =	sne.s32 s26, $0x3FE0;
	v2 =	vld.idx.msk [tilespmem:v2+s23+$0x0], $0xffff  }
.Ltmp3:
0x1c2: {  	_ = 	snop;
	(pc) =	sbr.rel @p0 .LBB2_8-.Ltmp3, $3  }
0x1c3: {  	_ =	sdelay $0x1  }
0x1c4: {  	s29 =	sadd.s32 $0x40, s29  }
0x1c5: {  	s26 =	sadd.s32 $0x20, s26;
	s31 =	sadd.s32 $0x20, s31;
	s4 =	sadd.s32 $0x20, s4;
	[tilespmem:s5+$0x80] =	vst v2  }
0x1c6: {  	s4 =	simm.s32 $0xE000  }
0x1c7: {  	[hbm4b:s18+s2] =	stream.linear.scatter [tilespmem:s4], [sflag:$0x5], $0x2000, $0x38;
	[tilespmem:$0x10500] =	vst v63  }
0x1c8: {  	_ =	swait.ge [sflag:s3], $0x2000  }
0x1c9: {  	[sflag:s3] =	ssyncset.done $0x0  }
0x1ca: {  	[sflag:s3] =	ssyncadd.s32 $0xFFFFE000  }
0x1cb: {  	_ =	swait.ge [sflag:s3], $0x2000  }
0x1cc: {  	[sflag:s3] =	ssyncset.done $0x0  }
0x1cd: {  	s24 =	sadd.s32 $0x1, s24;
	[sflag:s3] =	ssyncadd.s32 $0xFFFFE000  }
0x1ce: {  	p0 =	sne.s32 s24, s19;
	_ =	swait.ge [sflag:s3], $0x2000  }
.Ltmp4:
0x1cf: {  	[sflag:s3] =	ssyncset.done $0x0;
	(pc) =	sbr.rel @p0 .LBB2_1-.Ltmp4, $4  }
0x1d0: {  	[sflag:s3] =	ssyncadd.s32 $0xFFFFE000  }
0x1d1: {  	_ =	swait.ge [sflag:s3], $0x2000  }
0x1d2: {  	[sflag:s3] =	ssyncset.done $0x0  }
0x1d3: {  	[sflag:s3] =	ssyncadd.s32 $0xFFFFE000  }
0x1d4: {  	_ =	sfence.sel $0x180000  }
0x1d5: {  	[bflag:$0x0] =	sbarrier.arrive $0xFFFF  }
0x1d6: {  	_ =	strace $0x90000047  }
0x1d7: {  	s0 =	stileid.u32;
	[bflag:$0x2] =	sbarrier.arrive $0xFFFF  }
0x1d8: {  	p0 =	sne.s32 s0, $0x0;
	s0 =	rddreg [dreg:$0x3]  }
0x1d9: {  	s0 =	sadd.s32 @!p0 $0x100000, s0  }
0x1da: {  	[sflag:s0] =	ssyncadd.tile.s32 @!p0 $0x1;
	_ =	shalt  }
.Lfunc_end2:
_tile_overlayer_lowered:
.L_overlay_start_2:
0x1db: {  	(tag) =	ssettag $0x2  }
0x1dc: {  	s0 =	rddreg [dreg:$0x0];
	s2 =	stileid.u32  }
0x1dd: {  	s1 =	rddreg [dreg:$0x1];
	p0 =	sne.s32 s2, $0x0  }
0x1de: {  	s3 =	rddreg [dreg:$0x2];
	[bflag:$0x3] =	sbarrier.arrive $0xFFFF;
	s2 =	simm.s32 @!p0 $0x1C07  }
0x1df: {  	[timem:s3], [sflag:s2] =	dma.local @!p0 [hbm:s0], s1  }
0x1e0: {  	s0 =	simm.s32 @!p0 $0x7  }
0x1e1: {  	_ =	swait.ge @!p0 [sflag:s0], s1  }
0x1e2: {  	s1 =	ssub.s32 @!p0 $0x0, s1;
	[sflag:s0] =	ssyncset.done @!p0 $0x0  }
0x1e3: {  	[sflag:s0] =	ssyncadd.s32 @!p0 s1  }
0x1e4: {  	[bflag:$0x3] =	sbarrier.arrive $0xFFFF  }
0x1e5: {  	_ =	shalt  }

</sc_bundles>
